<compile_context>
chip_gen: v7x
topology: tpu7x:2x2x1
jax: 0.10.2.dev20260603
libtpu: 0.0.44.dev20260713+nightly
codegen_flags: <defaults>
</compile_context>

<pallas_src>
import functools

import jax
import jax.numpy as jnp
from jax import lax
from jax.experimental import pallas as pl
from jax.experimental.pallas import tpu as pltpu
from jax.experimental.pallas import tpu_sc as plsc

N_NODES = 10000
F = 128
N_EDGES = 320000

NC = 2
NS = 16
NW = NC * NS
K = 128
CPW = 80
E_PAD = NW * CPW * K
PAD_DST_ROWS = 240

ACC_ROWS = 10240
ZPT = ACC_ROWS // NS
CNT_PAD = 10240
CPT = CNT_PAD // NS


def _agg_body(with_cnt, *refs):
    if with_cnt:
        (x_hbm, src_hbm, dst_hbm, out_hbm, cnt_hbm,
         acc_sh, cnt_sh, zflat, src1d, dstv0, dstv1, rows,
         onesv, gsem0, gsem1, dsem0, dsem1) = refs
    else:
        (x_hbm, src_hbm, dst_hbm, out_hbm,
         acc_sh, src1d, dstv0, dstv1, rows, gsem0, gsem1, dsem0,
         dsem1) = refs

    c = lax.axis_index("c")
    s = lax.axis_index("s")
    wid = c * NS + s
    ebase = wid * CPW * K

    pltpu.sync_copy(src_hbm.at[pl.ds(ebase, CPW * K)], src1d)

    zero16 = jnp.zeros((16,), jnp.float32)

    def _zrow(i, carry):
        for jj in range(8):
            rows[0, i, pl.ds(jj * 16, 16)] = zero16
        return carry

    lax.fori_loop(0, K, _zrow, 0)

    for b in range(ZPT // K):
        pltpu.sync_copy(rows.at[0],
                        acc_sh.at[pl.ds(s * ZPT + b * K, K)])

    if with_cnt:
        def _zflat(i, carry):
            zflat[pl.ds(i * 16, 16)] = zero16
            return carry

        lax.fori_loop(0, CPT // 16, _zflat, 0)
        pltpu.sync_copy(zflat, cnt_sh.at[pl.ds(s * CPT, CPT)])
        one16 = jnp.ones((16,), jnp.float32)
        for jj in range(K // 16):
            onesv[pl.ds(jj * 16, 16)] = one16

    def _start(j, b, dref, gsem, dsem):
        pltpu.async_copy(dst_hbm.at[pl.ds(ebase + j * K, K)], dref, dsem)
        pltpu.async_copy(x_hbm.at[src1d.at[pl.ds(j * K, K)]], rows.at[b],
                         gsem)

    _start(0, 0, dstv0, gsem0, dsem0)
    _start(1, 1, dstv1, gsem1, dsem1)

    plsc.subcore_barrier()

    def _do(jd, b, dref, gsem, dsem):
        pltpu.make_async_copy(dst_hbm.at[pl.ds(ebase + jd * K, K)], dref,
                              dsem).wait()
        pltpu.make_async_copy(x_hbm.at[src1d.at[pl.ds(jd * K, K)]],
                              rows.at[b], gsem).wait()
        pltpu.sync_copy(rows.at[b], acc_sh.at[dref], add=True)
        if with_cnt:
            pltpu.sync_copy(onesv, cnt_sh.at[dref], add=True)

    def _pair(i, carry):
        j0 = i * 2
        _do(j0, 0, dstv0, gsem0, dsem0)

        @pl.when(j0 + 2 < CPW)
        def _n0():
            _start(j0 + 2, 0, dstv0, gsem0, dsem0)

        _do(j0 + 1, 1, dstv1, gsem1, dsem1)

        @pl.when(j0 + 3 < CPW)
        def _n1():
            _start(j0 + 3, 1, dstv1, gsem1, dsem1)

        return carry

    lax.fori_loop(0, CPW // 2, _pair, 0)

    plsc.subcore_barrier()

    obase = c * N_NODES + s * ZPT

    @pl.when(s < NS - 1)
    def _copy_full():
        for b in range(ZPT // 128):
            pltpu.sync_copy(acc_sh.at[pl.ds(s * ZPT + b * 128, 128)],
                            out_hbm.at[pl.ds(obase + b * 128, 128)])

    @pl.when(s == NS - 1)
    def _copy_last():
        rem = N_NODES - (NS - 1) * ZPT
        for b in range(rem // 128):
            pltpu.sync_copy(acc_sh.at[pl.ds(s * ZPT + b * 128, 128)],
                            out_hbm.at[pl.ds(obase + b * 128, 128)])
        r = rem - (rem // 128) * 128
        if r:
            pltpu.sync_copy(
                acc_sh.at[pl.ds(s * ZPT + (rem // 128) * 128, r)],
                out_hbm.at[pl.ds(obase + (rem // 128) * 128, r)])
    if with_cnt:
        pltpu.sync_copy(cnt_sh.at[pl.ds(s * CPT, CPT)],
                        cnt_hbm.at[pl.ds(c * CNT_PAD + s * CPT, CPT)])


def _make_agg(with_cnt):
    mesh = plsc.VectorSubcoreMesh(core_axis_name="c", subcore_axis_name="s",
                                  num_cores=NC, num_subcores=NS)
    out_type = [jax.ShapeDtypeStruct((2 * N_NODES, F), jnp.float32)]
    scratch = [
        pltpu.VMEM_SHARED((ACC_ROWS, F), jnp.float32),
    ]
    if with_cnt:
        out_type.append(jax.ShapeDtypeStruct((2 * CNT_PAD,), jnp.float32))
        scratch.append(pltpu.VMEM_SHARED((CNT_PAD,), jnp.float32))
    if with_cnt:
        scratch.append(pltpu.VMEM((CPT,), jnp.float32))
    scratch += [
        pltpu.VMEM((CPW * K,), jnp.int32),
        pltpu.VMEM((K,), jnp.int32),
        pltpu.VMEM((K,), jnp.int32),
        pltpu.VMEM((2, K, F), jnp.float32),
    ]
    if with_cnt:
        scratch.append(pltpu.VMEM((K,), jnp.float32))
    scratch += [pltpu.SemaphoreType.DMA] * 4
    return pl.kernel(functools.partial(_agg_body, with_cnt),
                     out_type=tuple(out_type) if with_cnt else out_type[0],
                     mesh=mesh, scratch_types=scratch)


B = 5000
GRID = N_NODES // B


def _combine_body(mode, parts_ref, cnt_ref, x_ref, wl_ref, bl_ref, wr_ref,
                  o_ref):
    ssum = parts_ref[0] + parts_ref[1]
    cnt = cnt_ref[0] + cnt_ref[1]
    mean = ssum / jnp.maximum(cnt, 1.0)
    out = lax.dot_general(mean, wl_ref[...], (((1,), (1,)), ((), ())),
                          preferred_element_type=jnp.float32)
    out = out + bl_ref[...]
    out = out + lax.dot_general(x_ref[...], wr_ref[...],
                                (((1,), (1,)), ((), ())),
                                preferred_element_type=jnp.float32)
    nrm = jnp.sqrt(jnp.sum(out * out, axis=1, keepdims=True))
    out = out / jnp.maximum(nrm, 1e-12)
    if mode == 1:
        out = jnp.maximum(out, 0.0)
    else:
        m = jnp.max(out, axis=1, keepdims=True)
        sh = out - m
        out = sh - jnp.log(jnp.sum(jnp.exp(sh), axis=1, keepdims=True))
    o_ref[...] = out


def _combine(parts, cnt, x, w_l, b_l, w_r, mode, interpret=False):
    return pl.pallas_call(
        functools.partial(_combine_body, mode),
        grid=(GRID,),
        in_specs=[
            pl.BlockSpec((2, B, F), lambda i: (0, i, 0)),
            pl.BlockSpec((2, B, 1), lambda i: (0, i, 0)),
            pl.BlockSpec((B, F), lambda i: (i, 0)),
            pl.BlockSpec((F, F), lambda i: (0, 0)),
            pl.BlockSpec((1, F), lambda i: (0, 0)),
            pl.BlockSpec((F, F), lambda i: (0, 0)),
        ],
        out_specs=pl.BlockSpec((B, F), lambda i: (i, 0)),
        out_shape=jax.ShapeDtypeStruct((N_NODES, F), jnp.float32),
        interpret=interpret,
    )(parts, cnt, x, w_l, b_l, w_r)


@functools.lru_cache(maxsize=None)
def _get_agg(with_cnt):
    return _make_agg(with_cnt)


def kernel(x, edge_index, W1_l, b1_l, W1_r, W2_l, b2_l, W2_r):
    _agg_cnt = _get_agg(True)
    _agg = _get_agg(False)
    src = edge_index[0].astype(jnp.int32)
    dst = edge_index[1].astype(jnp.int32)

    pad = E_PAD - N_EDGES
    ar = jnp.arange(pad, dtype=jnp.int32)
    src_p = jnp.concatenate([src, ar % N_NODES])
    dst_p = jnp.concatenate([dst, N_NODES + ar % PAD_DST_ROWS])

    parts1, cnt_flat = _agg_cnt(x, src_p, dst_p)
    cnt = cnt_flat.reshape(2, CNT_PAD)[:, :N_NODES].reshape(2, N_NODES, 1)
    p1 = parts1.reshape(2, N_NODES, F)
    h = _combine(p1, cnt, x, W1_l, b1_l.reshape(1, F), W1_r, mode=1)

    parts2 = _agg(h, src_p, dst_p)
    p2 = parts2.reshape(2, N_NODES, F)
    return _combine(p2, cnt, h, W2_l, b2_l.reshape(1, F), W2_r, mode=2)

# --- scband reference (transcript-rebuilt; emitter-appended) ---
"""Pipeline reference for scband-graph-sage-75479755259981 (READ-ONLY COPY).

The authoritative reference and input builder live on the scoring server;
editing this copy changes nothing except your own understanding.
"""

import jax, jax.numpy as jnp
import numpy as np

N_NODES = 10000
N_EDGES = 320000
IN_FEATS = 128
H_FEATS = 128
OUT_FEATS = 128


def _glorot(key, shape):
    fan_in, fan_out = shape[1], shape[0]
    lim = (6.0 / (fan_in + fan_out)) ** 0.5
    return jax.random.uniform(key, shape, dtype=jnp.float32, minval=-lim, maxval=lim)


def setup_inputs(seed: int = 0) -> dict:
    key = jax.random.key(seed)
    ks = jax.random.split(key, 8)
    x = jax.random.normal(ks[0], (N_NODES, IN_FEATS), dtype=jnp.float32)
    edge_index = jax.random.randint(ks[1], (2, N_EDGES), 0, N_NODES, dtype=jnp.int64)
    # SAGEConv layer 1 params: lin_l (neighbor agg, with bias), lin_r (root)
    W1_l = _glorot(ks[2], (H_FEATS, IN_FEATS))
    b1_l = jnp.zeros((H_FEATS,), dtype=jnp.float32)
    W1_r = _glorot(ks[3], (H_FEATS, IN_FEATS))
    # SAGEConv layer 2 params
    W2_l = _glorot(ks[4], (OUT_FEATS, H_FEATS))
    b2_l = jnp.zeros((OUT_FEATS,), dtype=jnp.float32)
    W2_r = _glorot(ks[5], (OUT_FEATS, H_FEATS))
    return {"x": x, "edge_index": edge_index, "W1_l": W1_l, "b1_l": b1_l, "W1_r": W1_r, "W2_l": W2_l, "b2_l": b2_l, "W2_r": W2_r}


def _sage_conv(x, src, dst, W_l, b_l, W_r, num_nodes):
    # mean aggregation of neighbor features (flow: source_to_target)
    msg = jnp.take(x, src, axis=0)
    summed = jax.ops.segment_sum(msg, dst, num_segments=num_nodes)
    cnt = jax.ops.segment_sum(jnp.ones((src.shape[0], 1), dtype=x.dtype), dst, num_segments=num_nodes)
    mean = summed / jnp.clip(cnt, 1.0)
    out = mean @ W_l.T + b_l + x @ W_r.T
    # normalize=True -> L2 normalize along feature dim
    norm = jnp.linalg.norm(out, axis=-1, keepdims=True)
    out = out / jnp.clip(norm, 1e-12)
    return out


def reference(x, edge_index, W1_l, b1_l, W1_r, W2_l, b2_l, W2_r):
    src = edge_index[0]
    dst = edge_index[1]
    # dropout p=0.6 is identity in eval mode
    h = _sage_conv(x, src, dst, W1_l, b1_l, W1_r, N_NODES)
    h = jax.nn.relu(h)
    h = _sage_conv(h, src, dst, W2_l, b2_l, W2_r, N_NODES)
    return jax.nn.log_softmax(h, axis=1)

if __name__ == "__main__":
    import jax
    _d = setup_inputs()
    print(jax.jit(kernel)(*tuple(_d.values())))

</pallas_src>

<mosaic_0001>
#map = affine_map<(d0, d1) -> (0, 0)>
#map1 = affine_map<(d0, d1) -> (0)>
module attributes {stable_mosaic.version = 14 : i64} {
  func.func @_agg_body(%arg0: i32, %arg1: i32, %arg2: memref<10000x128xf32, #tpu.memory_space<hbm>>, %arg3: memref<327680xi32, #tpu.memory_space<hbm>>, %arg4: memref<327680xi32, #tpu.memory_space<hbm>>, %arg5: memref<20000x128xf32, #tpu.memory_space<hbm>>, %arg6: memref<20480xf32, #tpu.memory_space<hbm>>, %arg7: memref<10240x128xf32, #tpu.memory_space<vmem_shared>>, %arg8: memref<10240xf32, #tpu.memory_space<vmem_shared>>, %arg9: memref<640xf32, #tpu.memory_space<vmem>>, %arg10: memref<10240xi32, #tpu.memory_space<vmem>>, %arg11: memref<128xi32, #tpu.memory_space<vmem>>, %arg12: memref<128xi32, #tpu.memory_space<vmem>>, %arg13: memref<2x128x128xf32, #tpu.memory_space<vmem>>, %arg14: memref<128xf32, #tpu.memory_space<vmem>>, %arg15: memref<!tpu.dma_semaphore, #tpu.memory_space<semaphore_mem>>, %arg16: memref<!tpu.dma_semaphore, #tpu.memory_space<semaphore_mem>>, %arg17: memref<!tpu.dma_semaphore, #tpu.memory_space<semaphore_mem>>, %arg18: memref<!tpu.dma_semaphore, #tpu.memory_space<semaphore_mem>>) attributes {dimension_semantics = [#tpu.dimension_semantics<core_parallel>, #tpu.dimension_semantics<subcore_parallel>], iteration_bounds = array<i64: 2, 16>, scalar_prefetch = 0 : i64, scratch_operands = 12 : i64, tpu.core_type = #tpu.core_type<sc_vector_subcore>, window_params = [{transform_indices = #map}, {transform_indices = #map1}, {transform_indices = #map1}, {transform_indices = #map}, {transform_indices = #map1}]} {
    %mul3A = arith.constant 16 : i32
    %mul3A_0 = arith.muli %arg0, %mul3A : i32
    %add3A = arith.addi %mul3A_0, %arg1 : i32
    %mul3A_1 = arith.constant 80 : i32
    %mul3A_2 = arith.muli %add3A, %mul3A_1 : i32
    %mul3A_3 = arith.constant 128 : i32
    %mul3A_4 = arith.muli %mul3A_2, %mul3A_3 : i32
    "tpu.region"() ({
      %run_scoped3A_128 = tpu.sem_alloc : memref<!tpu.dma_semaphore, #tpu.memory_space<semaphore_mem>>
      %dma_start3A_129 = tpu.memref_slice %arg3[%mul3A_4] : memref<327680xi32, #tpu.memory_space<hbm>> -> memref<10240xi32, #tpu.memory_space<hbm>>
      %dma_start3A_130 = tpu.memref_slice %arg3[%mul3A_4] : memref<327680xi32, #tpu.memory_space<hbm>> -> memref<10240xi32, #tpu.memory_space<hbm>>
      tpu.enqueue_dma source(%dma_start3A_130 : memref<10240xi32, #tpu.memory_space<hbm>>) target(%arg10 : memref<10240xi32, #tpu.memory_space<vmem>>) target_semaphore(%run_scoped3A_128 : memref<!tpu.dma_semaphore, #tpu.memory_space<semaphore_mem>>)
      %dma_wait3A = tpu.memref_slice %arg3[%mul3A_4] : memref<327680xi32, #tpu.memory_space<hbm>> -> memref<10240xi32, #tpu.memory_space<hbm>>
      %dma_wait3A_131 = tpu.memref_slice %arg3[%mul3A_4] : memref<327680xi32, #tpu.memory_space<hbm>> -> memref<10240xi32, #tpu.memory_space<hbm>>
      tpu.wait_dma2 semaphore(%run_scoped3A_128 : memref<!tpu.dma_semaphore, #tpu.memory_space<semaphore_mem>>) src(%dma_wait3A_131 : memref<10240xi32, #tpu.memory_space<hbm>>) dst(%arg10 : memref<10240xi32, #tpu.memory_space<vmem>>)
      tpu.yield
    }) : () -> ()
    %broadcast_in_dim3A = arith.constant 0.000000e+00 : f32
    %broadcast_in_dim3A_5 = vector.broadcast %broadcast_in_dim3A : f32 to vector<16xf32>
    %scan3A = arith.constant 0 : i32
    %scan3A_6 = arith.constant 0 : i32
    %scan3A_7 = arith.constant 128 : i32
    %scan3A_8 = arith.addi %scan3A_6, %scan3A_7 : i32
    %scan3A_9 = arith.constant 1 : i32
    scf.for %scan3A_128 = %scan3A_6 to %scan3A_8 step %scan3A_9  : i32 {
      %swap3A_129 = arith.constant 0 : i32
      %swap3A_130 = arith.index_cast %swap3A_129 : i32 to index
      %swap3A_131 = arith.index_cast %scan3A_128 : i32 to index
      %swap3A_132 = arith.constant 0 : index
      %swap3A_133 = tpu.vector_load %arg13[%swap3A_130, %swap3A_131, %swap3A_132] {strides = array<i32>} : memref<2x128x128xf32, #tpu.memory_space<vmem>>, vector<1x1x16xf32>,
      %swap3A_134 = vector.shape_cast %swap3A_133 : vector<1x1x16xf32> to vector<16xf32>
      %swap3A_135 = vector.shape_cast %broadcast_in_dim3A_5 : vector<16xf32> to vector<1x1x16xf32>
      tpu.vector_store %arg13[%swap3A_130, %swap3A_131, %swap3A_132], %swap3A_135 {strides = array<i32>} : memref<2x128x128xf32, #tpu.memory_space<vmem>>, vector<1x1x16xf32>,
      %swap3A_136 = arith.constant 0 : i32
      %swap3A_137 = arith.index_cast %swap3A_136 : i32 to index
      %swap3A_138 = arith.index_cast %scan3A_128 : i32 to index
      %swap3A_139 = arith.constant 16 : index
      %swap3A_140 = tpu.vector_load %arg13[%swap3A_137, %swap3A_138, %swap3A_139] {strides = array<i32>} : memref<2x128x128xf32, #tpu.memory_space<vmem>>, vector<1x1x16xf32>,
      %swap3A_141 = vector.shape_cast %swap3A_140 : vector<1x1x16xf32> to vector<16xf32>
      %swap3A_142 = vector.shape_cast %broadcast_in_dim3A_5 : vector<16xf32> to vector<1x1x16xf32>
      tpu.vector_store %arg13[%swap3A_137, %swap3A_138, %swap3A_139], %swap3A_142 {strides = array<i32>} : memref<2x128x128xf32, #tpu.memory_space<vmem>>, vector<1x1x16xf32>,
      %swap3A_143 = arith.constant 0 : i32
      %swap3A_144 = arith.index_cast %swap3A_143 : i32 to index
      %swap3A_145 = arith.index_cast %scan3A_128 : i32 to index
      %swap3A_146 = arith.constant 32 : index
      %swap3A_147 = tpu.vector_load %arg13[%swap3A_144, %swap3A_145, %swap3A_146] {strides = array<i32>} : memref<2x128x128xf32, #tpu.memory_space<vmem>>, vector<1x1x16xf32>,
      %swap3A_148 = vector.shape_cast %swap3A_147 : vector<1x1x16xf32> to vector<16xf32>
      %swap3A_149 = vector.shape_cast %broadcast_in_dim3A_5 : vector<16xf32> to vector<1x1x16xf32>
      tpu.vector_store %arg13[%swap3A_144, %swap3A_145, %swap3A_146], %swap3A_149 {strides = array<i32>} : memref<2x128x128xf32, #tpu.memory_space<vmem>>, vector<1x1x16xf32>,
      %swap3A_150 = arith.constant 0 : i32
      %swap3A_151 = arith.index_cast %swap3A_150 : i32 to index
      %swap3A_152 = arith.index_cast %scan3A_128 : i32 to index
      %swap3A_153 = arith.constant 48 : index
      %swap3A_154 = tpu.vector_load %arg13[%swap3A_151, %swap3A_152, %swap3A_153] {strides = array<i32>} : memref<2x128x128xf32, #tpu.memory_space<vmem>>, vector<1x1x16xf32>,
      %swap3A_155 = vector.shape_cast %swap3A_154 : vector<1x1x16xf32> to vector<16xf32>
      %swap3A_156 = vector.shape_cast %broadcast_in_dim3A_5 : vector<16xf32> to vector<1x1x16xf32>
      tpu.vector_store %arg13[%swap3A_151, %swap3A_152, %swap3A_153], %swap3A_156 {strides = array<i32>} : memref<2x128x128xf32, #tpu.memory_space<vmem>>, vector<1x1x16xf32>,
      %swap3A_157 = arith.constant 0 : i32
      %swap3A_158 = arith.index_cast %swap3A_157 : i32 to index
      %swap3A_159 = arith.index_cast %scan3A_128 : i32 to index
      %swap3A_160 = arith.constant 64 : index
      %swap3A_161 = tpu.vector_load %arg13[%swap3A_158, %swap3A_159, %swap3A_160] {strides = array<i32>} : memref<2x128x128xf32, #tpu.memory_space<vmem>>, vector<1x1x16xf32>,
      %swap3A_162 = vector.shape_cast %swap3A_161 : vector<1x1x16xf32> to vector<16xf32>
      %swap3A_163 = vector.shape_cast %broadcast_in_dim3A_5 : vector<16xf32> to vector<1x1x16xf32>
      tpu.vector_store %arg13[%swap3A_158, %swap3A_159, %swap3A_160], %swap3A_163 {strides = array<i32>} : memref<2x128x128xf32, #tpu.memory_space<vmem>>, vector<1x1x16xf32>,
      %swap3A_164 = arith.constant 0 : i32
      %swap3A_165 = arith.index_cast %swap3A_164 : i32 to index
      %swap3A_166 = arith.index_cast %scan3A_128 : i32 to index
      %swap3A_167 = arith.constant 80 : index
      %swap3A_168 = tpu.vector_load %arg13[%swap3A_165, %swap3A_166, %swap3A_167] {strides = array<i32>} : memref<2x128x128xf32, #tpu.memory_space<vmem>>, vector<1x1x16xf32>,
      %swap3A_169 = vector.shape_cast %swap3A_168 : vector<1x1x16xf32> to vector<16xf32>
      %swap3A_170 = vector.shape_cast %broadcast_in_dim3A_5 : vector<16xf32> to vector<1x1x16xf32>
      tpu.vector_store %arg13[%swap3A_165, %swap3A_166, %swap3A_167], %swap3A_170 {strides = array<i32>} : memref<2x128x128xf32, #tpu.memory_space<vmem>>, vector<1x1x16xf32>,
      %swap3A_171 = arith.constant 0 : i32
      %swap3A_172 = arith.index_cast %swap3A_171 : i32 to index
      %swap3A_173 = arith.index_cast %scan3A_128 : i32 to index
      %swap3A_174 = arith.constant 96 : index
      %swap3A_175 = tpu.vector_load %arg13[%swap3A_172, %swap3A_173, %swap3A_174] {strides = array<i32>} : memref<2x128x128xf32, #tpu.memory_space<vmem>>, vector<1x1x16xf32>,
      %swap3A_176 = vector.shape_cast %swap3A_175 : vector<1x1x16xf32> to vector<16xf32>
      %swap3A_177 = vector.shape_cast %broadcast_in_dim3A_5 : vector<16xf32> to vector<1x1x16xf32>
      tpu.vector_store %arg13[%swap3A_172, %swap3A_173, %swap3A_174], %swap3A_177 {strides = array<i32>} : memref<2x128x128xf32, #tpu.memory_space<vmem>>, vector<1x1x16xf32>,
      %swap3A_178 = arith.constant 0 : i32
      %swap3A_179 = arith.index_cast %swap3A_178 : i32 to index
      %swap3A_180 = arith.index_cast %scan3A_128 : i32 to index
      %swap3A_181 = arith.constant 112 : index
      %swap3A_182 = tpu.vector_load %arg13[%swap3A_179, %swap3A_180, %swap3A_181] {strides = array<i32>} : memref<2x128x128xf32, #tpu.memory_space<vmem>>, vector<1x1x16xf32>,
      %swap3A_183 = vector.shape_cast %swap3A_182 : vector<1x1x16xf32> to vector<16xf32>
      %swap3A_184 = vector.shape_cast %broadcast_in_dim3A_5 : vector<16xf32> to vector<1x1x16xf32>
      tpu.vector_store %arg13[%swap3A_179, %swap3A_180, %swap3A_181], %swap3A_184 {strides = array<i32>} : memref<2x128x128xf32, #tpu.memory_space<vmem>>, vector<1x1x16xf32>,
    }
    %scan3A_10 = arith.constant 128 : i32
    %mul3A_11 = arith.constant 640 : i32
    %mul3A_12 = arith.muli %arg1, %mul3A_11 : i32
    %add3A_13 = arith.constant 0 : i32
    %add3A_14 = arith.addi %mul3A_12, %add3A_13 : i32
    %run_scoped3A = arith.constant 0 : i32
    "tpu.region"() ({
      %run_scoped3A_128 = tpu.sem_alloc : memref<!tpu.dma_semaphore, #tpu.memory_space<semaphore_mem>>
      %dma_start3A_129 = arith.constant 0 : i32
      %dma_start3A_130 = arith.constant 0 : i32
      %dma_start3A_131 = tpu.memref_slice %arg13[%run_scoped3A, %dma_start3A_129, %dma_start3A_130] : memref<2x128x128xf32, #tpu.memory_space<vmem>> -> memref<1x128x128xf32, #tpu.memory_space<vmem>>
      %dma_start3A_132 = tpu.memref_squeeze %dma_start3A_131 : memref<1x128x128xf32, #tpu.memory_space<vmem>> -> memref<128x128xf32, #tpu.memory_space<vmem>>
      %dma_start3A_133 = arith.constant 0 : i32
      %dma_start3A_134 = tpu.memref_slice %arg7[%add3A_14, %dma_start3A_133] : memref<10240x128xf32, #tpu.memory_space<vmem_shared>> -> memref<128x128xf32, #tpu.memory_space<vmem_shared>>
      %dma_start3A_135 = arith.constant 0 : i32
      %dma_start3A_136 = tpu.memref_slice %arg7[%add3A_14, %dma_start3A_135] : memref<10240x128xf32, #tpu.memory_space<vmem_shared>> -> memref<128x128xf32, #tpu.memory_space<vmem_shared>>
      %dma_start3A_137 = arith.constant 0 : i32
      %dma_start3A_138 = arith.constant 0 : i32
      %dma_start3A_139 = tpu.memref_slice %arg13[%run_scoped3A, %dma_start3A_137, %dma_start3A_138] : memref<2x128x128xf32, #tpu.memory_space<vmem>> -> memref<1x128x128xf32, #tpu.memory_space<vmem>>
      %dma_start3A_140 = tpu.memref_squeeze %dma_start3A_139 : memref<1x128x128xf32, #tpu.memory_space<vmem>> -> memref<128x128xf32, #tpu.memory_space<vmem>>
      tpu.enqueue_dma source(%dma_start3A_140 : memref<128x128xf32, #tpu.memory_space<vmem>>) target(%dma_start3A_136 : memref<128x128xf32, #tpu.memory_space<vmem_shared>>) target_semaphore(%run_scoped3A_128 : memref<!tpu.dma_semaphore, #tpu.memory_space<semaphore_mem>>)
      %dma_wait3A = arith.constant 0 : i32
      %dma_wait3A_141 = arith.constant 0 : i32
      %dma_wait3A_142 = tpu.memref_slice %arg13[%run_scoped3A, %dma_wait3A, %dma_wait3A_141] : memref<2x128x128xf32, #tpu.memory_space<vmem>> -> memref<1x128x128xf32, #tpu.memory_space<vmem>>
      %dma_wait3A_143 = tpu.memref_squeeze %dma_wait3A_142 : memref<1x128x128xf32, #tpu.memory_space<vmem>> -> memref<128x128xf32, #tpu.memory_space<vmem>>
      %dma_wait3A_144 = arith.constant 0 : i32
      %dma_wait3A_145 = tpu.memref_slice %arg7[%add3A_14, %dma_wait3A_144] : memref<10240x128xf32, #tpu.memory_space<vmem_shared>> -> memref<128x128xf32, #tpu.memory_space<vmem_shared>>
      %dma_wait3A_146 = arith.constant 0 : i32
      %dma_wait3A_147 = tpu.memref_slice %arg7[%add3A_14, %dma_wait3A_146] : memref<10240x128xf32, #tpu.memory_space<vmem_shared>> -> memref<128x128xf32, #tpu.memory_space<vmem_shared>>
      %dma_wait3A_148 = arith.constant 0 : i32
      %dma_wait3A_149 = arith.constant 0 : i32
      %dma_wait3A_150 = tpu.memref_slice %arg13[%run_scoped3A, %dma_wait3A_148, %dma_wait3A_149] : memref<2x128x128xf32, #tpu.memory_space<vmem>> -> memref<1x128x128xf32, #tpu.memory_space<vmem>>
      %dma_wait3A_151 = tpu.memref_squeeze %dma_wait3A_150 : memref<1x128x128xf32, #tpu.memory_space<vmem>> -> memref<128x128xf32, #tpu.memory_space<vmem>>
      tpu.wait_dma2 semaphore(%run_scoped3A_128 : memref<!tpu.dma_semaphore, #tpu.memory_space<semaphore_mem>>) src(%dma_wait3A_151 : memref<128x128xf32, #tpu.memory_space<vmem>>) dst(%dma_wait3A_147 : memref<128x128xf32, #tpu.memory_space<vmem_shared>>)
      tpu.yield
    }) : () -> ()
    %mul3A_15 = arith.constant 640 : i32
    %mul3A_16 = arith.muli %arg1, %mul3A_15 : i32
    %add3A_17 = arith.constant 128 : i32
    %add3A_18 = arith.addi %mul3A_16, %add3A_17 : i32
    %run_scoped3A_19 = arith.constant 0 : i32
    "tpu.region"() ({
      %run_scoped3A_128 = tpu.sem_alloc : memref<!tpu.dma_semaphore, #tpu.memory_space<semaphore_mem>>
      %dma_start3A_129 = arith.constant 0 : i32
      %dma_start3A_130 = arith.constant 0 : i32
      %dma_start3A_131 = tpu.memref_slice %arg13[%run_scoped3A_19, %dma_start3A_129, %dma_start3A_130] : memref<2x128x128xf32, #tpu.memory_space<vmem>> -> memref<1x128x128xf32, #tpu.memory_space<vmem>>
      %dma_start3A_132 = tpu.memref_squeeze %dma_start3A_131 : memref<1x128x128xf32, #tpu.memory_space<vmem>> -> memref<128x128xf32, #tpu.memory_space<vmem>>
      %dma_start3A_133 = arith.constant 0 : i32
      %dma_start3A_134 = tpu.memref_slice %arg7[%add3A_18, %dma_start3A_133] : memref<10240x128xf32, #tpu.memory_space<vmem_shared>> -> memref<128x128xf32, #tpu.memory_space<vmem_shared>>
      %dma_start3A_135 = arith.constant 0 : i32
      %dma_start3A_136 = tpu.memref_slice %arg7[%add3A_18, %dma_start3A_135] : memref<10240x128xf32, #tpu.memory_space<vmem_shared>> -> memref<128x128xf32, #tpu.memory_space<vmem_shared>>
      %dma_start3A_137 = arith.constant 0 : i32
      %dma_start3A_138 = arith.constant 0 : i32
      %dma_start3A_139 = tpu.memref_slice %arg13[%run_scoped3A_19, %dma_start3A_137, %dma_start3A_138] : memref<2x128x128xf32, #tpu.memory_space<vmem>> -> memref<1x128x128xf32, #tpu.memory_space<vmem>>
      %dma_start3A_140 = tpu.memref_squeeze %dma_start3A_139 : memref<1x128x128xf32, #tpu.memory_space<vmem>> -> memref<128x128xf32, #tpu.memory_space<vmem>>
      tpu.enqueue_dma source(%dma_start3A_140 : memref<128x128xf32, #tpu.memory_space<vmem>>) target(%dma_start3A_136 : memref<128x128xf32, #tpu.memory_space<vmem_shared>>) target_semaphore(%run_scoped3A_128 : memref<!tpu.dma_semaphore, #tpu.memory_space<semaphore_mem>>)
      %dma_wait3A = arith.constant 0 : i32
      %dma_wait3A_141 = arith.constant 0 : i32
      %dma_wait3A_142 = tpu.memref_slice %arg13[%run_scoped3A_19, %dma_wait3A, %dma_wait3A_141] : memref<2x128x128xf32, #tpu.memory_space<vmem>> -> memref<1x128x128xf32, #tpu.memory_space<vmem>>
      %dma_wait3A_143 = tpu.memref_squeeze %dma_wait3A_142 : memref<1x128x128xf32, #tpu.memory_space<vmem>> -> memref<128x128xf32, #tpu.memory_space<vmem>>
      %dma_wait3A_144 = arith.constant 0 : i32
      %dma_wait3A_145 = tpu.memref_slice %arg7[%add3A_18, %dma_wait3A_144] : memref<10240x128xf32, #tpu.memory_space<vmem_shared>> -> memref<128x128xf32, #tpu.memory_space<vmem_shared>>
      %dma_wait3A_146 = arith.constant 0 : i32
      %dma_wait3A_147 = tpu.memref_slice %arg7[%add3A_18, %dma_wait3A_146] : memref<10240x128xf32, #tpu.memory_space<vmem_shared>> -> memref<128x128xf32, #tpu.memory_space<vmem_shared>>
      %dma_wait3A_148 = arith.constant 0 : i32
      %dma_wait3A_149 = arith.constant 0 : i32
      %dma_wait3A_150 = tpu.memref_slice %arg13[%run_scoped3A_19, %dma_wait3A_148, %dma_wait3A_149] : memref<2x128x128xf32, #tpu.memory_space<vmem>> -> memref<1x128x128xf32, #tpu.memory_space<vmem>>
      %dma_wait3A_151 = tpu.memref_squeeze %dma_wait3A_150 : memref<1x128x128xf32, #tpu.memory_space<vmem>> -> memref<128x128xf32, #tpu.memory_space<vmem>>
      tpu.wait_dma2 semaphore(%run_scoped3A_128 : memref<!tpu.dma_semaphore, #tpu.memory_space<semaphore_mem>>) src(%dma_wait3A_151 : memref<128x128xf32, #tpu.memory_space<vmem>>) dst(%dma_wait3A_147 : memref<128x128xf32, #tpu.memory_space<vmem_shared>>)
      tpu.yield
    }) : () -> ()
    %mul3A_20 = arith.constant 640 : i32
    %mul3A_21 = arith.muli %arg1, %mul3A_20 : i32
    %add3A_22 = arith.constant 256 : i32
    %add3A_23 = arith.addi %mul3A_21, %add3A_22 : i32
    %run_scoped3A_24 = arith.constant 0 : i32
    "tpu.region"() ({
      %run_scoped3A_128 = tpu.sem_alloc : memref<!tpu.dma_semaphore, #tpu.memory_space<semaphore_mem>>
      %dma_start3A_129 = arith.constant 0 : i32
      %dma_start3A_130 = arith.constant 0 : i32
      %dma_start3A_131 = tpu.memref_slice %arg13[%run_scoped3A_24, %dma_start3A_129, %dma_start3A_130] : memref<2x128x128xf32, #tpu.memory_space<vmem>> -> memref<1x128x128xf32, #tpu.memory_space<vmem>>
      %dma_start3A_132 = tpu.memref_squeeze %dma_start3A_131 : memref<1x128x128xf32, #tpu.memory_space<vmem>> -> memref<128x128xf32, #tpu.memory_space<vmem>>
      %dma_start3A_133 = arith.constant 0 : i32
      %dma_start3A_134 = tpu.memref_slice %arg7[%add3A_23, %dma_start3A_133] : memref<10240x128xf32, #tpu.memory_space<vmem_shared>> -> memref<128x128xf32, #tpu.memory_space<vmem_shared>>
      %dma_start3A_135 = arith.constant 0 : i32
      %dma_start3A_136 = tpu.memref_slice %arg7[%add3A_23, %dma_start3A_135] : memref<10240x128xf32, #tpu.memory_space<vmem_shared>> -> memref<128x128xf32, #tpu.memory_space<vmem_shared>>
      %dma_start3A_137 = arith.constant 0 : i32
      %dma_start3A_138 = arith.constant 0 : i32
      %dma_start3A_139 = tpu.memref_slice %arg13[%run_scoped3A_24, %dma_start3A_137, %dma_start3A_138] : memref<2x128x128xf32, #tpu.memory_space<vmem>> -> memref<1x128x128xf32, #tpu.memory_space<vmem>>
      %dma_start3A_140 = tpu.memref_squeeze %dma_start3A_139 : memref<1x128x128xf32, #tpu.memory_space<vmem>> -> memref<128x128xf32, #tpu.memory_space<vmem>>
      tpu.enqueue_dma source(%dma_start3A_140 : memref<128x128xf32, #tpu.memory_space<vmem>>) target(%dma_start3A_136 : memref<128x128xf32, #tpu.memory_space<vmem_shared>>) target_semaphore(%run_scoped3A_128 : memref<!tpu.dma_semaphore, #tpu.memory_space<semaphore_mem>>)
      %dma_wait3A = arith.constant 0 : i32
      %dma_wait3A_141 = arith.constant 0 : i32
      %dma_wait3A_142 = tpu.memref_slice %arg13[%run_scoped3A_24, %dma_wait3A, %dma_wait3A_141] : memref<2x128x128xf32, #tpu.memory_space<vmem>> -> memref<1x128x128xf32, #tpu.memory_space<vmem>>
      %dma_wait3A_143 = tpu.memref_squeeze %dma_wait3A_142 : memref<1x128x128xf32, #tpu.memory_space<vmem>> -> memref<128x128xf32, #tpu.memory_space<vmem>>
      %dma_wait3A_144 = arith.constant 0 : i32
      %dma_wait3A_145 = tpu.memref_slice %arg7[%add3A_23, %dma_wait3A_144] : memref<10240x128xf32, #tpu.memory_space<vmem_shared>> -> memref<128x128xf32, #tpu.memory_space<vmem_shared>>
      %dma_wait3A_146 = arith.constant 0 : i32
      %dma_wait3A_147 = tpu.memref_slice %arg7[%add3A_23, %dma_wait3A_146] : memref<10240x128xf32, #tpu.memory_space<vmem_shared>> -> memref<128x128xf32, #tpu.memory_space<vmem_shared>>
      %dma_wait3A_148 = arith.constant 0 : i32
      %dma_wait3A_149 = arith.constant 0 : i32
      %dma_wait3A_150 = tpu.memref_slice %arg13[%run_scoped3A_24, %dma_wait3A_148, %dma_wait3A_149] : memref<2x128x128xf32, #tpu.memory_space<vmem>> -> memref<1x128x128xf32, #tpu.memory_space<vmem>>
      %dma_wait3A_151 = tpu.memref_squeeze %dma_wait3A_150 : memref<1x128x128xf32, #tpu.memory_space<vmem>> -> memref<128x128xf32, #tpu.memory_space<vmem>>
      tpu.wait_dma2 semaphore(%run_scoped3A_128 : memref<!tpu.dma_semaphore, #tpu.memory_space<semaphore_mem>>) src(%dma_wait3A_151 : memref<128x128xf32, #tpu.memory_space<vmem>>) dst(%dma_wait3A_147 : memref<128x128xf32, #tpu.memory_space<vmem_shared>>)
      tpu.yield
    }) : () -> ()
    %mul3A_25 = arith.constant 640 : i32
    %mul3A_26 = arith.muli %arg1, %mul3A_25 : i32
    %add3A_27 = arith.constant 384 : i32
    %add3A_28 = arith.addi %mul3A_26, %add3A_27 : i32
    %run_scoped3A_29 = arith.constant 0 : i32
    "tpu.region"() ({
      %run_scoped3A_128 = tpu.sem_alloc : memref<!tpu.dma_semaphore, #tpu.memory_space<semaphore_mem>>
      %dma_start3A_129 = arith.constant 0 : i32
      %dma_start3A_130 = arith.constant 0 : i32
      %dma_start3A_131 = tpu.memref_slice %arg13[%run_scoped3A_29, %dma_start3A_129, %dma_start3A_130] : memref<2x128x128xf32, #tpu.memory_space<vmem>> -> memref<1x128x128xf32, #tpu.memory_space<vmem>>
      %dma_start3A_132 = tpu.memref_squeeze %dma_start3A_131 : memref<1x128x128xf32, #tpu.memory_space<vmem>> -> memref<128x128xf32, #tpu.memory_space<vmem>>
      %dma_start3A_133 = arith.constant 0 : i32
      %dma_start3A_134 = tpu.memref_slice %arg7[%add3A_28, %dma_start3A_133] : memref<10240x128xf32, #tpu.memory_space<vmem_shared>> -> memref<128x128xf32, #tpu.memory_space<vmem_shared>>
      %dma_start3A_135 = arith.constant 0 : i32
      %dma_start3A_136 = tpu.memref_slice %arg7[%add3A_28, %dma_start3A_135] : memref<10240x128xf32, #tpu.memory_space<vmem_shared>> -> memref<128x128xf32, #tpu.memory_space<vmem_shared>>
      %dma_start3A_137 = arith.constant 0 : i32
      %dma_start3A_138 = arith.constant 0 : i32
      %dma_start3A_139 = tpu.memref_slice %arg13[%run_scoped3A_29, %dma_start3A_137, %dma_start3A_138] : memref<2x128x128xf32, #tpu.memory_space<vmem>> -> memref<1x128x128xf32, #tpu.memory_space<vmem>>
      %dma_start3A_140 = tpu.memref_squeeze %dma_start3A_139 : memref<1x128x128xf32, #tpu.memory_space<vmem>> -> memref<128x128xf32, #tpu.memory_space<vmem>>
      tpu.enqueue_dma source(%dma_start3A_140 : memref<128x128xf32, #tpu.memory_space<vmem>>) target(%dma_start3A_136 : memref<128x128xf32, #tpu.memory_space<vmem_shared>>) target_semaphore(%run_scoped3A_128 : memref<!tpu.dma_semaphore, #tpu.memory_space<semaphore_mem>>)
      %dma_wait3A = arith.constant 0 : i32
      %dma_wait3A_141 = arith.constant 0 : i32
      %dma_wait3A_142 = tpu.memref_slice %arg13[%run_scoped3A_29, %dma_wait3A, %dma_wait3A_141] : memref<2x128x128xf32, #tpu.memory_space<vmem>> -> memref<1x128x128xf32, #tpu.memory_space<vmem>>
      %dma_wait3A_143 = tpu.memref_squeeze %dma_wait3A_142 : memref<1x128x128xf32, #tpu.memory_space<vmem>> -> memref<128x128xf32, #tpu.memory_space<vmem>>
      %dma_wait3A_144 = arith.constant 0 : i32
      %dma_wait3A_145 = tpu.memref_slice %arg7[%add3A_28, %dma_wait3A_144] : memref<10240x128xf32, #tpu.memory_space<vmem_shared>> -> memref<128x128xf32, #tpu.memory_space<vmem_shared>>
      %dma_wait3A_146 = arith.constant 0 : i32
      %dma_wait3A_147 = tpu.memref_slice %arg7[%add3A_28, %dma_wait3A_146] : memref<10240x128xf32, #tpu.memory_space<vmem_shared>> -> memref<128x128xf32, #tpu.memory_space<vmem_shared>>
      %dma_wait3A_148 = arith.constant 0 : i32
      %dma_wait3A_149 = arith.constant 0 : i32
      %dma_wait3A_150 = tpu.memref_slice %arg13[%run_scoped3A_29, %dma_wait3A_148, %dma_wait3A_149] : memref<2x128x128xf32, #tpu.memory_space<vmem>> -> memref<1x128x128xf32, #tpu.memory_space<vmem>>
      %dma_wait3A_151 = tpu.memref_squeeze %dma_wait3A_150 : memref<1x128x128xf32, #tpu.memory_space<vmem>> -> memref<128x128xf32, #tpu.memory_space<vmem>>
      tpu.wait_dma2 semaphore(%run_scoped3A_128 : memref<!tpu.dma_semaphore, #tpu.memory_space<semaphore_mem>>) src(%dma_wait3A_151 : memref<128x128xf32, #tpu.memory_space<vmem>>) dst(%dma_wait3A_147 : memref<128x128xf32, #tpu.memory_space<vmem_shared>>)
      tpu.yield
    }) : () -> ()
    %mul3A_30 = arith.constant 640 : i32
    %mul3A_31 = arith.muli %arg1, %mul3A_30 : i32
    %add3A_32 = arith.constant 512 : i32
    %add3A_33 = arith.addi %mul3A_31, %add3A_32 : i32
    %run_scoped3A_34 = arith.constant 0 : i32
    "tpu.region"() ({
      %run_scoped3A_128 = tpu.sem_alloc : memref<!tpu.dma_semaphore, #tpu.memory_space<semaphore_mem>>
      %dma_start3A_129 = arith.constant 0 : i32
      %dma_start3A_130 = arith.constant 0 : i32
      %dma_start3A_131 = tpu.memref_slice %arg13[%run_scoped3A_34, %dma_start3A_129, %dma_start3A_130] : memref<2x128x128xf32, #tpu.memory_space<vmem>> -> memref<1x128x128xf32, #tpu.memory_space<vmem>>
      %dma_start3A_132 = tpu.memref_squeeze %dma_start3A_131 : memref<1x128x128xf32, #tpu.memory_space<vmem>> -> memref<128x128xf32, #tpu.memory_space<vmem>>
      %dma_start3A_133 = arith.constant 0 : i32
      %dma_start3A_134 = tpu.memref_slice %arg7[%add3A_33, %dma_start3A_133] : memref<10240x128xf32, #tpu.memory_space<vmem_shared>> -> memref<128x128xf32, #tpu.memory_space<vmem_shared>>
      %dma_start3A_135 = arith.constant 0 : i32
      %dma_start3A_136 = tpu.memref_slice %arg7[%add3A_33, %dma_start3A_135] : memref<10240x128xf32, #tpu.memory_space<vmem_shared>> -> memref<128x128xf32, #tpu.memory_space<vmem_shared>>
      %dma_start3A_137 = arith.constant 0 : i32
      %dma_start3A_138 = arith.constant 0 : i32
      %dma_start3A_139 = tpu.memref_slice %arg13[%run_scoped3A_34, %dma_start3A_137, %dma_start3A_138] : memref<2x128x128xf32, #tpu.memory_space<vmem>> -> memref<1x128x128xf32, #tpu.memory_space<vmem>>
      %dma_start3A_140 = tpu.memref_squeeze %dma_start3A_139 : memref<1x128x128xf32, #tpu.memory_space<vmem>> -> memref<128x128xf32, #tpu.memory_space<vmem>>
      tpu.enqueue_dma source(%dma_start3A_140 : memref<128x128xf32, #tpu.memory_space<vmem>>) target(%dma_start3A_136 : memref<128x128xf32, #tpu.memory_space<vmem_shared>>) target_semaphore(%run_scoped3A_128 : memref<!tpu.dma_semaphore, #tpu.memory_space<semaphore_mem>>)
      %dma_wait3A = arith.constant 0 : i32
      %dma_wait3A_141 = arith.constant 0 : i32
      %dma_wait3A_142 = tpu.memref_slice %arg13[%run_scoped3A_34, %dma_wait3A, %dma_wait3A_141] : memref<2x128x128xf32, #tpu.memory_space<vmem>> -> memref<1x128x128xf32, #tpu.memory_space<vmem>>
      %dma_wait3A_143 = tpu.memref_squeeze %dma_wait3A_142 : memref<1x128x128xf32, #tpu.memory_space<vmem>> -> memref<128x128xf32, #tpu.memory_space<vmem>>
      %dma_wait3A_144 = arith.constant 0 : i32
      %dma_wait3A_145 = tpu.memref_slice %arg7[%add3A_33, %dma_wait3A_144] : memref<10240x128xf32, #tpu.memory_space<vmem_shared>> -> memref<128x128xf32, #tpu.memory_space<vmem_shared>>
      %dma_wait3A_146 = arith.constant 0 : i32
      %dma_wait3A_147 = tpu.memref_slice %arg7[%add3A_33, %dma_wait3A_146] : memref<10240x128xf32, #tpu.memory_space<vmem_shared>> -> memref<128x128xf32, #tpu.memory_space<vmem_shared>>
      %dma_wait3A_148 = arith.constant 0 : i32
      %dma_wait3A_149 = arith.constant 0 : i32
      %dma_wait3A_150 = tpu.memref_slice %arg13[%run_scoped3A_34, %dma_wait3A_148, %dma_wait3A_149] : memref<2x128x128xf32, #tpu.memory_space<vmem>> -> memref<1x128x128xf32, #tpu.memory_space<vmem>>
      %dma_wait3A_151 = tpu.memref_squeeze %dma_wait3A_150 : memref<1x128x128xf32, #tpu.memory_space<vmem>> -> memref<128x128xf32, #tpu.memory_space<vmem>>
      tpu.wait_dma2 semaphore(%run_scoped3A_128 : memref<!tpu.dma_semaphore, #tpu.memory_space<semaphore_mem>>) src(%dma_wait3A_151 : memref<128x128xf32, #tpu.memory_space<vmem>>) dst(%dma_wait3A_147 : memref<128x128xf32, #tpu.memory_space<vmem_shared>>)
      tpu.yield
    }) : () -> ()
    %scan3A_35 = arith.constant 0 : i32
    %scan3A_36 = arith.constant 0 : i32
    %scan3A_37 = arith.constant 40 : i32
    %scan3A_38 = arith.addi %scan3A_36, %scan3A_37 : i32
    %scan3A_39 = arith.constant 1 : i32
    scf.for %scan3A_128 = %scan3A_36 to %scan3A_38 step %scan3A_39  : i32 {
      %mul3A_129 = arith.constant 16 : i32
      %mul3A_130 = arith.muli %scan3A_128, %mul3A_129 : i32
      %swap3A_131 = arith.index_cast %mul3A_130 : i32 to index
      %swap3A_132 = tpu.vector_load %arg9[%swap3A_131] {strides = array<i32>} : memref<640xf32, #tpu.memory_space<vmem>>, vector<16xf32>,
      %swap3A_133 = vector.shape_cast %swap3A_132 : vector<16xf32> to vector<16xf32>
      %swap3A_134 = vector.shape_cast %broadcast_in_dim3A_5 : vector<16xf32> to vector<16xf32>
      tpu.vector_store %arg9[%swap3A_131], %swap3A_134 {strides = array<i32>} : memref<640xf32, #tpu.memory_space<vmem>>, vector<16xf32>,
    }
    %scan3A_40 = arith.constant 40 : i32
    %mul3A_41 = arith.constant 640 : i32
    %mul3A_42 = arith.muli %arg1, %mul3A_41 : i32
    "tpu.region"() ({
      %run_scoped3A_128 = tpu.sem_alloc : memref<!tpu.dma_semaphore, #tpu.memory_space<semaphore_mem>>
      %dma_start3A_129 = tpu.memref_slice %arg8[%mul3A_42] : memref<10240xf32, #tpu.memory_space<vmem_shared>> -> memref<640xf32, #tpu.memory_space<vmem_shared>>
      %dma_start3A_130 = tpu.memref_slice %arg8[%mul3A_42] : memref<10240xf32, #tpu.memory_space<vmem_shared>> -> memref<640xf32, #tpu.memory_space<vmem_shared>>
      tpu.enqueue_dma source(%arg9 : memref<640xf32, #tpu.memory_space<vmem>>) target(%dma_start3A_130 : memref<640xf32, #tpu.memory_space<vmem_shared>>) target_semaphore(%run_scoped3A_128 : memref<!tpu.dma_semaphore, #tpu.memory_space<semaphore_mem>>)
      %dma_wait3A = tpu.memref_slice %arg8[%mul3A_42] : memref<10240xf32, #tpu.memory_space<vmem_shared>> -> memref<640xf32, #tpu.memory_space<vmem_shared>>
      %dma_wait3A_131 = tpu.memref_slice %arg8[%mul3A_42] : memref<10240xf32, #tpu.memory_space<vmem_shared>> -> memref<640xf32, #tpu.memory_space<vmem_shared>>
      tpu.wait_dma2 semaphore(%run_scoped3A_128 : memref<!tpu.dma_semaphore, #tpu.memory_space<semaphore_mem>>) src(%arg9 : memref<640xf32, #tpu.memory_space<vmem>>) dst(%dma_wait3A_131 : memref<640xf32, #tpu.memory_space<vmem_shared>>)
      tpu.yield
    }) : () -> ()
    %broadcast_in_dim3A_43 = arith.constant 1.000000e+00 : f32
    %broadcast_in_dim3A_44 = vector.broadcast %broadcast_in_dim3A_43 : f32 to vector<16xf32>
    %swap3A = arith.constant 0 : index
    %swap3A_45 = tpu.vector_load %arg14[%swap3A] {strides = array<i32>} : memref<128xf32, #tpu.memory_space<vmem>>, vector<16xf32>,
    %swap3A_46 = vector.shape_cast %swap3A_45 : vector<16xf32> to vector<16xf32>
    %swap3A_47 = vector.shape_cast %broadcast_in_dim3A_44 : vector<16xf32> to vector<16xf32>
    tpu.vector_store %arg14[%swap3A], %swap3A_47 {strides = array<i32>} : memref<128xf32, #tpu.memory_space<vmem>>, vector<16xf32>,
    %swap3A_48 = arith.constant 16 : index
    %swap3A_49 = tpu.vector_load %arg14[%swap3A_48] {strides = array<i32>} : memref<128xf32, #tpu.memory_space<vmem>>, vector<16xf32>,
    %swap3A_50 = vector.shape_cast %swap3A_49 : vector<16xf32> to vector<16xf32>
    %swap3A_51 = vector.shape_cast %broadcast_in_dim3A_44 : vector<16xf32> to vector<16xf32>
    tpu.vector_store %arg14[%swap3A_48], %swap3A_51 {strides = array<i32>} : memref<128xf32, #tpu.memory_space<vmem>>, vector<16xf32>,
    %swap3A_52 = arith.constant 32 : index
    %swap3A_53 = tpu.vector_load %arg14[%swap3A_52] {strides = array<i32>} : memref<128xf32, #tpu.memory_space<vmem>>, vector<16xf32>,
    %swap3A_54 = vector.shape_cast %swap3A_53 : vector<16xf32> to vector<16xf32>
    %swap3A_55 = vector.shape_cast %broadcast_in_dim3A_44 : vector<16xf32> to vector<16xf32>
    tpu.vector_store %arg14[%swap3A_52], %swap3A_55 {strides = array<i32>} : memref<128xf32, #tpu.memory_space<vmem>>, vector<16xf32>,
    %swap3A_56 = arith.constant 48 : index
    %swap3A_57 = tpu.vector_load %arg14[%swap3A_56] {strides = array<i32>} : memref<128xf32, #tpu.memory_space<vmem>>, vector<16xf32>,
    %swap3A_58 = vector.shape_cast %swap3A_57 : vector<16xf32> to vector<16xf32>
    %swap3A_59 = vector.shape_cast %broadcast_in_dim3A_44 : vector<16xf32> to vector<16xf32>
    tpu.vector_store %arg14[%swap3A_56], %swap3A_59 {strides = array<i32>} : memref<128xf32, #tpu.memory_space<vmem>>, vector<16xf32>,
    %swap3A_60 = arith.constant 64 : index
    %swap3A_61 = tpu.vector_load %arg14[%swap3A_60] {strides = array<i32>} : memref<128xf32, #tpu.memory_space<vmem>>, vector<16xf32>,
    %swap3A_62 = vector.shape_cast %swap3A_61 : vector<16xf32> to vector<16xf32>
    %swap3A_63 = vector.shape_cast %broadcast_in_dim3A_44 : vector<16xf32> to vector<16xf32>
    tpu.vector_store %arg14[%swap3A_60], %swap3A_63 {strides = array<i32>} : memref<128xf32, #tpu.memory_space<vmem>>, vector<16xf32>,
    %swap3A_64 = arith.constant 80 : index
    %swap3A_65 = tpu.vector_load %arg14[%swap3A_64] {strides = array<i32>} : memref<128xf32, #tpu.memory_space<vmem>>, vector<16xf32>,
    %swap3A_66 = vector.shape_cast %swap3A_65 : vector<16xf32> to vector<16xf32>
    %swap3A_67 = vector.shape_cast %broadcast_in_dim3A_44 : vector<16xf32> to vector<16xf32>
    tpu.vector_store %arg14[%swap3A_64], %swap3A_67 {strides = array<i32>} : memref<128xf32, #tpu.memory_space<vmem>>, vector<16xf32>,
    %swap3A_68 = arith.constant 96 : index
    %swap3A_69 = tpu.vector_load %arg14[%swap3A_68] {strides = array<i32>} : memref<128xf32, #tpu.memory_space<vmem>>, vector<16xf32>,
    %swap3A_70 = vector.shape_cast %swap3A_69 : vector<16xf32> to vector<16xf32>
    %swap3A_71 = vector.shape_cast %broadcast_in_dim3A_44 : vector<16xf32> to vector<16xf32>
    tpu.vector_store %arg14[%swap3A_68], %swap3A_71 {strides = array<i32>} : memref<128xf32, #tpu.memory_space<vmem>>, vector<16xf32>,
    %swap3A_72 = arith.constant 112 : index
    %swap3A_73 = tpu.vector_load %arg14[%swap3A_72] {strides = array<i32>} : memref<128xf32, #tpu.memory_space<vmem>>, vector<16xf32>,
    %swap3A_74 = vector.shape_cast %swap3A_73 : vector<16xf32> to vector<16xf32>
    %swap3A_75 = vector.shape_cast %broadcast_in_dim3A_44 : vector<16xf32> to vector<16xf32>
    tpu.vector_store %arg14[%swap3A_72], %swap3A_75 {strides = array<i32>} : memref<128xf32, #tpu.memory_space<vmem>>, vector<16xf32>,
    %add3A_76 = arith.constant 0 : i32
    %add3A_77 = arith.addi %mul3A_4, %add3A_76 : i32
    %dma_start3A = tpu.memref_slice %arg4[%add3A_77] : memref<327680xi32, #tpu.memory_space<hbm>> -> memref<128xi32, #tpu.memory_space<hbm>>
    %dma_start3A_78 = tpu.memref_slice %arg4[%add3A_77] : memref<327680xi32, #tpu.memory_space<hbm>> -> memref<128xi32, #tpu.memory_space<hbm>>
    tpu.enqueue_dma source(%dma_start3A_78 : memref<128xi32, #tpu.memory_space<hbm>>) target(%arg11 : memref<128xi32, #tpu.memory_space<vmem>>) target_semaphore(%arg17 : memref<!tpu.dma_semaphore, #tpu.memory_space<semaphore_mem>>)
    %dma_start3A_79 = arith.constant 0 : i32
    %dma_start3A_80 = arith.constant 0 : i32
    %dma_start3A_81 = arith.constant 0 : i32
    %dma_start3A_82 = tpu.memref_slice %arg13[%dma_start3A_79, %dma_start3A_80, %dma_start3A_81] : memref<2x128x128xf32, #tpu.memory_space<vmem>> -> memref<1x128x128xf32, #tpu.memory_space<vmem>>
    %dma_start3A_83 = tpu.memref_squeeze %dma_start3A_82 : memref<1x128x128xf32, #tpu.memory_space<vmem>> -> memref<128x128xf32, #tpu.memory_space<vmem>>
    %dma_start3A_84 = arith.constant 0 : i32
    %dma_start3A_85 = tpu.memref_slice %arg10[%dma_start3A_84] : memref<10240xi32, #tpu.memory_space<vmem>> -> memref<128xi32, #tpu.memory_space<vmem>>
    %dma_start3A_86 = arith.constant 0 : i32
    %dma_start3A_87 = arith.constant 0 : i32
    %dma_start3A_88 = tpu.memref_slice %arg2[%dma_start3A_86, %dma_start3A_87] : memref<10000x128xf32, #tpu.memory_space<hbm>> -> memref<10000x128xf32, #tpu.memory_space<hbm>>
    tpu.enqueue_indirect_dma source(%dma_start3A_88 : memref<10000x128xf32, #tpu.memory_space<hbm>>) target(%dma_start3A_83 : memref<128x128xf32, #tpu.memory_space<vmem>>) offsets(%dma_start3A_85 : memref<128xi32, #tpu.memory_space<vmem>>) semaphore(%arg15 : memref<!tpu.dma_semaphore, #tpu.memory_space<semaphore_mem>>)
    %add3A_89 = arith.constant 128 : i32
    %add3A_90 = arith.addi %mul3A_4, %add3A_89 : i32
    %dma_start3A_91 = tpu.memref_slice %arg4[%add3A_90] : memref<327680xi32, #tpu.memory_space<hbm>> -> memref<128xi32, #tpu.memory_space<hbm>>
    %dma_start3A_92 = tpu.memref_slice %arg4[%add3A_90] : memref<327680xi32, #tpu.memory_space<hbm>> -> memref<128xi32, #tpu.memory_space<hbm>>
    tpu.enqueue_dma source(%dma_start3A_92 : memref<128xi32, #tpu.memory_space<hbm>>) target(%arg12 : memref<128xi32, #tpu.memory_space<vmem>>) target_semaphore(%arg18 : memref<!tpu.dma_semaphore, #tpu.memory_space<semaphore_mem>>)
    %dma_start3A_93 = arith.constant 1 : i32
    %dma_start3A_94 = arith.constant 0 : i32
    %dma_start3A_95 = arith.constant 0 : i32
    %dma_start3A_96 = tpu.memref_slice %arg13[%dma_start3A_93, %dma_start3A_94, %dma_start3A_95] : memref<2x128x128xf32, #tpu.memory_space<vmem>> -> memref<1x128x128xf32, #tpu.memory_space<vmem>>
    %dma_start3A_97 = tpu.memref_squeeze %dma_start3A_96 : memref<1x128x128xf32, #tpu.memory_space<vmem>> -> memref<128x128xf32, #tpu.memory_space<vmem>>
    %dma_start3A_98 = arith.constant 128 : i32
    %dma_start3A_99 = tpu.memref_slice %arg10[%dma_start3A_98] : memref<10240xi32, #tpu.memory_space<vmem>> -> memref<128xi32, #tpu.memory_space<vmem>>
    %dma_start3A_100 = arith.constant 0 : i32
    %dma_start3A_101 = arith.constant 0 : i32
    %dma_start3A_102 = tpu.memref_slice %arg2[%dma_start3A_100, %dma_start3A_101] : memref<10000x128xf32, #tpu.memory_space<hbm>> -> memref<10000x128xf32, #tpu.memory_space<hbm>>
    tpu.enqueue_indirect_dma source(%dma_start3A_102 : memref<10000x128xf32, #tpu.memory_space<hbm>>) target(%dma_start3A_97 : memref<128x128xf32, #tpu.memory_space<vmem>>) offsets(%dma_start3A_99 : memref<128xi32, #tpu.memory_space<vmem>>) semaphore(%arg16 : memref<!tpu.dma_semaphore, #tpu.memory_space<semaphore_mem>>)
    %barrier3A = arith.constant 0 : index
    tpu.barrier barrier_id(%barrier3A)
    %scan3A_103 = arith.constant 0 : i32
    %scan3A_104 = arith.constant 0 : i32
    %scan3A_105 = arith.constant 40 : i32
    %scan3A_106 = arith.addi %scan3A_104, %scan3A_105 : i32
    %scan3A_107 = arith.constant 1 : i32
    scf.for %scan3A_128 = %scan3A_104 to %scan3A_106 step %scan3A_107  : i32 {
      %mul3A_129 = arith.constant 2 : i32
      %mul3A_130 = arith.muli %scan3A_128, %mul3A_129 : i32
      %mul3A_131 = arith.constant 128 : i32
      %mul3A_132 = arith.muli %mul3A_130, %mul3A_131 : i32
      %add3A_133 = arith.addi %mul3A_4, %mul3A_132 : i32
      %dma_wait3A = tpu.memref_slice %arg4[%add3A_133] : memref<327680xi32, #tpu.memory_space<hbm>> -> memref<128xi32, #tpu.memory_space<hbm>>
      %dma_wait3A_134 = tpu.memref_slice %arg4[%add3A_133] : memref<327680xi32, #tpu.memory_space<hbm>> -> memref<128xi32, #tpu.memory_space<hbm>>
      tpu.wait_dma2 semaphore(%arg17 : memref<!tpu.dma_semaphore, #tpu.memory_space<semaphore_mem>>) src(%dma_wait3A_134 : memref<128xi32, #tpu.memory_space<hbm>>) dst(%arg11 : memref<128xi32, #tpu.memory_space<vmem>>)
      %mul3A_135 = arith.constant 128 : i32
      %mul3A_136 = arith.muli %mul3A_130, %mul3A_135 : i32
      %dma_wait3A_137 = arith.constant 0 : i32
      %dma_wait3A_138 = arith.constant 0 : i32
      %dma_wait3A_139 = arith.constant 0 : i32
      %dma_wait3A_140 = tpu.memref_slice %arg13[%dma_wait3A_137, %dma_wait3A_138, %dma_wait3A_139] : memref<2x128x128xf32, #tpu.memory_space<vmem>> -> memref<1x128x128xf32, #tpu.memory_space<vmem>>
      %dma_wait3A_141 = tpu.memref_squeeze %dma_wait3A_140 : memref<1x128x128xf32, #tpu.memory_space<vmem>> -> memref<128x128xf32, #tpu.memory_space<vmem>>
      %dma_wait3A_142 = tpu.memref_slice %arg10[%mul3A_136] : memref<10240xi32, #tpu.memory_space<vmem>> -> memref<128xi32, #tpu.memory_space<vmem>>
      %dma_wait3A_143 = arith.constant 0 : i32
      %dma_wait3A_144 = arith.constant 0 : i32
      %dma_wait3A_145 = tpu.memref_slice %arg2[%dma_wait3A_143, %dma_wait3A_144] : memref<10000x128xf32, #tpu.memory_space<hbm>> -> memref<10000x128xf32, #tpu.memory_space<hbm>>
      tpu.wait_indirect_dma semaphore(%arg15 : memref<!tpu.dma_semaphore, #tpu.memory_space<semaphore_mem>>) src(%dma_wait3A_145 : memref<10000x128xf32, #tpu.memory_space<hbm>>) dst(%dma_wait3A_141 : memref<128x128xf32, #tpu.memory_space<vmem>>)
      %run_scoped3A_146 = arith.constant 0 : i32
      "tpu.region"() ({
        %run_scoped3A_180 = tpu.sem_alloc : memref<!tpu.dma_semaphore, #tpu.memory_space<semaphore_mem>>
        %dma_start3A_181 = arith.constant 0 : i32
        %dma_start3A_182 = arith.constant 0 : i32
        %dma_start3A_183 = tpu.memref_slice %arg13[%run_scoped3A_146, %dma_start3A_181, %dma_start3A_182] : memref<2x128x128xf32, #tpu.memory_space<vmem>> -> memref<1x128x128xf32, #tpu.memory_space<vmem>>
        %dma_start3A_184 = tpu.memref_squeeze %dma_start3A_183 : memref<1x128x128xf32, #tpu.memory_space<vmem>> -> memref<128x128xf32, #tpu.memory_space<vmem>>
        %dma_start3A_185 = arith.constant 0 : i32
        %dma_start3A_186 = arith.constant 0 : i32
        %dma_start3A_187 = tpu.memref_slice %arg7[%dma_start3A_185, %dma_start3A_186] : memref<10240x128xf32, #tpu.memory_space<vmem_shared>> -> memref<10240x128xf32, #tpu.memory_space<vmem_shared>>
        tpu.enqueue_indirect_dma source(%dma_start3A_184 : memref<128x128xf32, #tpu.memory_space<vmem>>) target(%dma_start3A_187 : memref<10240x128xf32, #tpu.memory_space<vmem_shared>>) offsets(%arg11 : memref<128xi32, #tpu.memory_space<vmem>>) semaphore(%run_scoped3A_180 : memref<!tpu.dma_semaphore, #tpu.memory_space<semaphore_mem>>) {add = true}
        %dma_wait3A_188 = arith.constant 0 : i32
        %dma_wait3A_189 = arith.constant 0 : i32
        %dma_wait3A_190 = tpu.memref_slice %arg13[%run_scoped3A_146, %dma_wait3A_188, %dma_wait3A_189] : memref<2x128x128xf32, #tpu.memory_space<vmem>> -> memref<1x128x128xf32, #tpu.memory_space<vmem>>
        %dma_wait3A_191 = tpu.memref_squeeze %dma_wait3A_190 : memref<1x128x128xf32, #tpu.memory_space<vmem>> -> memref<128x128xf32, #tpu.memory_space<vmem>>
        %dma_wait3A_192 = arith.constant 0 : i32
        %dma_wait3A_193 = arith.constant 0 : i32
        %dma_wait3A_194 = tpu.memref_slice %arg7[%dma_wait3A_192, %dma_wait3A_193] : memref<10240x128xf32, #tpu.memory_space<vmem_shared>> -> memref<10240x128xf32, #tpu.memory_space<vmem_shared>>
        tpu.wait_indirect_dma semaphore(%run_scoped3A_180 : memref<!tpu.dma_semaphore, #tpu.memory_space<semaphore_mem>>) src(%dma_wait3A_191 : memref<128x128xf32, #tpu.memory_space<vmem>>) dst(%dma_wait3A_194 : memref<10240x128xf32, #tpu.memory_space<vmem_shared>>)
        tpu.yield
      }) : () -> ()
      "tpu.region"() ({
        %run_scoped3A_180 = tpu.sem_alloc : memref<!tpu.dma_semaphore, #tpu.memory_space<semaphore_mem>>
        %dma_start3A_181 = arith.constant 0 : i32
        %dma_start3A_182 = tpu.memref_slice %arg8[%dma_start3A_181] : memref<10240xf32, #tpu.memory_space<vmem_shared>> -> memref<10240xf32, #tpu.memory_space<vmem_shared>>
        tpu.enqueue_indirect_dma source(%arg14 : memref<128xf32, #tpu.memory_space<vmem>>) target(%dma_start3A_182 : memref<10240xf32, #tpu.memory_space<vmem_shared>>) offsets(%arg11 : memref<128xi32, #tpu.memory_space<vmem>>) semaphore(%run_scoped3A_180 : memref<!tpu.dma_semaphore, #tpu.memory_space<semaphore_mem>>) {add = true}
        %dma_wait3A_183 = arith.constant 0 : i32
        %dma_wait3A_184 = tpu.memref_slice %arg8[%dma_wait3A_183] : memref<10240xf32, #tpu.memory_space<vmem_shared>> -> memref<10240xf32, #tpu.memory_space<vmem_shared>>
        tpu.wait_indirect_dma semaphore(%run_scoped3A_180 : memref<!tpu.dma_semaphore, #tpu.memory_space<semaphore_mem>>) src(%arg14 : memref<128xf32, #tpu.memory_space<vmem>>) dst(%dma_wait3A_184 : memref<10240xf32, #tpu.memory_space<vmem_shared>>)
        tpu.yield
      }) : () -> ()
      %add3A_147 = arith.constant 2 : i32
      %add3A_148 = arith.addi %mul3A_130, %add3A_147 : i32
      %lt3A_149 = arith.constant 80 : i32
      %lt3A_150 = arith.cmpi slt, %add3A_148, %lt3A_149 : i32
      %convert_element_type3A_151 = arith.extui %lt3A_150 : i1 to i32
      %cond3A_152 = arith.constant 0 : i32
      %cond3A_153 = arith.cmpi ne, %convert_element_type3A_151, %cond3A_152 : i32
      scf.if %cond3A_153 {
        %add3A_180 = arith.constant 2 : i32
        %add3A_181 = arith.addi %mul3A_130, %add3A_180 : i32
        %mul3A_182 = arith.constant 128 : i32
        %mul3A_183 = arith.muli %add3A_181, %mul3A_182 : i32
        %add3A_184 = arith.addi %mul3A_4, %mul3A_183 : i32
        %dma_start3A_185 = tpu.memref_slice %arg4[%add3A_184] : memref<327680xi32, #tpu.memory_space<hbm>> -> memref<128xi32, #tpu.memory_space<hbm>>
        %dma_start3A_186 = tpu.memref_slice %arg4[%add3A_184] : memref<327680xi32, #tpu.memory_space<hbm>> -> memref<128xi32, #tpu.memory_space<hbm>>
        tpu.enqueue_dma source(%dma_start3A_186 : memref<128xi32, #tpu.memory_space<hbm>>) target(%arg11 : memref<128xi32, #tpu.memory_space<vmem>>) target_semaphore(%arg17 : memref<!tpu.dma_semaphore, #tpu.memory_space<semaphore_mem>>)
        %mul3A_187 = arith.constant 128 : i32
        %mul3A_188 = arith.muli %add3A_181, %mul3A_187 : i32
        %dma_start3A_189 = arith.constant 0 : i32
        %dma_start3A_190 = arith.constant 0 : i32
        %dma_start3A_191 = arith.constant 0 : i32
        %dma_start3A_192 = tpu.memref_slice %arg13[%dma_start3A_189, %dma_start3A_190, %dma_start3A_191] : memref<2x128x128xf32, #tpu.memory_space<vmem>> -> memref<1x128x128xf32, #tpu.memory_space<vmem>>
        %dma_start3A_193 = tpu.memref_squeeze %dma_start3A_192 : memref<1x128x128xf32, #tpu.memory_space<vmem>> -> memref<128x128xf32, #tpu.memory_space<vmem>>
        %dma_start3A_194 = tpu.memref_slice %arg10[%mul3A_188] : memref<10240xi32, #tpu.memory_space<vmem>> -> memref<128xi32, #tpu.memory_space<vmem>>
        %dma_start3A_195 = arith.constant 0 : i32
        %dma_start3A_196 = arith.constant 0 : i32
        %dma_start3A_197 = tpu.memref_slice %arg2[%dma_start3A_195, %dma_start3A_196] : memref<10000x128xf32, #tpu.memory_space<hbm>> -> memref<10000x128xf32, #tpu.memory_space<hbm>>
        tpu.enqueue_indirect_dma source(%dma_start3A_197 : memref<10000x128xf32, #tpu.memory_space<hbm>>) target(%dma_start3A_193 : memref<128x128xf32, #tpu.memory_space<vmem>>) offsets(%dma_start3A_194 : memref<128xi32, #tpu.memory_space<vmem>>) semaphore(%arg15 : memref<!tpu.dma_semaphore, #tpu.memory_space<semaphore_mem>>)
      } else {
      }
      %add3A_154 = arith.constant 1 : i32
      %add3A_155 = arith.addi %mul3A_130, %add3A_154 : i32
      %mul3A_156 = arith.constant 128 : i32
      %mul3A_157 = arith.muli %add3A_155, %mul3A_156 : i32
      %add3A_158 = arith.addi %mul3A_4, %mul3A_157 : i32
      %dma_wait3A_159 = tpu.memref_slice %arg4[%add3A_158] : memref<327680xi32, #tpu.memory_space<hbm>> -> memref<128xi32, #tpu.memory_space<hbm>>
      %dma_wait3A_160 = tpu.memref_slice %arg4[%add3A_158] : memref<327680xi32, #tpu.memory_space<hbm>> -> memref<128xi32, #tpu.memory_space<hbm>>
      tpu.wait_dma2 semaphore(%arg18 : memref<!tpu.dma_semaphore, #tpu.memory_space<semaphore_mem>>) src(%dma_wait3A_160 : memref<128xi32, #tpu.memory_space<hbm>>) dst(%arg12 : memref<128xi32, #tpu.memory_space<vmem>>)
      %mul3A_161 = arith.constant 128 : i32
      %mul3A_162 = arith.muli %add3A_155, %mul3A_161 : i32
      %dma_wait3A_163 = arith.constant 1 : i32
      %dma_wait3A_164 = arith.constant 0 : i32
      %dma_wait3A_165 = arith.constant 0 : i32
      %dma_wait3A_166 = tpu.memref_slice %arg13[%dma_wait3A_163, %dma_wait3A_164, %dma_wait3A_165] : memref<2x128x128xf32, #tpu.memory_space<vmem>> -> memref<1x128x128xf32, #tpu.memory_space<vmem>>
      %dma_wait3A_167 = tpu.memref_squeeze %dma_wait3A_166 : memref<1x128x128xf32, #tpu.memory_space<vmem>> -> memref<128x128xf32, #tpu.memory_space<vmem>>
      %dma_wait3A_168 = tpu.memref_slice %arg10[%mul3A_162] : memref<10240xi32, #tpu.memory_space<vmem>> -> memref<128xi32, #tpu.memory_space<vmem>>
      %dma_wait3A_169 = arith.constant 0 : i32
      %dma_wait3A_170 = arith.constant 0 : i32
      %dma_wait3A_171 = tpu.memref_slice %arg2[%dma_wait3A_169, %dma_wait3A_170] : memref<10000x128xf32, #tpu.memory_space<hbm>> -> memref<10000x128xf32, #tpu.memory_space<hbm>>
      tpu.wait_indirect_dma semaphore(%arg16 : memref<!tpu.dma_semaphore, #tpu.memory_space<semaphore_mem>>) src(%dma_wait3A_171 : memref<10000x128xf32, #tpu.memory_space<hbm>>) dst(%dma_wait3A_167 : memref<128x128xf32, #tpu.memory_space<vmem>>)
      %run_scoped3A_172 = arith.constant 1 : i32
      "tpu.region"() ({
        %run_scoped3A_180 = tpu.sem_alloc : memref<!tpu.dma_semaphore, #tpu.memory_space<semaphore_mem>>
        %dma_start3A_181 = arith.constant 0 : i32
        %dma_start3A_182 = arith.constant 0 : i32
        %dma_start3A_183 = tpu.memref_slice %arg13[%run_scoped3A_172, %dma_start3A_181, %dma_start3A_182] : memref<2x128x128xf32, #tpu.memory_space<vmem>> -> memref<1x128x128xf32, #tpu.memory_space<vmem>>
        %dma_start3A_184 = tpu.memref_squeeze %dma_start3A_183 : memref<1x128x128xf32, #tpu.memory_space<vmem>> -> memref<128x128xf32, #tpu.memory_space<vmem>>
        %dma_start3A_185 = arith.constant 0 : i32
        %dma_start3A_186 = arith.constant 0 : i32
        %dma_start3A_187 = tpu.memref_slice %arg7[%dma_start3A_185, %dma_start3A_186] : memref<10240x128xf32, #tpu.memory_space<vmem_shared>> -> memref<10240x128xf32, #tpu.memory_space<vmem_shared>>
        tpu.enqueue_indirect_dma source(%dma_start3A_184 : memref<128x128xf32, #tpu.memory_space<vmem>>) target(%dma_start3A_187 : memref<10240x128xf32, #tpu.memory_space<vmem_shared>>) offsets(%arg12 : memref<128xi32, #tpu.memory_space<vmem>>) semaphore(%run_scoped3A_180 : memref<!tpu.dma_semaphore, #tpu.memory_space<semaphore_mem>>) {add = true}
        %dma_wait3A_188 = arith.constant 0 : i32
        %dma_wait3A_189 = arith.constant 0 : i32
        %dma_wait3A_190 = tpu.memref_slice %arg13[%run_scoped3A_172, %dma_wait3A_188, %dma_wait3A_189] : memref<2x128x128xf32, #tpu.memory_space<vmem>> -> memref<1x128x128xf32, #tpu.memory_space<vmem>>
        %dma_wait3A_191 = tpu.memref_squeeze %dma_wait3A_190 : memref<1x128x128xf32, #tpu.memory_space<vmem>> -> memref<128x128xf32, #tpu.memory_space<vmem>>
        %dma_wait3A_192 = arith.constant 0 : i32
        %dma_wait3A_193 = arith.constant 0 : i32
        %dma_wait3A_194 = tpu.memref_slice %arg7[%dma_wait3A_192, %dma_wait3A_193] : memref<10240x128xf32, #tpu.memory_space<vmem_shared>> -> memref<10240x128xf32, #tpu.memory_space<vmem_shared>>
        tpu.wait_indirect_dma semaphore(%run_scoped3A_180 : memref<!tpu.dma_semaphore, #tpu.memory_space<semaphore_mem>>) src(%dma_wait3A_191 : memref<128x128xf32, #tpu.memory_space<vmem>>) dst(%dma_wait3A_194 : memref<10240x128xf32, #tpu.memory_space<vmem_shared>>)
        tpu.yield
      }) : () -> ()
      "tpu.region"() ({
        %run_scoped3A_180 = tpu.sem_alloc : memref<!tpu.dma_semaphore, #tpu.memory_space<semaphore_mem>>
        %dma_start3A_181 = arith.constant 0 : i32
        %dma_start3A_182 = tpu.memref_slice %arg8[%dma_start3A_181] : memref<10240xf32, #tpu.memory_space<vmem_shared>> -> memref<10240xf32, #tpu.memory_space<vmem_shared>>
        tpu.enqueue_indirect_dma source(%arg14 : memref<128xf32, #tpu.memory_space<vmem>>) target(%dma_start3A_182 : memref<10240xf32, #tpu.memory_space<vmem_shared>>) offsets(%arg12 : memref<128xi32, #tpu.memory_space<vmem>>) semaphore(%run_scoped3A_180 : memref<!tpu.dma_semaphore, #tpu.memory_space<semaphore_mem>>) {add = true}
        %dma_wait3A_183 = arith.constant 0 : i32
        %dma_wait3A_184 = tpu.memref_slice %arg8[%dma_wait3A_183] : memref<10240xf32, #tpu.memory_space<vmem_shared>> -> memref<10240xf32, #tpu.memory_space<vmem_shared>>
        tpu.wait_indirect_dma semaphore(%run_scoped3A_180 : memref<!tpu.dma_semaphore, #tpu.memory_space<semaphore_mem>>) src(%arg14 : memref<128xf32, #tpu.memory_space<vmem>>) dst(%dma_wait3A_184 : memref<10240xf32, #tpu.memory_space<vmem_shared>>)
        tpu.yield
      }) : () -> ()
      %add3A_173 = arith.constant 3 : i32
      %add3A_174 = arith.addi %mul3A_130, %add3A_173 : i32
      %lt3A_175 = arith.constant 80 : i32
      %lt3A_176 = arith.cmpi slt, %add3A_174, %lt3A_175 : i32
      %convert_element_type3A_177 = arith.extui %lt3A_176 : i1 to i32
      %cond3A_178 = arith.constant 0 : i32
      %cond3A_179 = arith.cmpi ne, %convert_element_type3A_177, %cond3A_178 : i32
      scf.if %cond3A_179 {
        %add3A_180 = arith.constant 3 : i32
        %add3A_181 = arith.addi %mul3A_130, %add3A_180 : i32
        %mul3A_182 = arith.constant 128 : i32
        %mul3A_183 = arith.muli %add3A_181, %mul3A_182 : i32
        %add3A_184 = arith.addi %mul3A_4, %mul3A_183 : i32
        %dma_start3A_185 = tpu.memref_slice %arg4[%add3A_184] : memref<327680xi32, #tpu.memory_space<hbm>> -> memref<128xi32, #tpu.memory_space<hbm>>
        %dma_start3A_186 = tpu.memref_slice %arg4[%add3A_184] : memref<327680xi32, #tpu.memory_space<hbm>> -> memref<128xi32, #tpu.memory_space<hbm>>
        tpu.enqueue_dma source(%dma_start3A_186 : memref<128xi32, #tpu.memory_space<hbm>>) target(%arg12 : memref<128xi32, #tpu.memory_space<vmem>>) target_semaphore(%arg18 : memref<!tpu.dma_semaphore, #tpu.memory_space<semaphore_mem>>)
        %mul3A_187 = arith.constant 128 : i32
        %mul3A_188 = arith.muli %add3A_181, %mul3A_187 : i32
        %dma_start3A_189 = arith.constant 1 : i32
        %dma_start3A_190 = arith.constant 0 : i32
        %dma_start3A_191 = arith.constant 0 : i32
        %dma_start3A_192 = tpu.memref_slice %arg13[%dma_start3A_189, %dma_start3A_190, %dma_start3A_191] : memref<2x128x128xf32, #tpu.memory_space<vmem>> -> memref<1x128x128xf32, #tpu.memory_space<vmem>>
        %dma_start3A_193 = tpu.memref_squeeze %dma_start3A_192 : memref<1x128x128xf32, #tpu.memory_space<vmem>> -> memref<128x128xf32, #tpu.memory_space<vmem>>
        %dma_start3A_194 = tpu.memref_slice %arg10[%mul3A_188] : memref<10240xi32, #tpu.memory_space<vmem>> -> memref<128xi32, #tpu.memory_space<vmem>>
        %dma_start3A_195 = arith.constant 0 : i32
        %dma_start3A_196 = arith.constant 0 : i32
        %dma_start3A_197 = tpu.memref_slice %arg2[%dma_start3A_195, %dma_start3A_196] : memref<10000x128xf32, #tpu.memory_space<hbm>> -> memref<10000x128xf32, #tpu.memory_space<hbm>>
        tpu.enqueue_indirect_dma source(%dma_start3A_197 : memref<10000x128xf32, #tpu.memory_space<hbm>>) target(%dma_start3A_193 : memref<128x128xf32, #tpu.memory_space<vmem>>) offsets(%dma_start3A_194 : memref<128xi32, #tpu.memory_space<vmem>>) semaphore(%arg16 : memref<!tpu.dma_semaphore, #tpu.memory_space<semaphore_mem>>)
      } else {
      }
    }
    %scan3A_108 = arith.constant 40 : i32
    %barrier3A_109 = arith.constant 0 : index
    tpu.barrier barrier_id(%barrier3A_109)
    %mul3A_110 = arith.constant 10000 : i32
    %mul3A_111 = arith.muli %arg0, %mul3A_110 : i32
    %mul3A_112 = arith.constant 640 : i32
    %mul3A_113 = arith.muli %arg1, %mul3A_112 : i32
    %add3A_114 = arith.addi %mul3A_111, %mul3A_113 : i32
    %lt3A = arith.constant 15 : i32
    %lt3A_115 = arith.cmpi slt, %arg1, %lt3A : i32
    %convert_element_type3A = arith.extui %lt3A_115 : i1 to i32
    %cond3A = arith.constant 0 : i32
    %cond3A_116 = arith.cmpi ne, %convert_element_type3A, %cond3A : i32
    scf.if %cond3A_116 {
      %mul3A_128 = arith.constant 640 : i32
      %mul3A_129 = arith.muli %arg1, %mul3A_128 : i32
      %add3A_130 = arith.constant 0 : i32
      %add3A_131 = arith.addi %mul3A_129, %add3A_130 : i32
      %add3A_132 = arith.constant 0 : i32
      %add3A_133 = arith.addi %add3A_114, %add3A_132 : i32
      "tpu.region"() ({
        %run_scoped3A_158 = tpu.sem_alloc : memref<!tpu.dma_semaphore, #tpu.memory_space<semaphore_mem>>
        %dma_start3A_159 = arith.constant 0 : i32
        %dma_start3A_160 = tpu.memref_slice %arg5[%add3A_133, %dma_start3A_159] : memref<20000x128xf32, #tpu.memory_space<hbm>> -> memref<128x128xf32, #tpu.memory_space<hbm>>
        %dma_start3A_161 = arith.constant 0 : i32
        %dma_start3A_162 = tpu.memref_slice %arg7[%add3A_131, %dma_start3A_161] : memref<10240x128xf32, #tpu.memory_space<vmem_shared>> -> memref<128x128xf32, #tpu.memory_space<vmem_shared>>
        tpu.enqueue_dma source(%dma_start3A_162 : memref<128x128xf32, #tpu.memory_space<vmem_shared>>) target(%dma_start3A_160 : memref<128x128xf32, #tpu.memory_space<hbm>>) target_semaphore(%run_scoped3A_158 : memref<!tpu.dma_semaphore, #tpu.memory_space<semaphore_mem>>)
        %dma_wait3A = arith.constant 0 : i32
        %dma_wait3A_163 = tpu.memref_slice %arg5[%add3A_133, %dma_wait3A] : memref<20000x128xf32, #tpu.memory_space<hbm>> -> memref<128x128xf32, #tpu.memory_space<hbm>>
        %dma_wait3A_164 = arith.constant 0 : i32
        %dma_wait3A_165 = tpu.memref_slice %arg7[%add3A_131, %dma_wait3A_164] : memref<10240x128xf32, #tpu.memory_space<vmem_shared>> -> memref<128x128xf32, #tpu.memory_space<vmem_shared>>
        tpu.wait_dma2 semaphore(%run_scoped3A_158 : memref<!tpu.dma_semaphore, #tpu.memory_space<semaphore_mem>>) src(%dma_wait3A_165 : memref<128x128xf32, #tpu.memory_space<vmem_shared>>) dst(%dma_wait3A_163 : memref<128x128xf32, #tpu.memory_space<hbm>>)
        tpu.yield
      }) : () -> ()
      %mul3A_134 = arith.constant 640 : i32
      %mul3A_135 = arith.muli %arg1, %mul3A_134 : i32
      %add3A_136 = arith.constant 128 : i32
      %add3A_137 = arith.addi %mul3A_135, %add3A_136 : i32
      %add3A_138 = arith.constant 128 : i32
      %add3A_139 = arith.addi %add3A_114, %add3A_138 : i32
      "tpu.region"() ({
        %run_scoped3A_158 = tpu.sem_alloc : memref<!tpu.dma_semaphore, #tpu.memory_space<semaphore_mem>>
        %dma_start3A_159 = arith.constant 0 : i32
        %dma_start3A_160 = tpu.memref_slice %arg5[%add3A_139, %dma_start3A_159] : memref<20000x128xf32, #tpu.memory_space<hbm>> -> memref<128x128xf32, #tpu.memory_space<hbm>>
        %dma_start3A_161 = arith.constant 0 : i32
        %dma_start3A_162 = tpu.memref_slice %arg7[%add3A_137, %dma_start3A_161] : memref<10240x128xf32, #tpu.memory_space<vmem_shared>> -> memref<128x128xf32, #tpu.memory_space<vmem_shared>>
        tpu.enqueue_dma source(%dma_start3A_162 : memref<128x128xf32, #tpu.memory_space<vmem_shared>>) target(%dma_start3A_160 : memref<128x128xf32, #tpu.memory_space<hbm>>) target_semaphore(%run_scoped3A_158 : memref<!tpu.dma_semaphore, #tpu.memory_space<semaphore_mem>>)
        %dma_wait3A = arith.constant 0 : i32
        %dma_wait3A_163 = tpu.memref_slice %arg5[%add3A_139, %dma_wait3A] : memref<20000x128xf32, #tpu.memory_space<hbm>> -> memref<128x128xf32, #tpu.memory_space<hbm>>
        %dma_wait3A_164 = arith.constant 0 : i32
        %dma_wait3A_165 = tpu.memref_slice %arg7[%add3A_137, %dma_wait3A_164] : memref<10240x128xf32, #tpu.memory_space<vmem_shared>> -> memref<128x128xf32, #tpu.memory_space<vmem_shared>>
        tpu.wait_dma2 semaphore(%run_scoped3A_158 : memref<!tpu.dma_semaphore, #tpu.memory_space<semaphore_mem>>) src(%dma_wait3A_165 : memref<128x128xf32, #tpu.memory_space<vmem_shared>>) dst(%dma_wait3A_163 : memref<128x128xf32, #tpu.memory_space<hbm>>)
        tpu.yield
      }) : () -> ()
      %mul3A_140 = arith.constant 640 : i32
      %mul3A_141 = arith.muli %arg1, %mul3A_140 : i32
      %add3A_142 = arith.constant 256 : i32
      %add3A_143 = arith.addi %mul3A_141, %add3A_142 : i32
      %add3A_144 = arith.constant 256 : i32
      %add3A_145 = arith.addi %add3A_114, %add3A_144 : i32
      "tpu.region"() ({
        %run_scoped3A_158 = tpu.sem_alloc : memref<!tpu.dma_semaphore, #tpu.memory_space<semaphore_mem>>
        %dma_start3A_159 = arith.constant 0 : i32
        %dma_start3A_160 = tpu.memref_slice %arg5[%add3A_145, %dma_start3A_159] : memref<20000x128xf32, #tpu.memory_space<hbm>> -> memref<128x128xf32, #tpu.memory_space<hbm>>
        %dma_start3A_161 = arith.constant 0 : i32
        %dma_start3A_162 = tpu.memref_slice %arg7[%add3A_143, %dma_start3A_161] : memref<10240x128xf32, #tpu.memory_space<vmem_shared>> -> memref<128x128xf32, #tpu.memory_space<vmem_shared>>
        tpu.enqueue_dma source(%dma_start3A_162 : memref<128x128xf32, #tpu.memory_space<vmem_shared>>) target(%dma_start3A_160 : memref<128x128xf32, #tpu.memory_space<hbm>>) target_semaphore(%run_scoped3A_158 : memref<!tpu.dma_semaphore, #tpu.memory_space<semaphore_mem>>)
        %dma_wait3A = arith.constant 0 : i32
        %dma_wait3A_163 = tpu.memref_slice %arg5[%add3A_145, %dma_wait3A] : memref<20000x128xf32, #tpu.memory_space<hbm>> -> memref<128x128xf32, #tpu.memory_space<hbm>>
        %dma_wait3A_164 = arith.constant 0 : i32
        %dma_wait3A_165 = tpu.memref_slice %arg7[%add3A_143, %dma_wait3A_164] : memref<10240x128xf32, #tpu.memory_space<vmem_shared>> -> memref<128x128xf32, #tpu.memory_space<vmem_shared>>
        tpu.wait_dma2 semaphore(%run_scoped3A_158 : memref<!tpu.dma_semaphore, #tpu.memory_space<semaphore_mem>>) src(%dma_wait3A_165 : memref<128x128xf32, #tpu.memory_space<vmem_shared>>) dst(%dma_wait3A_163 : memref<128x128xf32, #tpu.memory_space<hbm>>)
        tpu.yield
      }) : () -> ()
      %mul3A_146 = arith.constant 640 : i32
      %mul3A_147 = arith.muli %arg1, %mul3A_146 : i32
      %add3A_148 = arith.constant 384 : i32
      %add3A_149 = arith.addi %mul3A_147, %add3A_148 : i32
      %add3A_150 = arith.constant 384 : i32
      %add3A_151 = arith.addi %add3A_114, %add3A_150 : i32
      "tpu.region"() ({
        %run_scoped3A_158 = tpu.sem_alloc : memref<!tpu.dma_semaphore, #tpu.memory_space<semaphore_mem>>
        %dma_start3A_159 = arith.constant 0 : i32
        %dma_start3A_160 = tpu.memref_slice %arg5[%add3A_151, %dma_start3A_159] : memref<20000x128xf32, #tpu.memory_space<hbm>> -> memref<128x128xf32, #tpu.memory_space<hbm>>
        %dma_start3A_161 = arith.constant 0 : i32
        %dma_start3A_162 = tpu.memref_slice %arg7[%add3A_149, %dma_start3A_161] : memref<10240x128xf32, #tpu.memory_space<vmem_shared>> -> memref<128x128xf32, #tpu.memory_space<vmem_shared>>
        tpu.enqueue_dma source(%dma_start3A_162 : memref<128x128xf32, #tpu.memory_space<vmem_shared>>) target(%dma_start3A_160 : memref<128x128xf32, #tpu.memory_space<hbm>>) target_semaphore(%run_scoped3A_158 : memref<!tpu.dma_semaphore, #tpu.memory_space<semaphore_mem>>)
        %dma_wait3A = arith.constant 0 : i32
        %dma_wait3A_163 = tpu.memref_slice %arg5[%add3A_151, %dma_wait3A] : memref<20000x128xf32, #tpu.memory_space<hbm>> -> memref<128x128xf32, #tpu.memory_space<hbm>>
        %dma_wait3A_164 = arith.constant 0 : i32
        %dma_wait3A_165 = tpu.memref_slice %arg7[%add3A_149, %dma_wait3A_164] : memref<10240x128xf32, #tpu.memory_space<vmem_shared>> -> memref<128x128xf32, #tpu.memory_space<vmem_shared>>
        tpu.wait_dma2 semaphore(%run_scoped3A_158 : memref<!tpu.dma_semaphore, #tpu.memory_space<semaphore_mem>>) src(%dma_wait3A_165 : memref<128x128xf32, #tpu.memory_space<vmem_shared>>) dst(%dma_wait3A_163 : memref<128x128xf32, #tpu.memory_space<hbm>>)
        tpu.yield
      }) : () -> ()
      %mul3A_152 = arith.constant 640 : i32
      %mul3A_153 = arith.muli %arg1, %mul3A_152 : i32
      %add3A_154 = arith.constant 512 : i32
      %add3A_155 = arith.addi %mul3A_153, %add3A_154 : i32
      %add3A_156 = arith.constant 512 : i32
      %add3A_157 = arith.addi %add3A_114, %add3A_156 : i32
      "tpu.region"() ({
        %run_scoped3A_158 = tpu.sem_alloc : memref<!tpu.dma_semaphore, #tpu.memory_space<semaphore_mem>>
        %dma_start3A_159 = arith.constant 0 : i32
        %dma_start3A_160 = tpu.memref_slice %arg5[%add3A_157, %dma_start3A_159] : memref<20000x128xf32, #tpu.memory_space<hbm>> -> memref<128x128xf32, #tpu.memory_space<hbm>>
        %dma_start3A_161 = arith.constant 0 : i32
        %dma_start3A_162 = tpu.memref_slice %arg7[%add3A_155, %dma_start3A_161] : memref<10240x128xf32, #tpu.memory_space<vmem_shared>> -> memref<128x128xf32, #tpu.memory_space<vmem_shared>>
        tpu.enqueue_dma source(%dma_start3A_162 : memref<128x128xf32, #tpu.memory_space<vmem_shared>>) target(%dma_start3A_160 : memref<128x128xf32, #tpu.memory_space<hbm>>) target_semaphore(%run_scoped3A_158 : memref<!tpu.dma_semaphore, #tpu.memory_space<semaphore_mem>>)
        %dma_wait3A = arith.constant 0 : i32
        %dma_wait3A_163 = tpu.memref_slice %arg5[%add3A_157, %dma_wait3A] : memref<20000x128xf32, #tpu.memory_space<hbm>> -> memref<128x128xf32, #tpu.memory_space<hbm>>
        %dma_wait3A_164 = arith.constant 0 : i32
        %dma_wait3A_165 = tpu.memref_slice %arg7[%add3A_155, %dma_wait3A_164] : memref<10240x128xf32, #tpu.memory_space<vmem_shared>> -> memref<128x128xf32, #tpu.memory_space<vmem_shared>>
        tpu.wait_dma2 semaphore(%run_scoped3A_158 : memref<!tpu.dma_semaphore, #tpu.memory_space<semaphore_mem>>) src(%dma_wait3A_165 : memref<128x128xf32, #tpu.memory_space<vmem_shared>>) dst(%dma_wait3A_163 : memref<128x128xf32, #tpu.memory_space<hbm>>)
        tpu.yield
      }) : () -> ()
    } else {
    }
    %eq3A = arith.constant 15 : i32
    %eq3A_117 = arith.cmpi eq, %arg1, %eq3A : i32
    %convert_element_type3A_118 = arith.extui %eq3A_117 : i1 to i32
    %cond3A_119 = arith.constant 0 : i32
    %cond3A_120 = arith.cmpi ne, %convert_element_type3A_118, %cond3A_119 : i32
    scf.if %cond3A_120 {
      %mul3A_128 = arith.constant 640 : i32
      %mul3A_129 = arith.muli %arg1, %mul3A_128 : i32
      %add3A_130 = arith.constant 0 : i32
      %add3A_131 = arith.addi %mul3A_129, %add3A_130 : i32
      %add3A_132 = arith.constant 0 : i32
      %add3A_133 = arith.addi %add3A_114, %add3A_132 : i32
      "tpu.region"() ({
        %run_scoped3A_152 = tpu.sem_alloc : memref<!tpu.dma_semaphore, #tpu.memory_space<semaphore_mem>>
        %dma_start3A_153 = arith.constant 0 : i32
        %dma_start3A_154 = tpu.memref_slice %arg5[%add3A_133, %dma_start3A_153] : memref<20000x128xf32, #tpu.memory_space<hbm>> -> memref<128x128xf32, #tpu.memory_space<hbm>>
        %dma_start3A_155 = arith.constant 0 : i32
        %dma_start3A_156 = tpu.memref_slice %arg7[%add3A_131, %dma_start3A_155] : memref<10240x128xf32, #tpu.memory_space<vmem_shared>> -> memref<128x128xf32, #tpu.memory_space<vmem_shared>>
        tpu.enqueue_dma source(%dma_start3A_156 : memref<128x128xf32, #tpu.memory_space<vmem_shared>>) target(%dma_start3A_154 : memref<128x128xf32, #tpu.memory_space<hbm>>) target_semaphore(%run_scoped3A_152 : memref<!tpu.dma_semaphore, #tpu.memory_space<semaphore_mem>>)
        %dma_wait3A = arith.constant 0 : i32
        %dma_wait3A_157 = tpu.memref_slice %arg5[%add3A_133, %dma_wait3A] : memref<20000x128xf32, #tpu.memory_space<hbm>> -> memref<128x128xf32, #tpu.memory_space<hbm>>
        %dma_wait3A_158 = arith.constant 0 : i32
        %dma_wait3A_159 = tpu.memref_slice %arg7[%add3A_131, %dma_wait3A_158] : memref<10240x128xf32, #tpu.memory_space<vmem_shared>> -> memref<128x128xf32, #tpu.memory_space<vmem_shared>>
        tpu.wait_dma2 semaphore(%run_scoped3A_152 : memref<!tpu.dma_semaphore, #tpu.memory_space<semaphore_mem>>) src(%dma_wait3A_159 : memref<128x128xf32, #tpu.memory_space<vmem_shared>>) dst(%dma_wait3A_157 : memref<128x128xf32, #tpu.memory_space<hbm>>)
        tpu.yield
      }) : () -> ()
      %mul3A_134 = arith.constant 640 : i32
      %mul3A_135 = arith.muli %arg1, %mul3A_134 : i32
      %add3A_136 = arith.constant 128 : i32
      %add3A_137 = arith.addi %mul3A_135, %add3A_136 : i32
      %add3A_138 = arith.constant 128 : i32
      %add3A_139 = arith.addi %add3A_114, %add3A_138 : i32
      "tpu.region"() ({
        %run_scoped3A_152 = tpu.sem_alloc : memref<!tpu.dma_semaphore, #tpu.memory_space<semaphore_mem>>
        %dma_start3A_153 = arith.constant 0 : i32
        %dma_start3A_154 = tpu.memref_slice %arg5[%add3A_139, %dma_start3A_153] : memref<20000x128xf32, #tpu.memory_space<hbm>> -> memref<128x128xf32, #tpu.memory_space<hbm>>
        %dma_start3A_155 = arith.constant 0 : i32
        %dma_start3A_156 = tpu.memref_slice %arg7[%add3A_137, %dma_start3A_155] : memref<10240x128xf32, #tpu.memory_space<vmem_shared>> -> memref<128x128xf32, #tpu.memory_space<vmem_shared>>
        tpu.enqueue_dma source(%dma_start3A_156 : memref<128x128xf32, #tpu.memory_space<vmem_shared>>) target(%dma_start3A_154 : memref<128x128xf32, #tpu.memory_space<hbm>>) target_semaphore(%run_scoped3A_152 : memref<!tpu.dma_semaphore, #tpu.memory_space<semaphore_mem>>)
        %dma_wait3A = arith.constant 0 : i32
        %dma_wait3A_157 = tpu.memref_slice %arg5[%add3A_139, %dma_wait3A] : memref<20000x128xf32, #tpu.memory_space<hbm>> -> memref<128x128xf32, #tpu.memory_space<hbm>>
        %dma_wait3A_158 = arith.constant 0 : i32
        %dma_wait3A_159 = tpu.memref_slice %arg7[%add3A_137, %dma_wait3A_158] : memref<10240x128xf32, #tpu.memory_space<vmem_shared>> -> memref<128x128xf32, #tpu.memory_space<vmem_shared>>
        tpu.wait_dma2 semaphore(%run_scoped3A_152 : memref<!tpu.dma_semaphore, #tpu.memory_space<semaphore_mem>>) src(%dma_wait3A_159 : memref<128x128xf32, #tpu.memory_space<vmem_shared>>) dst(%dma_wait3A_157 : memref<128x128xf32, #tpu.memory_space<hbm>>)
        tpu.yield
      }) : () -> ()
      %mul3A_140 = arith.constant 640 : i32
      %mul3A_141 = arith.muli %arg1, %mul3A_140 : i32
      %add3A_142 = arith.constant 256 : i32
      %add3A_143 = arith.addi %mul3A_141, %add3A_142 : i32
      %add3A_144 = arith.constant 256 : i32
      %add3A_145 = arith.addi %add3A_114, %add3A_144 : i32
      "tpu.region"() ({
        %run_scoped3A_152 = tpu.sem_alloc : memref<!tpu.dma_semaphore, #tpu.memory_space<semaphore_mem>>
        %dma_start3A_153 = arith.constant 0 : i32
        %dma_start3A_154 = tpu.memref_slice %arg5[%add3A_145, %dma_start3A_153] : memref<20000x128xf32, #tpu.memory_space<hbm>> -> memref<128x128xf32, #tpu.memory_space<hbm>>
        %dma_start3A_155 = arith.constant 0 : i32
        %dma_start3A_156 = tpu.memref_slice %arg7[%add3A_143, %dma_start3A_155] : memref<10240x128xf32, #tpu.memory_space<vmem_shared>> -> memref<128x128xf32, #tpu.memory_space<vmem_shared>>
        tpu.enqueue_dma source(%dma_start3A_156 : memref<128x128xf32, #tpu.memory_space<vmem_shared>>) target(%dma_start3A_154 : memref<128x128xf32, #tpu.memory_space<hbm>>) target_semaphore(%run_scoped3A_152 : memref<!tpu.dma_semaphore, #tpu.memory_space<semaphore_mem>>)
        %dma_wait3A = arith.constant 0 : i32
        %dma_wait3A_157 = tpu.memref_slice %arg5[%add3A_145, %dma_wait3A] : memref<20000x128xf32, #tpu.memory_space<hbm>> -> memref<128x128xf32, #tpu.memory_space<hbm>>
        %dma_wait3A_158 = arith.constant 0 : i32
        %dma_wait3A_159 = tpu.memref_slice %arg7[%add3A_143, %dma_wait3A_158] : memref<10240x128xf32, #tpu.memory_space<vmem_shared>> -> memref<128x128xf32, #tpu.memory_space<vmem_shared>>
        tpu.wait_dma2 semaphore(%run_scoped3A_152 : memref<!tpu.dma_semaphore, #tpu.memory_space<semaphore_mem>>) src(%dma_wait3A_159 : memref<128x128xf32, #tpu.memory_space<vmem_shared>>) dst(%dma_wait3A_157 : memref<128x128xf32, #tpu.memory_space<hbm>>)
        tpu.yield
      }) : () -> ()
      %mul3A_146 = arith.constant 640 : i32
      %mul3A_147 = arith.muli %arg1, %mul3A_146 : i32
      %add3A_148 = arith.constant 384 : i32
      %add3A_149 = arith.addi %mul3A_147, %add3A_148 : i32
      %add3A_150 = arith.constant 384 : i32
      %add3A_151 = arith.addi %add3A_114, %add3A_150 : i32
      "tpu.region"() ({
        %run_scoped3A_152 = tpu.sem_alloc : memref<!tpu.dma_semaphore, #tpu.memory_space<semaphore_mem>>
        %dma_start3A_153 = arith.constant 0 : i32
        %dma_start3A_154 = tpu.memref_slice %arg5[%add3A_151, %dma_start3A_153] : memref<20000x128xf32, #tpu.memory_space<hbm>> -> memref<16x128xf32, #tpu.memory_space<hbm>>
        %dma_start3A_155 = arith.constant 0 : i32
        %dma_start3A_156 = tpu.memref_slice %arg7[%add3A_149, %dma_start3A_155] : memref<10240x128xf32, #tpu.memory_space<vmem_shared>> -> memref<16x128xf32, #tpu.memory_space<vmem_shared>>
        tpu.enqueue_dma source(%dma_start3A_156 : memref<16x128xf32, #tpu.memory_space<vmem_shared>>) target(%dma_start3A_154 : memref<16x128xf32, #tpu.memory_space<hbm>>) target_semaphore(%run_scoped3A_152 : memref<!tpu.dma_semaphore, #tpu.memory_space<semaphore_mem>>)
        %dma_wait3A = arith.constant 0 : i32
        %dma_wait3A_157 = tpu.memref_slice %arg5[%add3A_151, %dma_wait3A] : memref<20000x128xf32, #tpu.memory_space<hbm>> -> memref<16x128xf32, #tpu.memory_space<hbm>>
        %dma_wait3A_158 = arith.constant 0 : i32
        %dma_wait3A_159 = tpu.memref_slice %arg7[%add3A_149, %dma_wait3A_158] : memref<10240x128xf32, #tpu.memory_space<vmem_shared>> -> memref<16x128xf32, #tpu.memory_space<vmem_shared>>
        tpu.wait_dma2 semaphore(%run_scoped3A_152 : memref<!tpu.dma_semaphore, #tpu.memory_space<semaphore_mem>>) src(%dma_wait3A_159 : memref<16x128xf32, #tpu.memory_space<vmem_shared>>) dst(%dma_wait3A_157 : memref<16x128xf32, #tpu.memory_space<hbm>>)
        tpu.yield
      }) : () -> ()
    } else {
    }
    %mul3A_121 = arith.constant 640 : i32
    %mul3A_122 = arith.muli %arg1, %mul3A_121 : i32
    %mul3A_123 = arith.constant 10240 : i32
    %mul3A_124 = arith.muli %arg0, %mul3A_123 : i32
    %mul3A_125 = arith.constant 640 : i32
    %mul3A_126 = arith.muli %arg1, %mul3A_125 : i32
    %add3A_127 = arith.addi %mul3A_124, %mul3A_126 : i32
    "tpu.region"() ({
      %run_scoped3A_128 = tpu.sem_alloc : memref<!tpu.dma_semaphore, #tpu.memory_space<semaphore_mem>>
      %dma_start3A_129 = tpu.memref_slice %arg6[%add3A_127] : memref<20480xf32, #tpu.memory_space<hbm>> -> memref<640xf32, #tpu.memory_space<hbm>>
      %dma_start3A_130 = tpu.memref_slice %arg8[%mul3A_122] : memref<10240xf32, #tpu.memory_space<vmem_shared>> -> memref<640xf32, #tpu.memory_space<vmem_shared>>
      tpu.enqueue_dma source(%dma_start3A_130 : memref<640xf32, #tpu.memory_space<vmem_shared>>) target(%dma_start3A_129 : memref<640xf32, #tpu.memory_space<hbm>>) target_semaphore(%run_scoped3A_128 : memref<!tpu.dma_semaphore, #tpu.memory_space<semaphore_mem>>)
      %dma_wait3A = tpu.memref_slice %arg6[%add3A_127] : memref<20480xf32, #tpu.memory_space<hbm>> -> memref<640xf32, #tpu.memory_space<hbm>>
      %dma_wait3A_131 = tpu.memref_slice %arg8[%mul3A_122] : memref<10240xf32, #tpu.memory_space<vmem_shared>> -> memref<640xf32, #tpu.memory_space<vmem_shared>>
      tpu.wait_dma2 semaphore(%run_scoped3A_128 : memref<!tpu.dma_semaphore, #tpu.memory_space<semaphore_mem>>) src(%dma_wait3A_131 : memref<640xf32, #tpu.memory_space<vmem_shared>>) dst(%dma_wait3A : memref<640xf32, #tpu.memory_space<hbm>>)
      tpu.yield
    }) : () -> ()
    return
  }
}

#map = affine_map<(d0, d1) -> (0, 0)>
#map1 = affine_map<(d0, d1) -> (0)>
module attributes {stable_mosaic.version = 14 : i64} {
  func.func @_agg_body(%arg0: i32, %arg1: i32, %arg2: memref<10000x128xf32, #tpu.memory_space<hbm>>, %arg3: memref<327680xi32, #tpu.memory_space<hbm>>, %arg4: memref<327680xi32, #tpu.memory_space<hbm>>, %arg5: memref<20000x128xf32, #tpu.memory_space<hbm>>, %arg6: memref<10240x128xf32, #tpu.memory_space<vmem_shared>>, %arg7: memref<10240xi32, #tpu.memory_space<vmem>>, %arg8: memref<128xi32, #tpu.memory_space<vmem>>, %arg9: memref<128xi32, #tpu.memory_space<vmem>>, %arg10: memref<2x128x128xf32, #tpu.memory_space<vmem>>, %arg11: memref<!tpu.dma_semaphore, #tpu.memory_space<semaphore_mem>>, %arg12: memref<!tpu.dma_semaphore, #tpu.memory_space<semaphore_mem>>, %arg13: memref<!tpu.dma_semaphore, #tpu.memory_space<semaphore_mem>>, %arg14: memref<!tpu.dma_semaphore, #tpu.memory_space<semaphore_mem>>) attributes {dimension_semantics = [#tpu.dimension_semantics<core_parallel>, #tpu.dimension_semantics<subcore_parallel>], iteration_bounds = array<i64: 2, 16>, scalar_prefetch = 0 : i64, scratch_operands = 9 : i64, tpu.core_type = #tpu.core_type<sc_vector_subcore>, window_params = [{transform_indices = #map}, {transform_indices = #map1}, {transform_indices = #map1}, {transform_indices = #map}]} {
    %mul3A = arith.constant 16 : i32
    %mul3A_0 = arith.muli %arg0, %mul3A : i32
    %add3A = arith.addi %mul3A_0, %arg1 : i32
    %mul3A_1 = arith.constant 80 : i32
    %mul3A_2 = arith.muli %add3A, %mul3A_1 : i32
    %mul3A_3 = arith.constant 128 : i32
    %mul3A_4 = arith.muli %mul3A_2, %mul3A_3 : i32
    "tpu.region"() ({
      %run_scoped3A_80 = tpu.sem_alloc : memref<!tpu.dma_semaphore, #tpu.memory_space<semaphore_mem>>
      %dma_start3A_81 = tpu.memref_slice %arg3[%mul3A_4] : memref<327680xi32, #tpu.memory_space<hbm>> -> memref<10240xi32, #tpu.memory_space<hbm>>
      %dma_start3A_82 = tpu.memref_slice %arg3[%mul3A_4] : memref<327680xi32, #tpu.memory_space<hbm>> -> memref<10240xi32, #tpu.memory_space<hbm>>
      tpu.enqueue_dma source(%dma_start3A_82 : memref<10240xi32, #tpu.memory_space<hbm>>) target(%arg7 : memref<10240xi32, #tpu.memory_space<vmem>>) target_semaphore(%run_scoped3A_80 : memref<!tpu.dma_semaphore, #tpu.memory_space<semaphore_mem>>)
      %dma_wait3A = tpu.memref_slice %arg3[%mul3A_4] : memref<327680xi32, #tpu.memory_space<hbm>> -> memref<10240xi32, #tpu.memory_space<hbm>>
      %dma_wait3A_83 = tpu.memref_slice %arg3[%mul3A_4] : memref<327680xi32, #tpu.memory_space<hbm>> -> memref<10240xi32, #tpu.memory_space<hbm>>
      tpu.wait_dma2 semaphore(%run_scoped3A_80 : memref<!tpu.dma_semaphore, #tpu.memory_space<semaphore_mem>>) src(%dma_wait3A_83 : memref<10240xi32, #tpu.memory_space<hbm>>) dst(%arg7 : memref<10240xi32, #tpu.memory_space<vmem>>)
      tpu.yield
    }) : () -> ()
    %broadcast_in_dim3A = arith.constant 0.000000e+00 : f32
    %broadcast_in_dim3A_5 = vector.broadcast %broadcast_in_dim3A : f32 to vector<16xf32>
    %scan3A = arith.constant 0 : i32
    %scan3A_6 = arith.constant 0 : i32
    %scan3A_7 = arith.constant 128 : i32
    %scan3A_8 = arith.addi %scan3A_6, %scan3A_7 : i32
    %scan3A_9 = arith.constant 1 : i32
    scf.for %scan3A_80 = %scan3A_6 to %scan3A_8 step %scan3A_9  : i32 {
      %swap3A = arith.constant 0 : i32
      %swap3A_81 = arith.index_cast %swap3A : i32 to index
      %swap3A_82 = arith.index_cast %scan3A_80 : i32 to index
      %swap3A_83 = arith.constant 0 : index
      %swap3A_84 = tpu.vector_load %arg10[%swap3A_81, %swap3A_82, %swap3A_83] {strides = array<i32>} : memref<2x128x128xf32, #tpu.memory_space<vmem>>, vector<1x1x16xf32>,
      %swap3A_85 = vector.shape_cast %swap3A_84 : vector<1x1x16xf32> to vector<16xf32>
      %swap3A_86 = vector.shape_cast %broadcast_in_dim3A_5 : vector<16xf32> to vector<1x1x16xf32>
      tpu.vector_store %arg10[%swap3A_81, %swap3A_82, %swap3A_83], %swap3A_86 {strides = array<i32>} : memref<2x128x128xf32, #tpu.memory_space<vmem>>, vector<1x1x16xf32>,
      %swap3A_87 = arith.constant 0 : i32
      %swap3A_88 = arith.index_cast %swap3A_87 : i32 to index
      %swap3A_89 = arith.index_cast %scan3A_80 : i32 to index
      %swap3A_90 = arith.constant 16 : index
      %swap3A_91 = tpu.vector_load %arg10[%swap3A_88, %swap3A_89, %swap3A_90] {strides = array<i32>} : memref<2x128x128xf32, #tpu.memory_space<vmem>>, vector<1x1x16xf32>,
      %swap3A_92 = vector.shape_cast %swap3A_91 : vector<1x1x16xf32> to vector<16xf32>
      %swap3A_93 = vector.shape_cast %broadcast_in_dim3A_5 : vector<16xf32> to vector<1x1x16xf32>
      tpu.vector_store %arg10[%swap3A_88, %swap3A_89, %swap3A_90], %swap3A_93 {strides = array<i32>} : memref<2x128x128xf32, #tpu.memory_space<vmem>>, vector<1x1x16xf32>,
      %swap3A_94 = arith.constant 0 : i32
      %swap3A_95 = arith.index_cast %swap3A_94 : i32 to index
      %swap3A_96 = arith.index_cast %scan3A_80 : i32 to index
      %swap3A_97 = arith.constant 32 : index
      %swap3A_98 = tpu.vector_load %arg10[%swap3A_95, %swap3A_96, %swap3A_97] {strides = array<i32>} : memref<2x128x128xf32, #tpu.memory_space<vmem>>, vector<1x1x16xf32>,
      %swap3A_99 = vector.shape_cast %swap3A_98 : vector<1x1x16xf32> to vector<16xf32>
      %swap3A_100 = vector.shape_cast %broadcast_in_dim3A_5 : vector<16xf32> to vector<1x1x16xf32>
      tpu.vector_store %arg10[%swap3A_95, %swap3A_96, %swap3A_97], %swap3A_100 {strides = array<i32>} : memref<2x128x128xf32, #tpu.memory_space<vmem>>, vector<1x1x16xf32>,
      %swap3A_101 = arith.constant 0 : i32
      %swap3A_102 = arith.index_cast %swap3A_101 : i32 to index
      %swap3A_103 = arith.index_cast %scan3A_80 : i32 to index
      %swap3A_104 = arith.constant 48 : index
      %swap3A_105 = tpu.vector_load %arg10[%swap3A_102, %swap3A_103, %swap3A_104] {strides = array<i32>} : memref<2x128x128xf32, #tpu.memory_space<vmem>>, vector<1x1x16xf32>,
      %swap3A_106 = vector.shape_cast %swap3A_105 : vector<1x1x16xf32> to vector<16xf32>
      %swap3A_107 = vector.shape_cast %broadcast_in_dim3A_5 : vector<16xf32> to vector<1x1x16xf32>
      tpu.vector_store %arg10[%swap3A_102, %swap3A_103, %swap3A_104], %swap3A_107 {strides = array<i32>} : memref<2x128x128xf32, #tpu.memory_space<vmem>>, vector<1x1x16xf32>,
      %swap3A_108 = arith.constant 0 : i32
      %swap3A_109 = arith.index_cast %swap3A_108 : i32 to index
      %swap3A_110 = arith.index_cast %scan3A_80 : i32 to index
      %swap3A_111 = arith.constant 64 : index
      %swap3A_112 = tpu.vector_load %arg10[%swap3A_109, %swap3A_110, %swap3A_111] {strides = array<i32>} : memref<2x128x128xf32, #tpu.memory_space<vmem>>, vector<1x1x16xf32>,
      %swap3A_113 = vector.shape_cast %swap3A_112 : vector<1x1x16xf32> to vector<16xf32>
      %swap3A_114 = vector.shape_cast %broadcast_in_dim3A_5 : vector<16xf32> to vector<1x1x16xf32>
      tpu.vector_store %arg10[%swap3A_109, %swap3A_110, %swap3A_111], %swap3A_114 {strides = array<i32>} : memref<2x128x128xf32, #tpu.memory_space<vmem>>, vector<1x1x16xf32>,
      %swap3A_115 = arith.constant 0 : i32
      %swap3A_116 = arith.index_cast %swap3A_115 : i32 to index
      %swap3A_117 = arith.index_cast %scan3A_80 : i32 to index
      %swap3A_118 = arith.constant 80 : index
      %swap3A_119 = tpu.vector_load %arg10[%swap3A_116, %swap3A_117, %swap3A_118] {strides = array<i32>} : memref<2x128x128xf32, #tpu.memory_space<vmem>>, vector<1x1x16xf32>,
      %swap3A_120 = vector.shape_cast %swap3A_119 : vector<1x1x16xf32> to vector<16xf32>
      %swap3A_121 = vector.shape_cast %broadcast_in_dim3A_5 : vector<16xf32> to vector<1x1x16xf32>
      tpu.vector_store %arg10[%swap3A_116, %swap3A_117, %swap3A_118], %swap3A_121 {strides = array<i32>} : memref<2x128x128xf32, #tpu.memory_space<vmem>>, vector<1x1x16xf32>,
      %swap3A_122 = arith.constant 0 : i32
      %swap3A_123 = arith.index_cast %swap3A_122 : i32 to index
      %swap3A_124 = arith.index_cast %scan3A_80 : i32 to index
      %swap3A_125 = arith.constant 96 : index
      %swap3A_126 = tpu.vector_load %arg10[%swap3A_123, %swap3A_124, %swap3A_125] {strides = array<i32>} : memref<2x128x128xf32, #tpu.memory_space<vmem>>, vector<1x1x16xf32>,
      %swap3A_127 = vector.shape_cast %swap3A_126 : vector<1x1x16xf32> to vector<16xf32>
      %swap3A_128 = vector.shape_cast %broadcast_in_dim3A_5 : vector<16xf32> to vector<1x1x16xf32>
      tpu.vector_store %arg10[%swap3A_123, %swap3A_124, %swap3A_125], %swap3A_128 {strides = array<i32>} : memref<2x128x128xf32, #tpu.memory_space<vmem>>, vector<1x1x16xf32>,
      %swap3A_129 = arith.constant 0 : i32
      %swap3A_130 = arith.index_cast %swap3A_129 : i32 to index
      %swap3A_131 = arith.index_cast %scan3A_80 : i32 to index
      %swap3A_132 = arith.constant 112 : index
      %swap3A_133 = tpu.vector_load %arg10[%swap3A_130, %swap3A_131, %swap3A_132] {strides = array<i32>} : memref<2x128x128xf32, #tpu.memory_space<vmem>>, vector<1x1x16xf32>,
      %swap3A_134 = vector.shape_cast %swap3A_133 : vector<1x1x16xf32> to vector<16xf32>
      %swap3A_135 = vector.shape_cast %broadcast_in_dim3A_5 : vector<16xf32> to vector<1x1x16xf32>
      tpu.vector_store %arg10[%swap3A_130, %swap3A_131, %swap3A_132], %swap3A_135 {strides = array<i32>} : memref<2x128x128xf32, #tpu.memory_space<vmem>>, vector<1x1x16xf32>,
    }
    %scan3A_10 = arith.constant 128 : i32
    %mul3A_11 = arith.constant 640 : i32
    %mul3A_12 = arith.muli %arg1, %mul3A_11 : i32
    %add3A_13 = arith.constant 0 : i32
    %add3A_14 = arith.addi %mul3A_12, %add3A_13 : i32
    %run_scoped3A = arith.constant 0 : i32
    "tpu.region"() ({
      %run_scoped3A_80 = tpu.sem_alloc : memref<!tpu.dma_semaphore, #tpu.memory_space<semaphore_mem>>
      %dma_start3A_81 = arith.constant 0 : i32
      %dma_start3A_82 = arith.constant 0 : i32
      %dma_start3A_83 = tpu.memref_slice %arg10[%run_scoped3A, %dma_start3A_81, %dma_start3A_82] : memref<2x128x128xf32, #tpu.memory_space<vmem>> -> memref<1x128x128xf32, #tpu.memory_space<vmem>>
      %dma_start3A_84 = tpu.memref_squeeze %dma_start3A_83 : memref<1x128x128xf32, #tpu.memory_space<vmem>> -> memref<128x128xf32, #tpu.memory_space<vmem>>
      %dma_start3A_85 = arith.constant 0 : i32
      %dma_start3A_86 = tpu.memref_slice %arg6[%add3A_14, %dma_start3A_85] : memref<10240x128xf32, #tpu.memory_space<vmem_shared>> -> memref<128x128xf32, #tpu.memory_space<vmem_shared>>
      %dma_start3A_87 = arith.constant 0 : i32
      %dma_start3A_88 = tpu.memref_slice %arg6[%add3A_14, %dma_start3A_87] : memref<10240x128xf32, #tpu.memory_space<vmem_shared>> -> memref<128x128xf32, #tpu.memory_space<vmem_shared>>
      %dma_start3A_89 = arith.constant 0 : i32
      %dma_start3A_90 = arith.constant 0 : i32
      %dma_start3A_91 = tpu.memref_slice %arg10[%run_scoped3A, %dma_start3A_89, %dma_start3A_90] : memref<2x128x128xf32, #tpu.memory_space<vmem>> -> memref<1x128x128xf32, #tpu.memory_space<vmem>>
      %dma_start3A_92 = tpu.memref_squeeze %dma_start3A_91 : memref<1x128x128xf32, #tpu.memory_space<vmem>> -> memref<128x128xf32, #tpu.memory_space<vmem>>
      tpu.enqueue_dma source(%dma_start3A_92 : memref<128x128xf32, #tpu.memory_space<vmem>>) target(%dma_start3A_88 : memref<128x128xf32, #tpu.memory_space<vmem_shared>>) target_semaphore(%run_scoped3A_80 : memref<!tpu.dma_semaphore, #tpu.memory_space<semaphore_mem>>)
      %dma_wait3A = arith.constant 0 : i32
      %dma_wait3A_93 = arith.constant 0 : i32
      %dma_wait3A_94 = tpu.memref_slice %arg10[%run_scoped3A, %dma_wait3A, %dma_wait3A_93] : memref<2x128x128xf32, #tpu.memory_space<vmem>> -> memref<1x128x128xf32, #tpu.memory_space<vmem>>
      %dma_wait3A_95 = tpu.memref_squeeze %dma_wait3A_94 : memref<1x128x128xf32, #tpu.memory_space<vmem>> -> memref<128x128xf32, #tpu.memory_space<vmem>>
      %dma_wait3A_96 = arith.constant 0 : i32
      %dma_wait3A_97 = tpu.memref_slice %arg6[%add3A_14, %dma_wait3A_96] : memref<10240x128xf32, #tpu.memory_space<vmem_shared>> -> memref<128x128xf32, #tpu.memory_space<vmem_shared>>
      %dma_wait3A_98 = arith.constant 0 : i32
      %dma_wait3A_99 = tpu.memref_slice %arg6[%add3A_14, %dma_wait3A_98] : memref<10240x128xf32, #tpu.memory_space<vmem_shared>> -> memref<128x128xf32, #tpu.memory_space<vmem_shared>>
      %dma_wait3A_100 = arith.constant 0 : i32
      %dma_wait3A_101 = arith.constant 0 : i32
      %dma_wait3A_102 = tpu.memref_slice %arg10[%run_scoped3A, %dma_wait3A_100, %dma_wait3A_101] : memref<2x128x128xf32, #tpu.memory_space<vmem>> -> memref<1x128x128xf32, #tpu.memory_space<vmem>>
      %dma_wait3A_103 = tpu.memref_squeeze %dma_wait3A_102 : memref<1x128x128xf32, #tpu.memory_space<vmem>> -> memref<128x128xf32, #tpu.memory_space<vmem>>
      tpu.wait_dma2 semaphore(%run_scoped3A_80 : memref<!tpu.dma_semaphore, #tpu.memory_space<semaphore_mem>>) src(%dma_wait3A_103 : memref<128x128xf32, #tpu.memory_space<vmem>>) dst(%dma_wait3A_99 : memref<128x128xf32, #tpu.memory_space<vmem_shared>>)
      tpu.yield
    }) : () -> ()
    %mul3A_15 = arith.constant 640 : i32
    %mul3A_16 = arith.muli %arg1, %mul3A_15 : i32
    %add3A_17 = arith.constant 128 : i32
    %add3A_18 = arith.addi %mul3A_16, %add3A_17 : i32
    %run_scoped3A_19 = arith.constant 0 : i32
    "tpu.region"() ({
      %run_scoped3A_80 = tpu.sem_alloc : memref<!tpu.dma_semaphore, #tpu.memory_space<semaphore_mem>>
      %dma_start3A_81 = arith.constant 0 : i32
      %dma_start3A_82 = arith.constant 0 : i32
      %dma_start3A_83 = tpu.memref_slice %arg10[%run_scoped3A_19, %dma_start3A_81, %dma_start3A_82] : memref<2x128x128xf32, #tpu.memory_space<vmem>> -> memref<1x128x128xf32, #tpu.memory_space<vmem>>
      %dma_start3A_84 = tpu.memref_squeeze %dma_start3A_83 : memref<1x128x128xf32, #tpu.memory_space<vmem>> -> memref<128x128xf32, #tpu.memory_space<vmem>>
      %dma_start3A_85 = arith.constant 0 : i32
      %dma_start3A_86 = tpu.memref_slice %arg6[%add3A_18, %dma_start3A_85] : memref<10240x128xf32, #tpu.memory_space<vmem_shared>> -> memref<128x128xf32, #tpu.memory_space<vmem_shared>>
      %dma_start3A_87 = arith.constant 0 : i32
      %dma_start3A_88 = tpu.memref_slice %arg6[%add3A_18, %dma_start3A_87] : memref<10240x128xf32, #tpu.memory_space<vmem_shared>> -> memref<128x128xf32, #tpu.memory_space<vmem_shared>>
      %dma_start3A_89 = arith.constant 0 : i32
      %dma_start3A_90 = arith.constant 0 : i32
      %dma_start3A_91 = tpu.memref_slice %arg10[%run_scoped3A_19, %dma_start3A_89, %dma_start3A_90] : memref<2x128x128xf32, #tpu.memory_space<vmem>> -> memref<1x128x128xf32, #tpu.memory_space<vmem>>
      %dma_start3A_92 = tpu.memref_squeeze %dma_start3A_91 : memref<1x128x128xf32, #tpu.memory_space<vmem>> -> memref<128x128xf32, #tpu.memory_space<vmem>>
      tpu.enqueue_dma source(%dma_start3A_92 : memref<128x128xf32, #tpu.memory_space<vmem>>) target(%dma_start3A_88 : memref<128x128xf32, #tpu.memory_space<vmem_shared>>) target_semaphore(%run_scoped3A_80 : memref<!tpu.dma_semaphore, #tpu.memory_space<semaphore_mem>>)
      %dma_wait3A = arith.constant 0 : i32
      %dma_wait3A_93 = arith.constant 0 : i32
      %dma_wait3A_94 = tpu.memref_slice %arg10[%run_scoped3A_19, %dma_wait3A, %dma_wait3A_93] : memref<2x128x128xf32, #tpu.memory_space<vmem>> -> memref<1x128x128xf32, #tpu.memory_space<vmem>>
      %dma_wait3A_95 = tpu.memref_squeeze %dma_wait3A_94 : memref<1x128x128xf32, #tpu.memory_space<vmem>> -> memref<128x128xf32, #tpu.memory_space<vmem>>
      %dma_wait3A_96 = arith.constant 0 : i32
      %dma_wait3A_97 = tpu.memref_slice %arg6[%add3A_18, %dma_wait3A_96] : memref<10240x128xf32, #tpu.memory_space<vmem_shared>> -> memref<128x128xf32, #tpu.memory_space<vmem_shared>>
      %dma_wait3A_98 = arith.constant 0 : i32
      %dma_wait3A_99 = tpu.memref_slice %arg6[%add3A_18, %dma_wait3A_98] : memref<10240x128xf32, #tpu.memory_space<vmem_shared>> -> memref<128x128xf32, #tpu.memory_space<vmem_shared>>
      %dma_wait3A_100 = arith.constant 0 : i32
      %dma_wait3A_101 = arith.constant 0 : i32
      %dma_wait3A_102 = tpu.memref_slice %arg10[%run_scoped3A_19, %dma_wait3A_100, %dma_wait3A_101] : memref<2x128x128xf32, #tpu.memory_space<vmem>> -> memref<1x128x128xf32, #tpu.memory_space<vmem>>
      %dma_wait3A_103 = tpu.memref_squeeze %dma_wait3A_102 : memref<1x128x128xf32, #tpu.memory_space<vmem>> -> memref<128x128xf32, #tpu.memory_space<vmem>>
      tpu.wait_dma2 semaphore(%run_scoped3A_80 : memref<!tpu.dma_semaphore, #tpu.memory_space<semaphore_mem>>) src(%dma_wait3A_103 : memref<128x128xf32, #tpu.memory_space<vmem>>) dst(%dma_wait3A_99 : memref<128x128xf32, #tpu.memory_space<vmem_shared>>)
      tpu.yield
    }) : () -> ()
    %mul3A_20 = arith.constant 640 : i32
    %mul3A_21 = arith.muli %arg1, %mul3A_20 : i32
    %add3A_22 = arith.constant 256 : i32
    %add3A_23 = arith.addi %mul3A_21, %add3A_22 : i32
    %run_scoped3A_24 = arith.constant 0 : i32
    "tpu.region"() ({
      %run_scoped3A_80 = tpu.sem_alloc : memref<!tpu.dma_semaphore, #tpu.memory_space<semaphore_mem>>
      %dma_start3A_81 = arith.constant 0 : i32
      %dma_start3A_82 = arith.constant 0 : i32
      %dma_start3A_83 = tpu.memref_slice %arg10[%run_scoped3A_24, %dma_start3A_81, %dma_start3A_82] : memref<2x128x128xf32, #tpu.memory_space<vmem>> -> memref<1x128x128xf32, #tpu.memory_space<vmem>>
      %dma_start3A_84 = tpu.memref_squeeze %dma_start3A_83 : memref<1x128x128xf32, #tpu.memory_space<vmem>> -> memref<128x128xf32, #tpu.memory_space<vmem>>
      %dma_start3A_85 = arith.constant 0 : i32
      %dma_start3A_86 = tpu.memref_slice %arg6[%add3A_23, %dma_start3A_85] : memref<10240x128xf32, #tpu.memory_space<vmem_shared>> -> memref<128x128xf32, #tpu.memory_space<vmem_shared>>
      %dma_start3A_87 = arith.constant 0 : i32
      %dma_start3A_88 = tpu.memref_slice %arg6[%add3A_23, %dma_start3A_87] : memref<10240x128xf32, #tpu.memory_space<vmem_shared>> -> memref<128x128xf32, #tpu.memory_space<vmem_shared>>
      %dma_start3A_89 = arith.constant 0 : i32
      %dma_start3A_90 = arith.constant 0 : i32
      %dma_start3A_91 = tpu.memref_slice %arg10[%run_scoped3A_24, %dma_start3A_89, %dma_start3A_90] : memref<2x128x128xf32, #tpu.memory_space<vmem>> -> memref<1x128x128xf32, #tpu.memory_space<vmem>>
      %dma_start3A_92 = tpu.memref_squeeze %dma_start3A_91 : memref<1x128x128xf32, #tpu.memory_space<vmem>> -> memref<128x128xf32, #tpu.memory_space<vmem>>
      tpu.enqueue_dma source(%dma_start3A_92 : memref<128x128xf32, #tpu.memory_space<vmem>>) target(%dma_start3A_88 : memref<128x128xf32, #tpu.memory_space<vmem_shared>>) target_semaphore(%run_scoped3A_80 : memref<!tpu.dma_semaphore, #tpu.memory_space<semaphore_mem>>)
      %dma_wait3A = arith.constant 0 : i32
      %dma_wait3A_93 = arith.constant 0 : i32
      %dma_wait3A_94 = tpu.memref_slice %arg10[%run_scoped3A_24, %dma_wait3A, %dma_wait3A_93] : memref<2x128x128xf32, #tpu.memory_space<vmem>> -> memref<1x128x128xf32, #tpu.memory_space<vmem>>
      %dma_wait3A_95 = tpu.memref_squeeze %dma_wait3A_94 : memref<1x128x128xf32, #tpu.memory_space<vmem>> -> memref<128x128xf32, #tpu.memory_space<vmem>>
      %dma_wait3A_96 = arith.constant 0 : i32
      %dma_wait3A_97 = tpu.memref_slice %arg6[%add3A_23, %dma_wait3A_96] : memref<10240x128xf32, #tpu.memory_space<vmem_shared>> -> memref<128x128xf32, #tpu.memory_space<vmem_shared>>
      %dma_wait3A_98 = arith.constant 0 : i32
      %dma_wait3A_99 = tpu.memref_slice %arg6[%add3A_23, %dma_wait3A_98] : memref<10240x128xf32, #tpu.memory_space<vmem_shared>> -> memref<128x128xf32, #tpu.memory_space<vmem_shared>>
      %dma_wait3A_100 = arith.constant 0 : i32
      %dma_wait3A_101 = arith.constant 0 : i32
      %dma_wait3A_102 = tpu.memref_slice %arg10[%run_scoped3A_24, %dma_wait3A_100, %dma_wait3A_101] : memref<2x128x128xf32, #tpu.memory_space<vmem>> -> memref<1x128x128xf32, #tpu.memory_space<vmem>>
      %dma_wait3A_103 = tpu.memref_squeeze %dma_wait3A_102 : memref<1x128x128xf32, #tpu.memory_space<vmem>> -> memref<128x128xf32, #tpu.memory_space<vmem>>
      tpu.wait_dma2 semaphore(%run_scoped3A_80 : memref<!tpu.dma_semaphore, #tpu.memory_space<semaphore_mem>>) src(%dma_wait3A_103 : memref<128x128xf32, #tpu.memory_space<vmem>>) dst(%dma_wait3A_99 : memref<128x128xf32, #tpu.memory_space<vmem_shared>>)
      tpu.yield
    }) : () -> ()
    %mul3A_25 = arith.constant 640 : i32
    %mul3A_26 = arith.muli %arg1, %mul3A_25 : i32
    %add3A_27 = arith.constant 384 : i32
    %add3A_28 = arith.addi %mul3A_26, %add3A_27 : i32
    %run_scoped3A_29 = arith.constant 0 : i32
    "tpu.region"() ({
      %run_scoped3A_80 = tpu.sem_alloc : memref<!tpu.dma_semaphore, #tpu.memory_space<semaphore_mem>>
      %dma_start3A_81 = arith.constant 0 : i32
      %dma_start3A_82 = arith.constant 0 : i32
      %dma_start3A_83 = tpu.memref_slice %arg10[%run_scoped3A_29, %dma_start3A_81, %dma_start3A_82] : memref<2x128x128xf32, #tpu.memory_space<vmem>> -> memref<1x128x128xf32, #tpu.memory_space<vmem>>
      %dma_start3A_84 = tpu.memref_squeeze %dma_start3A_83 : memref<1x128x128xf32, #tpu.memory_space<vmem>> -> memref<128x128xf32, #tpu.memory_space<vmem>>
      %dma_start3A_85 = arith.constant 0 : i32
      %dma_start3A_86 = tpu.memref_slice %arg6[%add3A_28, %dma_start3A_85] : memref<10240x128xf32, #tpu.memory_space<vmem_shared>> -> memref<128x128xf32, #tpu.memory_space<vmem_shared>>
      %dma_start3A_87 = arith.constant 0 : i32
      %dma_start3A_88 = tpu.memref_slice %arg6[%add3A_28, %dma_start3A_87] : memref<10240x128xf32, #tpu.memory_space<vmem_shared>> -> memref<128x128xf32, #tpu.memory_space<vmem_shared>>
      %dma_start3A_89 = arith.constant 0 : i32
      %dma_start3A_90 = arith.constant 0 : i32
      %dma_start3A_91 = tpu.memref_slice %arg10[%run_scoped3A_29, %dma_start3A_89, %dma_start3A_90] : memref<2x128x128xf32, #tpu.memory_space<vmem>> -> memref<1x128x128xf32, #tpu.memory_space<vmem>>
      %dma_start3A_92 = tpu.memref_squeeze %dma_start3A_91 : memref<1x128x128xf32, #tpu.memory_space<vmem>> -> memref<128x128xf32, #tpu.memory_space<vmem>>
      tpu.enqueue_dma source(%dma_start3A_92 : memref<128x128xf32, #tpu.memory_space<vmem>>) target(%dma_start3A_88 : memref<128x128xf32, #tpu.memory_space<vmem_shared>>) target_semaphore(%run_scoped3A_80 : memref<!tpu.dma_semaphore, #tpu.memory_space<semaphore_mem>>)
      %dma_wait3A = arith.constant 0 : i32
      %dma_wait3A_93 = arith.constant 0 : i32
      %dma_wait3A_94 = tpu.memref_slice %arg10[%run_scoped3A_29, %dma_wait3A, %dma_wait3A_93] : memref<2x128x128xf32, #tpu.memory_space<vmem>> -> memref<1x128x128xf32, #tpu.memory_space<vmem>>
      %dma_wait3A_95 = tpu.memref_squeeze %dma_wait3A_94 : memref<1x128x128xf32, #tpu.memory_space<vmem>> -> memref<128x128xf32, #tpu.memory_space<vmem>>
      %dma_wait3A_96 = arith.constant 0 : i32
      %dma_wait3A_97 = tpu.memref_slice %arg6[%add3A_28, %dma_wait3A_96] : memref<10240x128xf32, #tpu.memory_space<vmem_shared>> -> memref<128x128xf32, #tpu.memory_space<vmem_shared>>
      %dma_wait3A_98 = arith.constant 0 : i32
      %dma_wait3A_99 = tpu.memref_slice %arg6[%add3A_28, %dma_wait3A_98] : memref<10240x128xf32, #tpu.memory_space<vmem_shared>> -> memref<128x128xf32, #tpu.memory_space<vmem_shared>>
      %dma_wait3A_100 = arith.constant 0 : i32
      %dma_wait3A_101 = arith.constant 0 : i32
      %dma_wait3A_102 = tpu.memref_slice %arg10[%run_scoped3A_29, %dma_wait3A_100, %dma_wait3A_101] : memref<2x128x128xf32, #tpu.memory_space<vmem>> -> memref<1x128x128xf32, #tpu.memory_space<vmem>>
      %dma_wait3A_103 = tpu.memref_squeeze %dma_wait3A_102 : memref<1x128x128xf32, #tpu.memory_space<vmem>> -> memref<128x128xf32, #tpu.memory_space<vmem>>
      tpu.wait_dma2 semaphore(%run_scoped3A_80 : memref<!tpu.dma_semaphore, #tpu.memory_space<semaphore_mem>>) src(%dma_wait3A_103 : memref<128x128xf32, #tpu.memory_space<vmem>>) dst(%dma_wait3A_99 : memref<128x128xf32, #tpu.memory_space<vmem_shared>>)
      tpu.yield
    }) : () -> ()
    %mul3A_30 = arith.constant 640 : i32
    %mul3A_31 = arith.muli %arg1, %mul3A_30 : i32
    %add3A_32 = arith.constant 512 : i32
    %add3A_33 = arith.addi %mul3A_31, %add3A_32 : i32
    %run_scoped3A_34 = arith.constant 0 : i32
    "tpu.region"() ({
      %run_scoped3A_80 = tpu.sem_alloc : memref<!tpu.dma_semaphore, #tpu.memory_space<semaphore_mem>>
      %dma_start3A_81 = arith.constant 0 : i32
      %dma_start3A_82 = arith.constant 0 : i32
      %dma_start3A_83 = tpu.memref_slice %arg10[%run_scoped3A_34, %dma_start3A_81, %dma_start3A_82] : memref<2x128x128xf32, #tpu.memory_space<vmem>> -> memref<1x128x128xf32, #tpu.memory_space<vmem>>
      %dma_start3A_84 = tpu.memref_squeeze %dma_start3A_83 : memref<1x128x128xf32, #tpu.memory_space<vmem>> -> memref<128x128xf32, #tpu.memory_space<vmem>>
      %dma_start3A_85 = arith.constant 0 : i32
      %dma_start3A_86 = tpu.memref_slice %arg6[%add3A_33, %dma_start3A_85] : memref<10240x128xf32, #tpu.memory_space<vmem_shared>> -> memref<128x128xf32, #tpu.memory_space<vmem_shared>>
      %dma_start3A_87 = arith.constant 0 : i32
      %dma_start3A_88 = tpu.memref_slice %arg6[%add3A_33, %dma_start3A_87] : memref<10240x128xf32, #tpu.memory_space<vmem_shared>> -> memref<128x128xf32, #tpu.memory_space<vmem_shared>>
      %dma_start3A_89 = arith.constant 0 : i32
      %dma_start3A_90 = arith.constant 0 : i32
      %dma_start3A_91 = tpu.memref_slice %arg10[%run_scoped3A_34, %dma_start3A_89, %dma_start3A_90] : memref<2x128x128xf32, #tpu.memory_space<vmem>> -> memref<1x128x128xf32, #tpu.memory_space<vmem>>
      %dma_start3A_92 = tpu.memref_squeeze %dma_start3A_91 : memref<1x128x128xf32, #tpu.memory_space<vmem>> -> memref<128x128xf32, #tpu.memory_space<vmem>>
      tpu.enqueue_dma source(%dma_start3A_92 : memref<128x128xf32, #tpu.memory_space<vmem>>) target(%dma_start3A_88 : memref<128x128xf32, #tpu.memory_space<vmem_shared>>) target_semaphore(%run_scoped3A_80 : memref<!tpu.dma_semaphore, #tpu.memory_space<semaphore_mem>>)
      %dma_wait3A = arith.constant 0 : i32
      %dma_wait3A_93 = arith.constant 0 : i32
      %dma_wait3A_94 = tpu.memref_slice %arg10[%run_scoped3A_34, %dma_wait3A, %dma_wait3A_93] : memref<2x128x128xf32, #tpu.memory_space<vmem>> -> memref<1x128x128xf32, #tpu.memory_space<vmem>>
      %dma_wait3A_95 = tpu.memref_squeeze %dma_wait3A_94 : memref<1x128x128xf32, #tpu.memory_space<vmem>> -> memref<128x128xf32, #tpu.memory_space<vmem>>
      %dma_wait3A_96 = arith.constant 0 : i32
      %dma_wait3A_97 = tpu.memref_slice %arg6[%add3A_33, %dma_wait3A_96] : memref<10240x128xf32, #tpu.memory_space<vmem_shared>> -> memref<128x128xf32, #tpu.memory_space<vmem_shared>>
      %dma_wait3A_98 = arith.constant 0 : i32
      %dma_wait3A_99 = tpu.memref_slice %arg6[%add3A_33, %dma_wait3A_98] : memref<10240x128xf32, #tpu.memory_space<vmem_shared>> -> memref<128x128xf32, #tpu.memory_space<vmem_shared>>
      %dma_wait3A_100 = arith.constant 0 : i32
      %dma_wait3A_101 = arith.constant 0 : i32
      %dma_wait3A_102 = tpu.memref_slice %arg10[%run_scoped3A_34, %dma_wait3A_100, %dma_wait3A_101] : memref<2x128x128xf32, #tpu.memory_space<vmem>> -> memref<1x128x128xf32, #tpu.memory_space<vmem>>
      %dma_wait3A_103 = tpu.memref_squeeze %dma_wait3A_102 : memref<1x128x128xf32, #tpu.memory_space<vmem>> -> memref<128x128xf32, #tpu.memory_space<vmem>>
      tpu.wait_dma2 semaphore(%run_scoped3A_80 : memref<!tpu.dma_semaphore, #tpu.memory_space<semaphore_mem>>) src(%dma_wait3A_103 : memref<128x128xf32, #tpu.memory_space<vmem>>) dst(%dma_wait3A_99 : memref<128x128xf32, #tpu.memory_space<vmem_shared>>)
      tpu.yield
    }) : () -> ()
    %add3A_35 = arith.constant 0 : i32
    %add3A_36 = arith.addi %mul3A_4, %add3A_35 : i32
    %dma_start3A = tpu.memref_slice %arg4[%add3A_36] : memref<327680xi32, #tpu.memory_space<hbm>> -> memref<128xi32, #tpu.memory_space<hbm>>
    %dma_start3A_37 = tpu.memref_slice %arg4[%add3A_36] : memref<327680xi32, #tpu.memory_space<hbm>> -> memref<128xi32, #tpu.memory_space<hbm>>
    tpu.enqueue_dma source(%dma_start3A_37 : memref<128xi32, #tpu.memory_space<hbm>>) target(%arg8 : memref<128xi32, #tpu.memory_space<vmem>>) target_semaphore(%arg13 : memref<!tpu.dma_semaphore, #tpu.memory_space<semaphore_mem>>)
    %dma_start3A_38 = arith.constant 0 : i32
    %dma_start3A_39 = arith.constant 0 : i32
    %dma_start3A_40 = arith.constant 0 : i32
    %dma_start3A_41 = tpu.memref_slice %arg10[%dma_start3A_38, %dma_start3A_39, %dma_start3A_40] : memref<2x128x128xf32, #tpu.memory_space<vmem>> -> memref<1x128x128xf32, #tpu.memory_space<vmem>>
    %dma_start3A_42 = tpu.memref_squeeze %dma_start3A_41 : memref<1x128x128xf32, #tpu.memory_space<vmem>> -> memref<128x128xf32, #tpu.memory_space<vmem>>
    %dma_start3A_43 = arith.constant 0 : i32
    %dma_start3A_44 = tpu.memref_slice %arg7[%dma_start3A_43] : memref<10240xi32, #tpu.memory_space<vmem>> -> memref<128xi32, #tpu.memory_space<vmem>>
    %dma_start3A_45 = arith.constant 0 : i32
    %dma_start3A_46 = arith.constant 0 : i32
    %dma_start3A_47 = tpu.memref_slice %arg2[%dma_start3A_45, %dma_start3A_46] : memref<10000x128xf32, #tpu.memory_space<hbm>> -> memref<10000x128xf32, #tpu.memory_space<hbm>>
    tpu.enqueue_indirect_dma source(%dma_start3A_47 : memref<10000x128xf32, #tpu.memory_space<hbm>>) target(%dma_start3A_42 : memref<128x128xf32, #tpu.memory_space<vmem>>) offsets(%dma_start3A_44 : memref<128xi32, #tpu.memory_space<vmem>>) semaphore(%arg11 : memref<!tpu.dma_semaphore, #tpu.memory_space<semaphore_mem>>)
    %add3A_48 = arith.constant 128 : i32
    %add3A_49 = arith.addi %mul3A_4, %add3A_48 : i32
    %dma_start3A_50 = tpu.memref_slice %arg4[%add3A_49] : memref<327680xi32, #tpu.memory_space<hbm>> -> memref<128xi32, #tpu.memory_space<hbm>>
    %dma_start3A_51 = tpu.memref_slice %arg4[%add3A_49] : memref<327680xi32, #tpu.memory_space<hbm>> -> memref<128xi32, #tpu.memory_space<hbm>>
    tpu.enqueue_dma source(%dma_start3A_51 : memref<128xi32, #tpu.memory_space<hbm>>) target(%arg9 : memref<128xi32, #tpu.memory_space<vmem>>) target_semaphore(%arg14 : memref<!tpu.dma_semaphore, #tpu.memory_space<semaphore_mem>>)
    %dma_start3A_52 = arith.constant 1 : i32
    %dma_start3A_53 = arith.constant 0 : i32
    %dma_start3A_54 = arith.constant 0 : i32
    %dma_start3A_55 = tpu.memref_slice %arg10[%dma_start3A_52, %dma_start3A_53, %dma_start3A_54] : memref<2x128x128xf32, #tpu.memory_space<vmem>> -> memref<1x128x128xf32, #tpu.memory_space<vmem>>
    %dma_start3A_56 = tpu.memref_squeeze %dma_start3A_55 : memref<1x128x128xf32, #tpu.memory_space<vmem>> -> memref<128x128xf32, #tpu.memory_space<vmem>>
    %dma_start3A_57 = arith.constant 128 : i32
    %dma_start3A_58 = tpu.memref_slice %arg7[%dma_start3A_57] : memref<10240xi32, #tpu.memory_space<vmem>> -> memref<128xi32, #tpu.memory_space<vmem>>
    %dma_start3A_59 = arith.constant 0 : i32
    %dma_start3A_60 = arith.constant 0 : i32
    %dma_start3A_61 = tpu.memref_slice %arg2[%dma_start3A_59, %dma_start3A_60] : memref<10000x128xf32, #tpu.memory_space<hbm>> -> memref<10000x128xf32, #tpu.memory_space<hbm>>
    tpu.enqueue_indirect_dma source(%dma_start3A_61 : memref<10000x128xf32, #tpu.memory_space<hbm>>) target(%dma_start3A_56 : memref<128x128xf32, #tpu.memory_space<vmem>>) offsets(%dma_start3A_58 : memref<128xi32, #tpu.memory_space<vmem>>) semaphore(%arg12 : memref<!tpu.dma_semaphore, #tpu.memory_space<semaphore_mem>>)
    %barrier3A = arith.constant 0 : index
    tpu.barrier barrier_id(%barrier3A)
    %scan3A_62 = arith.constant 0 : i32
    %scan3A_63 = arith.constant 0 : i32
    %scan3A_64 = arith.constant 40 : i32
    %scan3A_65 = arith.addi %scan3A_63, %scan3A_64 : i32
    %scan3A_66 = arith.constant 1 : i32
    scf.for %scan3A_80 = %scan3A_63 to %scan3A_65 step %scan3A_66  : i32 {
      %mul3A_81 = arith.constant 2 : i32
      %mul3A_82 = arith.muli %scan3A_80, %mul3A_81 : i32
      %mul3A_83 = arith.constant 128 : i32
      %mul3A_84 = arith.muli %mul3A_82, %mul3A_83 : i32
      %add3A_85 = arith.addi %mul3A_4, %mul3A_84 : i32
      %dma_wait3A = tpu.memref_slice %arg4[%add3A_85] : memref<327680xi32, #tpu.memory_space<hbm>> -> memref<128xi32, #tpu.memory_space<hbm>>
      %dma_wait3A_86 = tpu.memref_slice %arg4[%add3A_85] : memref<327680xi32, #tpu.memory_space<hbm>> -> memref<128xi32, #tpu.memory_space<hbm>>
      tpu.wait_dma2 semaphore(%arg13 : memref<!tpu.dma_semaphore, #tpu.memory_space<semaphore_mem>>) src(%dma_wait3A_86 : memref<128xi32, #tpu.memory_space<hbm>>) dst(%arg8 : memref<128xi32, #tpu.memory_space<vmem>>)
      %mul3A_87 = arith.constant 128 : i32
      %mul3A_88 = arith.muli %mul3A_82, %mul3A_87 : i32
      %dma_wait3A_89 = arith.constant 0 : i32
      %dma_wait3A_90 = arith.constant 0 : i32
      %dma_wait3A_91 = arith.constant 0 : i32
      %dma_wait3A_92 = tpu.memref_slice %arg10[%dma_wait3A_89, %dma_wait3A_90, %dma_wait3A_91] : memref<2x128x128xf32, #tpu.memory_space<vmem>> -> memref<1x128x128xf32, #tpu.memory_space<vmem>>
      %dma_wait3A_93 = tpu.memref_squeeze %dma_wait3A_92 : memref<1x128x128xf32, #tpu.memory_space<vmem>> -> memref<128x128xf32, #tpu.memory_space<vmem>>
      %dma_wait3A_94 = tpu.memref_slice %arg7[%mul3A_88] : memref<10240xi32, #tpu.memory_space<vmem>> -> memref<128xi32, #tpu.memory_space<vmem>>
      %dma_wait3A_95 = arith.constant 0 : i32
      %dma_wait3A_96 = arith.constant 0 : i32
      %dma_wait3A_97 = tpu.memref_slice %arg2[%dma_wait3A_95, %dma_wait3A_96] : memref<10000x128xf32, #tpu.memory_space<hbm>> -> memref<10000x128xf32, #tpu.memory_space<hbm>>
      tpu.wait_indirect_dma semaphore(%arg11 : memref<!tpu.dma_semaphore, #tpu.memory_space<semaphore_mem>>) src(%dma_wait3A_97 : memref<10000x128xf32, #tpu.memory_space<hbm>>) dst(%dma_wait3A_93 : memref<128x128xf32, #tpu.memory_space<vmem>>)
      %run_scoped3A_98 = arith.constant 0 : i32
      "tpu.region"() ({
        %run_scoped3A_132 = tpu.sem_alloc : memref<!tpu.dma_semaphore, #tpu.memory_space<semaphore_mem>>
        %dma_start3A_133 = arith.constant 0 : i32
        %dma_start3A_134 = arith.constant 0 : i32
        %dma_start3A_135 = tpu.memref_slice %arg10[%run_scoped3A_98, %dma_start3A_133, %dma_start3A_134] : memref<2x128x128xf32, #tpu.memory_space<vmem>> -> memref<1x128x128xf32, #tpu.memory_space<vmem>>
        %dma_start3A_136 = tpu.memref_squeeze %dma_start3A_135 : memref<1x128x128xf32, #tpu.memory_space<vmem>> -> memref<128x128xf32, #tpu.memory_space<vmem>>
        %dma_start3A_137 = arith.constant 0 : i32
        %dma_start3A_138 = arith.constant 0 : i32
        %dma_start3A_139 = tpu.memref_slice %arg6[%dma_start3A_137, %dma_start3A_138] : memref<10240x128xf32, #tpu.memory_space<vmem_shared>> -> memref<10240x128xf32, #tpu.memory_space<vmem_shared>>
        tpu.enqueue_indirect_dma source(%dma_start3A_136 : memref<128x128xf32, #tpu.memory_space<vmem>>) target(%dma_start3A_139 : memref<10240x128xf32, #tpu.memory_space<vmem_shared>>) offsets(%arg8 : memref<128xi32, #tpu.memory_space<vmem>>) semaphore(%run_scoped3A_132 : memref<!tpu.dma_semaphore, #tpu.memory_space<semaphore_mem>>) {add = true}
        %dma_wait3A_140 = arith.constant 0 : i32
        %dma_wait3A_141 = arith.constant 0 : i32
        %dma_wait3A_142 = tpu.memref_slice %arg10[%run_scoped3A_98, %dma_wait3A_140, %dma_wait3A_141] : memref<2x128x128xf32, #tpu.memory_space<vmem>> -> memref<1x128x128xf32, #tpu.memory_space<vmem>>
        %dma_wait3A_143 = tpu.memref_squeeze %dma_wait3A_142 : memref<1x128x128xf32, #tpu.memory_space<vmem>> -> memref<128x128xf32, #tpu.memory_space<vmem>>
        %dma_wait3A_144 = arith.constant 0 : i32
        %dma_wait3A_145 = arith.constant 0 : i32
        %dma_wait3A_146 = tpu.memref_slice %arg6[%dma_wait3A_144, %dma_wait3A_145] : memref<10240x128xf32, #tpu.memory_space<vmem_shared>> -> memref<10240x128xf32, #tpu.memory_space<vmem_shared>>
        tpu.wait_indirect_dma semaphore(%run_scoped3A_132 : memref<!tpu.dma_semaphore, #tpu.memory_space<semaphore_mem>>) src(%dma_wait3A_143 : memref<128x128xf32, #tpu.memory_space<vmem>>) dst(%dma_wait3A_146 : memref<10240x128xf32, #tpu.memory_space<vmem_shared>>)
        tpu.yield
      }) : () -> ()
      %add3A_99 = arith.constant 2 : i32
      %add3A_100 = arith.addi %mul3A_82, %add3A_99 : i32
      %lt3A_101 = arith.constant 80 : i32
      %lt3A_102 = arith.cmpi slt, %add3A_100, %lt3A_101 : i32
      %convert_element_type3A_103 = arith.extui %lt3A_102 : i1 to i32
      %cond3A_104 = arith.constant 0 : i32
      %cond3A_105 = arith.cmpi ne, %convert_element_type3A_103, %cond3A_104 : i32
      scf.if %cond3A_105 {
        %add3A_132 = arith.constant 2 : i32
        %add3A_133 = arith.addi %mul3A_82, %add3A_132 : i32
        %mul3A_134 = arith.constant 128 : i32
        %mul3A_135 = arith.muli %add3A_133, %mul3A_134 : i32
        %add3A_136 = arith.addi %mul3A_4, %mul3A_135 : i32
        %dma_start3A_137 = tpu.memref_slice %arg4[%add3A_136] : memref<327680xi32, #tpu.memory_space<hbm>> -> memref<128xi32, #tpu.memory_space<hbm>>
        %dma_start3A_138 = tpu.memref_slice %arg4[%add3A_136] : memref<327680xi32, #tpu.memory_space<hbm>> -> memref<128xi32, #tpu.memory_space<hbm>>
        tpu.enqueue_dma source(%dma_start3A_138 : memref<128xi32, #tpu.memory_space<hbm>>) target(%arg8 : memref<128xi32, #tpu.memory_space<vmem>>) target_semaphore(%arg13 : memref<!tpu.dma_semaphore, #tpu.memory_space<semaphore_mem>>)
        %mul3A_139 = arith.constant 128 : i32
        %mul3A_140 = arith.muli %add3A_133, %mul3A_139 : i32
        %dma_start3A_141 = arith.constant 0 : i32
        %dma_start3A_142 = arith.constant 0 : i32
        %dma_start3A_143 = arith.constant 0 : i32
        %dma_start3A_144 = tpu.memref_slice %arg10[%dma_start3A_141, %dma_start3A_142, %dma_start3A_143] : memref<2x128x128xf32, #tpu.memory_space<vmem>> -> memref<1x128x128xf32, #tpu.memory_space<vmem>>
        %dma_start3A_145 = tpu.memref_squeeze %dma_start3A_144 : memref<1x128x128xf32, #tpu.memory_space<vmem>> -> memref<128x128xf32, #tpu.memory_space<vmem>>
        %dma_start3A_146 = tpu.memref_slice %arg7[%mul3A_140] : memref<10240xi32, #tpu.memory_space<vmem>> -> memref<128xi32, #tpu.memory_space<vmem>>
        %dma_start3A_147 = arith.constant 0 : i32
        %dma_start3A_148 = arith.constant 0 : i32
        %dma_start3A_149 = tpu.memref_slice %arg2[%dma_start3A_147, %dma_start3A_148] : memref<10000x128xf32, #tpu.memory_space<hbm>> -> memref<10000x128xf32, #tpu.memory_space<hbm>>
        tpu.enqueue_indirect_dma source(%dma_start3A_149 : memref<10000x128xf32, #tpu.memory_space<hbm>>) target(%dma_start3A_145 : memref<128x128xf32, #tpu.memory_space<vmem>>) offsets(%dma_start3A_146 : memref<128xi32, #tpu.memory_space<vmem>>) semaphore(%arg11 : memref<!tpu.dma_semaphore, #tpu.memory_space<semaphore_mem>>)
      } else {
      }
      %add3A_106 = arith.constant 1 : i32
      %add3A_107 = arith.addi %mul3A_82, %add3A_106 : i32
      %mul3A_108 = arith.constant 128 : i32
      %mul3A_109 = arith.muli %add3A_107, %mul3A_108 : i32
      %add3A_110 = arith.addi %mul3A_4, %mul3A_109 : i32
      %dma_wait3A_111 = tpu.memref_slice %arg4[%add3A_110] : memref<327680xi32, #tpu.memory_space<hbm>> -> memref<128xi32, #tpu.memory_space<hbm>>
      %dma_wait3A_112 = tpu.memref_slice %arg4[%add3A_110] : memref<327680xi32, #tpu.memory_space<hbm>> -> memref<128xi32, #tpu.memory_space<hbm>>
      tpu.wait_dma2 semaphore(%arg14 : memref<!tpu.dma_semaphore, #tpu.memory_space<semaphore_mem>>) src(%dma_wait3A_112 : memref<128xi32, #tpu.memory_space<hbm>>) dst(%arg9 : memref<128xi32, #tpu.memory_space<vmem>>)
      %mul3A_113 = arith.constant 128 : i32
      %mul3A_114 = arith.muli %add3A_107, %mul3A_113 : i32
      %dma_wait3A_115 = arith.constant 1 : i32
      %dma_wait3A_116 = arith.constant 0 : i32
      %dma_wait3A_117 = arith.constant 0 : i32
      %dma_wait3A_118 = tpu.memref_slice %arg10[%dma_wait3A_115, %dma_wait3A_116, %dma_wait3A_117] : memref<2x128x128xf32, #tpu.memory_space<vmem>> -> memref<1x128x128xf32, #tpu.memory_space<vmem>>
      %dma_wait3A_119 = tpu.memref_squeeze %dma_wait3A_118 : memref<1x128x128xf32, #tpu.memory_space<vmem>> -> memref<128x128xf32, #tpu.memory_space<vmem>>
      %dma_wait3A_120 = tpu.memref_slice %arg7[%mul3A_114] : memref<10240xi32, #tpu.memory_space<vmem>> -> memref<128xi32, #tpu.memory_space<vmem>>
      %dma_wait3A_121 = arith.constant 0 : i32
      %dma_wait3A_122 = arith.constant 0 : i32
      %dma_wait3A_123 = tpu.memref_slice %arg2[%dma_wait3A_121, %dma_wait3A_122] : memref<10000x128xf32, #tpu.memory_space<hbm>> -> memref<10000x128xf32, #tpu.memory_space<hbm>>
      tpu.wait_indirect_dma semaphore(%arg12 : memref<!tpu.dma_semaphore, #tpu.memory_space<semaphore_mem>>) src(%dma_wait3A_123 : memref<10000x128xf32, #tpu.memory_space<hbm>>) dst(%dma_wait3A_119 : memref<128x128xf32, #tpu.memory_space<vmem>>)
      %run_scoped3A_124 = arith.constant 1 : i32
      "tpu.region"() ({
        %run_scoped3A_132 = tpu.sem_alloc : memref<!tpu.dma_semaphore, #tpu.memory_space<semaphore_mem>>
        %dma_start3A_133 = arith.constant 0 : i32
        %dma_start3A_134 = arith.constant 0 : i32
        %dma_start3A_135 = tpu.memref_slice %arg10[%run_scoped3A_124, %dma_start3A_133, %dma_start3A_134] : memref<2x128x128xf32, #tpu.memory_space<vmem>> -> memref<1x128x128xf32, #tpu.memory_space<vmem>>
        %dma_start3A_136 = tpu.memref_squeeze %dma_start3A_135 : memref<1x128x128xf32, #tpu.memory_space<vmem>> -> memref<128x128xf32, #tpu.memory_space<vmem>>
        %dma_start3A_137 = arith.constant 0 : i32
        %dma_start3A_138 = arith.constant 0 : i32
        %dma_start3A_139 = tpu.memref_slice %arg6[%dma_start3A_137, %dma_start3A_138] : memref<10240x128xf32, #tpu.memory_space<vmem_shared>> -> memref<10240x128xf32, #tpu.memory_space<vmem_shared>>
        tpu.enqueue_indirect_dma source(%dma_start3A_136 : memref<128x128xf32, #tpu.memory_space<vmem>>) target(%dma_start3A_139 : memref<10240x128xf32, #tpu.memory_space<vmem_shared>>) offsets(%arg9 : memref<128xi32, #tpu.memory_space<vmem>>) semaphore(%run_scoped3A_132 : memref<!tpu.dma_semaphore, #tpu.memory_space<semaphore_mem>>) {add = true}
        %dma_wait3A_140 = arith.constant 0 : i32
        %dma_wait3A_141 = arith.constant 0 : i32
        %dma_wait3A_142 = tpu.memref_slice %arg10[%run_scoped3A_124, %dma_wait3A_140, %dma_wait3A_141] : memref<2x128x128xf32, #tpu.memory_space<vmem>> -> memref<1x128x128xf32, #tpu.memory_space<vmem>>
        %dma_wait3A_143 = tpu.memref_squeeze %dma_wait3A_142 : memref<1x128x128xf32, #tpu.memory_space<vmem>> -> memref<128x128xf32, #tpu.memory_space<vmem>>
        %dma_wait3A_144 = arith.constant 0 : i32
        %dma_wait3A_145 = arith.constant 0 : i32
        %dma_wait3A_146 = tpu.memref_slice %arg6[%dma_wait3A_144, %dma_wait3A_145] : memref<10240x128xf32, #tpu.memory_space<vmem_shared>> -> memref<10240x128xf32, #tpu.memory_space<vmem_shared>>
        tpu.wait_indirect_dma semaphore(%run_scoped3A_132 : memref<!tpu.dma_semaphore, #tpu.memory_space<semaphore_mem>>) src(%dma_wait3A_143 : memref<128x128xf32, #tpu.memory_space<vmem>>) dst(%dma_wait3A_146 : memref<10240x128xf32, #tpu.memory_space<vmem_shared>>)
        tpu.yield
      }) : () -> ()
      %add3A_125 = arith.constant 3 : i32
      %add3A_126 = arith.addi %mul3A_82, %add3A_125 : i32
      %lt3A_127 = arith.constant 80 : i32
      %lt3A_128 = arith.cmpi slt, %add3A_126, %lt3A_127 : i32
      %convert_element_type3A_129 = arith.extui %lt3A_128 : i1 to i32
      %cond3A_130 = arith.constant 0 : i32
      %cond3A_131 = arith.cmpi ne, %convert_element_type3A_129, %cond3A_130 : i32
      scf.if %cond3A_131 {
        %add3A_132 = arith.constant 3 : i32
        %add3A_133 = arith.addi %mul3A_82, %add3A_132 : i32
        %mul3A_134 = arith.constant 128 : i32
        %mul3A_135 = arith.muli %add3A_133, %mul3A_134 : i32
        %add3A_136 = arith.addi %mul3A_4, %mul3A_135 : i32
        %dma_start3A_137 = tpu.memref_slice %arg4[%add3A_136] : memref<327680xi32, #tpu.memory_space<hbm>> -> memref<128xi32, #tpu.memory_space<hbm>>
        %dma_start3A_138 = tpu.memref_slice %arg4[%add3A_136] : memref<327680xi32, #tpu.memory_space<hbm>> -> memref<128xi32, #tpu.memory_space<hbm>>
        tpu.enqueue_dma source(%dma_start3A_138 : memref<128xi32, #tpu.memory_space<hbm>>) target(%arg9 : memref<128xi32, #tpu.memory_space<vmem>>) target_semaphore(%arg14 : memref<!tpu.dma_semaphore, #tpu.memory_space<semaphore_mem>>)
        %mul3A_139 = arith.constant 128 : i32
        %mul3A_140 = arith.muli %add3A_133, %mul3A_139 : i32
        %dma_start3A_141 = arith.constant 1 : i32
        %dma_start3A_142 = arith.constant 0 : i32
        %dma_start3A_143 = arith.constant 0 : i32
        %dma_start3A_144 = tpu.memref_slice %arg10[%dma_start3A_141, %dma_start3A_142, %dma_start3A_143] : memref<2x128x128xf32, #tpu.memory_space<vmem>> -> memref<1x128x128xf32, #tpu.memory_space<vmem>>
        %dma_start3A_145 = tpu.memref_squeeze %dma_start3A_144 : memref<1x128x128xf32, #tpu.memory_space<vmem>> -> memref<128x128xf32, #tpu.memory_space<vmem>>
        %dma_start3A_146 = tpu.memref_slice %arg7[%mul3A_140] : memref<10240xi32, #tpu.memory_space<vmem>> -> memref<128xi32, #tpu.memory_space<vmem>>
        %dma_start3A_147 = arith.constant 0 : i32
        %dma_start3A_148 = arith.constant 0 : i32
        %dma_start3A_149 = tpu.memref_slice %arg2[%dma_start3A_147, %dma_start3A_148] : memref<10000x128xf32, #tpu.memory_space<hbm>> -> memref<10000x128xf32, #tpu.memory_space<hbm>>
        tpu.enqueue_indirect_dma source(%dma_start3A_149 : memref<10000x128xf32, #tpu.memory_space<hbm>>) target(%dma_start3A_145 : memref<128x128xf32, #tpu.memory_space<vmem>>) offsets(%dma_start3A_146 : memref<128xi32, #tpu.memory_space<vmem>>) semaphore(%arg12 : memref<!tpu.dma_semaphore, #tpu.memory_space<semaphore_mem>>)
      } else {
      }
    }
    %scan3A_67 = arith.constant 40 : i32
    %barrier3A_68 = arith.constant 0 : index
    tpu.barrier barrier_id(%barrier3A_68)
    %mul3A_69 = arith.constant 10000 : i32
    %mul3A_70 = arith.muli %arg0, %mul3A_69 : i32
    %mul3A_71 = arith.constant 640 : i32
    %mul3A_72 = arith.muli %arg1, %mul3A_71 : i32
    %add3A_73 = arith.addi %mul3A_70, %mul3A_72 : i32
    %lt3A = arith.constant 15 : i32
    %lt3A_74 = arith.cmpi slt, %arg1, %lt3A : i32
    %convert_element_type3A = arith.extui %lt3A_74 : i1 to i32
    %cond3A = arith.constant 0 : i32
    %cond3A_75 = arith.cmpi ne, %convert_element_type3A, %cond3A : i32
    scf.if %cond3A_75 {
      %mul3A_80 = arith.constant 640 : i32
      %mul3A_81 = arith.muli %arg1, %mul3A_80 : i32
      %add3A_82 = arith.constant 0 : i32
      %add3A_83 = arith.addi %mul3A_81, %add3A_82 : i32
      %add3A_84 = arith.constant 0 : i32
      %add3A_85 = arith.addi %add3A_73, %add3A_84 : i32
      "tpu.region"() ({
        %run_scoped3A_110 = tpu.sem_alloc : memref<!tpu.dma_semaphore, #tpu.memory_space<semaphore_mem>>
        %dma_start3A_111 = arith.constant 0 : i32
        %dma_start3A_112 = tpu.memref_slice %arg5[%add3A_85, %dma_start3A_111] : memref<20000x128xf32, #tpu.memory_space<hbm>> -> memref<128x128xf32, #tpu.memory_space<hbm>>
        %dma_start3A_113 = arith.constant 0 : i32
        %dma_start3A_114 = tpu.memref_slice %arg6[%add3A_83, %dma_start3A_113] : memref<10240x128xf32, #tpu.memory_space<vmem_shared>> -> memref<128x128xf32, #tpu.memory_space<vmem_shared>>
        tpu.enqueue_dma source(%dma_start3A_114 : memref<128x128xf32, #tpu.memory_space<vmem_shared>>) target(%dma_start3A_112 : memref<128x128xf32, #tpu.memory_space<hbm>>) target_semaphore(%run_scoped3A_110 : memref<!tpu.dma_semaphore, #tpu.memory_space<semaphore_mem>>)
        %dma_wait3A = arith.constant 0 : i32
        %dma_wait3A_115 = tpu.memref_slice %arg5[%add3A_85, %dma_wait3A] : memref<20000x128xf32, #tpu.memory_space<hbm>> -> memref<128x128xf32, #tpu.memory_space<hbm>>
        %dma_wait3A_116 = arith.constant 0 : i32
        %dma_wait3A_117 = tpu.memref_slice %arg6[%add3A_83, %dma_wait3A_116] : memref<10240x128xf32, #tpu.memory_space<vmem_shared>> -> memref<128x128xf32, #tpu.memory_space<vmem_shared>>
        tpu.wait_dma2 semaphore(%run_scoped3A_110 : memref<!tpu.dma_semaphore, #tpu.memory_space<semaphore_mem>>) src(%dma_wait3A_117 : memref<128x128xf32, #tpu.memory_space<vmem_shared>>) dst(%dma_wait3A_115 : memref<128x128xf32, #tpu.memory_space<hbm>>)
        tpu.yield
      }) : () -> ()
      %mul3A_86 = arith.constant 640 : i32
      %mul3A_87 = arith.muli %arg1, %mul3A_86 : i32
      %add3A_88 = arith.constant 128 : i32
      %add3A_89 = arith.addi %mul3A_87, %add3A_88 : i32
      %add3A_90 = arith.constant 128 : i32
      %add3A_91 = arith.addi %add3A_73, %add3A_90 : i32
      "tpu.region"() ({
        %run_scoped3A_110 = tpu.sem_alloc : memref<!tpu.dma_semaphore, #tpu.memory_space<semaphore_mem>>
        %dma_start3A_111 = arith.constant 0 : i32
        %dma_start3A_112 = tpu.memref_slice %arg5[%add3A_91, %dma_start3A_111] : memref<20000x128xf32, #tpu.memory_space<hbm>> -> memref<128x128xf32, #tpu.memory_space<hbm>>
        %dma_start3A_113 = arith.constant 0 : i32
        %dma_start3A_114 = tpu.memref_slice %arg6[%add3A_89, %dma_start3A_113] : memref<10240x128xf32, #tpu.memory_space<vmem_shared>> -> memref<128x128xf32, #tpu.memory_space<vmem_shared>>
        tpu.enqueue_dma source(%dma_start3A_114 : memref<128x128xf32, #tpu.memory_space<vmem_shared>>) target(%dma_start3A_112 : memref<128x128xf32, #tpu.memory_space<hbm>>) target_semaphore(%run_scoped3A_110 : memref<!tpu.dma_semaphore, #tpu.memory_space<semaphore_mem>>)
        %dma_wait3A = arith.constant 0 : i32
        %dma_wait3A_115 = tpu.memref_slice %arg5[%add3A_91, %dma_wait3A] : memref<20000x128xf32, #tpu.memory_space<hbm>> -> memref<128x128xf32, #tpu.memory_space<hbm>>
        %dma_wait3A_116 = arith.constant 0 : i32
        %dma_wait3A_117 = tpu.memref_slice %arg6[%add3A_89, %dma_wait3A_116] : memref<10240x128xf32, #tpu.memory_space<vmem_shared>> -> memref<128x128xf32, #tpu.memory_space<vmem_shared>>
        tpu.wait_dma2 semaphore(%run_scoped3A_110 : memref<!tpu.dma_semaphore, #tpu.memory_space<semaphore_mem>>) src(%dma_wait3A_117 : memref<128x128xf32, #tpu.memory_space<vmem_shared>>) dst(%dma_wait3A_115 : memref<128x128xf32, #tpu.memory_space<hbm>>)
        tpu.yield
      }) : () -> ()
      %mul3A_92 = arith.constant 640 : i32
      %mul3A_93 = arith.muli %arg1, %mul3A_92 : i32
      %add3A_94 = arith.constant 256 : i32
      %add3A_95 = arith.addi %mul3A_93, %add3A_94 : i32
      %add3A_96 = arith.constant 256 : i32
      %add3A_97 = arith.addi %add3A_73, %add3A_96 : i32
      "tpu.region"() ({
        %run_scoped3A_110 = tpu.sem_alloc : memref<!tpu.dma_semaphore, #tpu.memory_space<semaphore_mem>>
        %dma_start3A_111 = arith.constant 0 : i32
        %dma_start3A_112 = tpu.memref_slice %arg5[%add3A_97, %dma_start3A_111] : memref<20000x128xf32, #tpu.memory_space<hbm>> -> memref<128x128xf32, #tpu.memory_space<hbm>>
        %dma_start3A_113 = arith.constant 0 : i32
        %dma_start3A_114 = tpu.memref_slice %arg6[%add3A_95, %dma_start3A_113] : memref<10240x128xf32, #tpu.memory_space<vmem_shared>> -> memref<128x128xf32, #tpu.memory_space<vmem_shared>>
        tpu.enqueue_dma source(%dma_start3A_114 : memref<128x128xf32, #tpu.memory_space<vmem_shared>>) target(%dma_start3A_112 : memref<128x128xf32, #tpu.memory_space<hbm>>) target_semaphore(%run_scoped3A_110 : memref<!tpu.dma_semaphore, #tpu.memory_space<semaphore_mem>>)
        %dma_wait3A = arith.constant 0 : i32
        %dma_wait3A_115 = tpu.memref_slice %arg5[%add3A_97, %dma_wait3A] : memref<20000x128xf32, #tpu.memory_space<hbm>> -> memref<128x128xf32, #tpu.memory_space<hbm>>
        %dma_wait3A_116 = arith.constant 0 : i32
        %dma_wait3A_117 = tpu.memref_slice %arg6[%add3A_95, %dma_wait3A_116] : memref<10240x128xf32, #tpu.memory_space<vmem_shared>> -> memref<128x128xf32, #tpu.memory_space<vmem_shared>>
        tpu.wait_dma2 semaphore(%run_scoped3A_110 : memref<!tpu.dma_semaphore, #tpu.memory_space<semaphore_mem>>) src(%dma_wait3A_117 : memref<128x128xf32, #tpu.memory_space<vmem_shared>>) dst(%dma_wait3A_115 : memref<128x128xf32, #tpu.memory_space<hbm>>)
        tpu.yield
      }) : () -> ()
      %mul3A_98 = arith.constant 640 : i32
      %mul3A_99 = arith.muli %arg1, %mul3A_98 : i32
      %add3A_100 = arith.constant 384 : i32
      %add3A_101 = arith.addi %mul3A_99, %add3A_100 : i32
      %add3A_102 = arith.constant 384 : i32
      %add3A_103 = arith.addi %add3A_73, %add3A_102 : i32
      "tpu.region"() ({
        %run_scoped3A_110 = tpu.sem_alloc : memref<!tpu.dma_semaphore, #tpu.memory_space<semaphore_mem>>
        %dma_start3A_111 = arith.constant 0 : i32
        %dma_start3A_112 = tpu.memref_slice %arg5[%add3A_103, %dma_start3A_111] : memref<20000x128xf32, #tpu.memory_space<hbm>> -> memref<128x128xf32, #tpu.memory_space<hbm>>
        %dma_start3A_113 = arith.constant 0 : i32
        %dma_start3A_114 = tpu.memref_slice %arg6[%add3A_101, %dma_start3A_113] : memref<10240x128xf32, #tpu.memory_space<vmem_shared>> -> memref<128x128xf32, #tpu.memory_space<vmem_shared>>
        tpu.enqueue_dma source(%dma_start3A_114 : memref<128x128xf32, #tpu.memory_space<vmem_shared>>) target(%dma_start3A_112 : memref<128x128xf32, #tpu.memory_space<hbm>>) target_semaphore(%run_scoped3A_110 : memref<!tpu.dma_semaphore, #tpu.memory_space<semaphore_mem>>)
        %dma_wait3A = arith.constant 0 : i32
        %dma_wait3A_115 = tpu.memref_slice %arg5[%add3A_103, %dma_wait3A] : memref<20000x128xf32, #tpu.memory_space<hbm>> -> memref<128x128xf32, #tpu.memory_space<hbm>>
        %dma_wait3A_116 = arith.constant 0 : i32
        %dma_wait3A_117 = tpu.memref_slice %arg6[%add3A_101, %dma_wait3A_116] : memref<10240x128xf32, #tpu.memory_space<vmem_shared>> -> memref<128x128xf32, #tpu.memory_space<vmem_shared>>
        tpu.wait_dma2 semaphore(%run_scoped3A_110 : memref<!tpu.dma_semaphore, #tpu.memory_space<semaphore_mem>>) src(%dma_wait3A_117 : memref<128x128xf32, #tpu.memory_space<vmem_shared>>) dst(%dma_wait3A_115 : memref<128x128xf32, #tpu.memory_space<hbm>>)
        tpu.yield
      }) : () -> ()
      %mul3A_104 = arith.constant 640 : i32
      %mul3A_105 = arith.muli %arg1, %mul3A_104 : i32
      %add3A_106 = arith.constant 512 : i32
      %add3A_107 = arith.addi %mul3A_105, %add3A_106 : i32
      %add3A_108 = arith.constant 512 : i32
      %add3A_109 = arith.addi %add3A_73, %add3A_108 : i32
      "tpu.region"() ({
        %run_scoped3A_110 = tpu.sem_alloc : memref<!tpu.dma_semaphore, #tpu.memory_space<semaphore_mem>>
        %dma_start3A_111 = arith.constant 0 : i32
        %dma_start3A_112 = tpu.memref_slice %arg5[%add3A_109, %dma_start3A_111] : memref<20000x128xf32, #tpu.memory_space<hbm>> -> memref<128x128xf32, #tpu.memory_space<hbm>>
        %dma_start3A_113 = arith.constant 0 : i32
        %dma_start3A_114 = tpu.memref_slice %arg6[%add3A_107, %dma_start3A_113] : memref<10240x128xf32, #tpu.memory_space<vmem_shared>> -> memref<128x128xf32, #tpu.memory_space<vmem_shared>>
        tpu.enqueue_dma source(%dma_start3A_114 : memref<128x128xf32, #tpu.memory_space<vmem_shared>>) target(%dma_start3A_112 : memref<128x128xf32, #tpu.memory_space<hbm>>) target_semaphore(%run_scoped3A_110 : memref<!tpu.dma_semaphore, #tpu.memory_space<semaphore_mem>>)
        %dma_wait3A = arith.constant 0 : i32
        %dma_wait3A_115 = tpu.memref_slice %arg5[%add3A_109, %dma_wait3A] : memref<20000x128xf32, #tpu.memory_space<hbm>> -> memref<128x128xf32, #tpu.memory_space<hbm>>
        %dma_wait3A_116 = arith.constant 0 : i32
        %dma_wait3A_117 = tpu.memref_slice %arg6[%add3A_107, %dma_wait3A_116] : memref<10240x128xf32, #tpu.memory_space<vmem_shared>> -> memref<128x128xf32, #tpu.memory_space<vmem_shared>>
        tpu.wait_dma2 semaphore(%run_scoped3A_110 : memref<!tpu.dma_semaphore, #tpu.memory_space<semaphore_mem>>) src(%dma_wait3A_117 : memref<128x128xf32, #tpu.memory_space<vmem_shared>>) dst(%dma_wait3A_115 : memref<128x128xf32, #tpu.memory_space<hbm>>)
        tpu.yield
      }) : () -> ()
    } else {
    }
    %eq3A = arith.constant 15 : i32
    %eq3A_76 = arith.cmpi eq, %arg1, %eq3A : i32
    %convert_element_type3A_77 = arith.extui %eq3A_76 : i1 to i32
    %cond3A_78 = arith.constant 0 : i32
    %cond3A_79 = arith.cmpi ne, %convert_element_type3A_77, %cond3A_78 : i32
    scf.if %cond3A_79 {
      %mul3A_80 = arith.constant 640 : i32
      %mul3A_81 = arith.muli %arg1, %mul3A_80 : i32
      %add3A_82 = arith.constant 0 : i32
      %add3A_83 = arith.addi %mul3A_81, %add3A_82 : i32
      %add3A_84 = arith.constant 0 : i32
      %add3A_85 = arith.addi %add3A_73, %add3A_84 : i32
      "tpu.region"() ({
        %run_scoped3A_104 = tpu.sem_alloc : memref<!tpu.dma_semaphore, #tpu.memory_space<semaphore_mem>>
        %dma_start3A_105 = arith.constant 0 : i32
        %dma_start3A_106 = tpu.memref_slice %arg5[%add3A_85, %dma_start3A_105] : memref<20000x128xf32, #tpu.memory_space<hbm>> -> memref<128x128xf32, #tpu.memory_space<hbm>>
        %dma_start3A_107 = arith.constant 0 : i32
        %dma_start3A_108 = tpu.memref_slice %arg6[%add3A_83, %dma_start3A_107] : memref<10240x128xf32, #tpu.memory_space<vmem_shared>> -> memref<128x128xf32, #tpu.memory_space<vmem_shared>>
        tpu.enqueue_dma source(%dma_start3A_108 : memref<128x128xf32, #tpu.memory_space<vmem_shared>>) target(%dma_start3A_106 : memref<128x128xf32, #tpu.memory_space<hbm>>) target_semaphore(%run_scoped3A_104 : memref<!tpu.dma_semaphore, #tpu.memory_space<semaphore_mem>>)
        %dma_wait3A = arith.constant 0 : i32
        %dma_wait3A_109 = tpu.memref_slice %arg5[%add3A_85, %dma_wait3A] : memref<20000x128xf32, #tpu.memory_space<hbm>> -> memref<128x128xf32, #tpu.memory_space<hbm>>
        %dma_wait3A_110 = arith.constant 0 : i32
        %dma_wait3A_111 = tpu.memref_slice %arg6[%add3A_83, %dma_wait3A_110] : memref<10240x128xf32, #tpu.memory_space<vmem_shared>> -> memref<128x128xf32, #tpu.memory_space<vmem_shared>>
        tpu.wait_dma2 semaphore(%run_scoped3A_104 : memref<!tpu.dma_semaphore, #tpu.memory_space<semaphore_mem>>) src(%dma_wait3A_111 : memref<128x128xf32, #tpu.memory_space<vmem_shared>>) dst(%dma_wait3A_109 : memref<128x128xf32, #tpu.memory_space<hbm>>)
        tpu.yield
      }) : () -> ()
      %mul3A_86 = arith.constant 640 : i32
      %mul3A_87 = arith.muli %arg1, %mul3A_86 : i32
      %add3A_88 = arith.constant 128 : i32
      %add3A_89 = arith.addi %mul3A_87, %add3A_88 : i32
      %add3A_90 = arith.constant 128 : i32
      %add3A_91 = arith.addi %add3A_73, %add3A_90 : i32
      "tpu.region"() ({
        %run_scoped3A_104 = tpu.sem_alloc : memref<!tpu.dma_semaphore, #tpu.memory_space<semaphore_mem>>
        %dma_start3A_105 = arith.constant 0 : i32
        %dma_start3A_106 = tpu.memref_slice %arg5[%add3A_91, %dma_start3A_105] : memref<20000x128xf32, #tpu.memory_space<hbm>> -> memref<128x128xf32, #tpu.memory_space<hbm>>
        %dma_start3A_107 = arith.constant 0 : i32
        %dma_start3A_108 = tpu.memref_slice %arg6[%add3A_89, %dma_start3A_107] : memref<10240x128xf32, #tpu.memory_space<vmem_shared>> -> memref<128x128xf32, #tpu.memory_space<vmem_shared>>
        tpu.enqueue_dma source(%dma_start3A_108 : memref<128x128xf32, #tpu.memory_space<vmem_shared>>) target(%dma_start3A_106 : memref<128x128xf32, #tpu.memory_space<hbm>>) target_semaphore(%run_scoped3A_104 : memref<!tpu.dma_semaphore, #tpu.memory_space<semaphore_mem>>)
        %dma_wait3A = arith.constant 0 : i32
        %dma_wait3A_109 = tpu.memref_slice %arg5[%add3A_91, %dma_wait3A] : memref<20000x128xf32, #tpu.memory_space<hbm>> -> memref<128x128xf32, #tpu.memory_space<hbm>>
        %dma_wait3A_110 = arith.constant 0 : i32
        %dma_wait3A_111 = tpu.memref_slice %arg6[%add3A_89, %dma_wait3A_110] : memref<10240x128xf32, #tpu.memory_space<vmem_shared>> -> memref<128x128xf32, #tpu.memory_space<vmem_shared>>
        tpu.wait_dma2 semaphore(%run_scoped3A_104 : memref<!tpu.dma_semaphore, #tpu.memory_space<semaphore_mem>>) src(%dma_wait3A_111 : memref<128x128xf32, #tpu.memory_space<vmem_shared>>) dst(%dma_wait3A_109 : memref<128x128xf32, #tpu.memory_space<hbm>>)
        tpu.yield
      }) : () -> ()
      %mul3A_92 = arith.constant 640 : i32
      %mul3A_93 = arith.muli %arg1, %mul3A_92 : i32
      %add3A_94 = arith.constant 256 : i32
      %add3A_95 = arith.addi %mul3A_93, %add3A_94 : i32
      %add3A_96 = arith.constant 256 : i32
      %add3A_97 = arith.addi %add3A_73, %add3A_96 : i32
      "tpu.region"() ({
        %run_scoped3A_104 = tpu.sem_alloc : memref<!tpu.dma_semaphore, #tpu.memory_space<semaphore_mem>>
        %dma_start3A_105 = arith.constant 0 : i32
        %dma_start3A_106 = tpu.memref_slice %arg5[%add3A_97, %dma_start3A_105] : memref<20000x128xf32, #tpu.memory_space<hbm>> -> memref<128x128xf32, #tpu.memory_space<hbm>>
        %dma_start3A_107 = arith.constant 0 : i32
        %dma_start3A_108 = tpu.memref_slice %arg6[%add3A_95, %dma_start3A_107] : memref<10240x128xf32, #tpu.memory_space<vmem_shared>> -> memref<128x128xf32, #tpu.memory_space<vmem_shared>>
        tpu.enqueue_dma source(%dma_start3A_108 : memref<128x128xf32, #tpu.memory_space<vmem_shared>>) target(%dma_start3A_106 : memref<128x128xf32, #tpu.memory_space<hbm>>) target_semaphore(%run_scoped3A_104 : memref<!tpu.dma_semaphore, #tpu.memory_space<semaphore_mem>>)
        %dma_wait3A = arith.constant 0 : i32
        %dma_wait3A_109 = tpu.memref_slice %arg5[%add3A_97, %dma_wait3A] : memref<20000x128xf32, #tpu.memory_space<hbm>> -> memref<128x128xf32, #tpu.memory_space<hbm>>
        %dma_wait3A_110 = arith.constant 0 : i32
        %dma_wait3A_111 = tpu.memref_slice %arg6[%add3A_95, %dma_wait3A_110] : memref<10240x128xf32, #tpu.memory_space<vmem_shared>> -> memref<128x128xf32, #tpu.memory_space<vmem_shared>>
        tpu.wait_dma2 semaphore(%run_scoped3A_104 : memref<!tpu.dma_semaphore, #tpu.memory_space<semaphore_mem>>) src(%dma_wait3A_111 : memref<128x128xf32, #tpu.memory_space<vmem_shared>>) dst(%dma_wait3A_109 : memref<128x128xf32, #tpu.memory_space<hbm>>)
        tpu.yield
      }) : () -> ()
      %mul3A_98 = arith.constant 640 : i32
      %mul3A_99 = arith.muli %arg1, %mul3A_98 : i32
      %add3A_100 = arith.constant 384 : i32
      %add3A_101 = arith.addi %mul3A_99, %add3A_100 : i32
      %add3A_102 = arith.constant 384 : i32
      %add3A_103 = arith.addi %add3A_73, %add3A_102 : i32
      "tpu.region"() ({
        %run_scoped3A_104 = tpu.sem_alloc : memref<!tpu.dma_semaphore, #tpu.memory_space<semaphore_mem>>
        %dma_start3A_105 = arith.constant 0 : i32
        %dma_start3A_106 = tpu.memref_slice %arg5[%add3A_103, %dma_start3A_105] : memref<20000x128xf32, #tpu.memory_space<hbm>> -> memref<16x128xf32, #tpu.memory_space<hbm>>
        %dma_start3A_107 = arith.constant 0 : i32
        %dma_start3A_108 = tpu.memref_slice %arg6[%add3A_101, %dma_start3A_107] : memref<10240x128xf32, #tpu.memory_space<vmem_shared>> -> memref<16x128xf32, #tpu.memory_space<vmem_shared>>
        tpu.enqueue_dma source(%dma_start3A_108 : memref<16x128xf32, #tpu.memory_space<vmem_shared>>) target(%dma_start3A_106 : memref<16x128xf32, #tpu.memory_space<hbm>>) target_semaphore(%run_scoped3A_104 : memref<!tpu.dma_semaphore, #tpu.memory_space<semaphore_mem>>)
        %dma_wait3A = arith.constant 0 : i32
        %dma_wait3A_109 = tpu.memref_slice %arg5[%add3A_103, %dma_wait3A] : memref<20000x128xf32, #tpu.memory_space<hbm>> -> memref<16x128xf32, #tpu.memory_space<hbm>>
        %dma_wait3A_110 = arith.constant 0 : i32
        %dma_wait3A_111 = tpu.memref_slice %arg6[%add3A_101, %dma_wait3A_110] : memref<10240x128xf32, #tpu.memory_space<vmem_shared>> -> memref<16x128xf32, #tpu.memory_space<vmem_shared>>
        tpu.wait_dma2 semaphore(%run_scoped3A_104 : memref<!tpu.dma_semaphore, #tpu.memory_space<semaphore_mem>>) src(%dma_wait3A_111 : memref<16x128xf32, #tpu.memory_space<vmem_shared>>) dst(%dma_wait3A_109 : memref<16x128xf32, #tpu.memory_space<hbm>>)
        tpu.yield
      }) : () -> ()
    } else {
    }
    return
  }
}

module attributes {stable_mosaic.version = 14 : i64} {
  func.func @_combine_body(%arg0: i32, %arg1: memref<2x5000x128xf32, #tpu.memory_space<vmem>>, %arg2: memref<2x5000x1xf32, #tpu.memory_space<vmem>>, %arg3: memref<5000x128xf32, #tpu.memory_space<vmem>>, %arg4: memref<128x128xf32, #tpu.memory_space<vmem>>, %arg5: memref<1x128xf32, #tpu.memory_space<vmem>>, %arg6: memref<128x128xf32, #tpu.memory_space<vmem>>, %arg7: memref<5000x128xf32, #tpu.memory_space<vmem>>) attributes {dimension_semantics = [#tpu.dimension_semantics<arbitrary>], iteration_bounds = array<i64: 2>, scalar_prefetch = 0 : i64, scratch_operands = 0 : i64, tpu.core_type = #tpu.core_type<tc>, window_params = [{transform_indices = @transform_0, window_bounds = array<i64: 2, 5000, 128>}, {transform_indices = @transform_1, window_bounds = array<i64: 2, 5000, 1>}, {transform_indices = @transform_2, window_bounds = array<i64: 5000, 128>}, {pipeline_mode = #tpu.pipeline_mode<synchronous>, transform_indices = @transform_3, window_bounds = array<i64: 128, 128>}, {pipeline_mode = #tpu.pipeline_mode<synchronous>, transform_indices = @transform_4, window_bounds = array<i64: 1, 128>}, {pipeline_mode = #tpu.pipeline_mode<synchronous>, transform_indices = @transform_5, window_bounds = array<i64: 128, 128>}, {transform_indices = @transform_6, window_bounds = array<i64: 5000, 128>}]} {
    %get3A = arith.constant 0 : index
    %get3A_0 = arith.constant 0 : index
    %get3A_1 = arith.constant 0 : index
    %get3A_2 = vector.load %arg1[%get3A, %get3A_0, %get3A_1] : memref<2x5000x128xf32, #tpu.memory_space<vmem>>, vector<1x5000x128xf32>
    %get3A_3 = vector.shape_cast %get3A_2 : vector<1x5000x128xf32> to vector<5000x128xf32>
    %get3A_4 = arith.constant 1 : index
    %get3A_5 = arith.constant 0 : index
    %get3A_6 = arith.constant 0 : index
    %get3A_7 = vector.load %arg1[%get3A_4, %get3A_5, %get3A_6] : memref<2x5000x128xf32, #tpu.memory_space<vmem>>, vector<1x5000x128xf32>
    %get3A_8 = vector.shape_cast %get3A_7 : vector<1x5000x128xf32> to vector<5000x128xf32>
    %add3A = arith.addf %get3A_3, %get3A_8 : vector<5000x128xf32>
    %get3A_9 = arith.constant 0 : index
    %get3A_10 = arith.constant 0 : index
    %get3A_11 = arith.constant 0 : index
    %get3A_12 = vector.load %arg2[%get3A_9, %get3A_10, %get3A_11] : memref<2x5000x1xf32, #tpu.memory_space<vmem>>, vector<1x5000x1xf32>
    %get3A_13 = vector.shape_cast %get3A_12 : vector<1x5000x1xf32> to vector<5000x1xf32>
    %get3A_14 = arith.constant 1 : index
    %get3A_15 = arith.constant 0 : index
    %get3A_16 = arith.constant 0 : index
    %get3A_17 = vector.load %arg2[%get3A_14, %get3A_15, %get3A_16] : memref<2x5000x1xf32, #tpu.memory_space<vmem>>, vector<1x5000x1xf32>
    %get3A_18 = vector.shape_cast %get3A_17 : vector<1x5000x1xf32> to vector<5000x1xf32>
    %add3A_19 = arith.addf %get3A_13, %get3A_18 : vector<5000x1xf32>
    %max3A = arith.constant 1.000000e+00 : f32
    %max3A_20 = vector.broadcast %max3A : f32 to vector<5000x1xf32>
    %max3A_21 = arith.maximumf %add3A_19, %max3A_20 : vector<5000x1xf32>
    %div3A = vector.broadcast %max3A_21 : vector<5000x1xf32> to vector<5000x128xf32>
    %div3A_22 = arith.divf %add3A, %div3A : vector<5000x128xf32>
    %get3A_23 = arith.constant 0 : index
    %get3A_24 = arith.constant 0 : index
    %get3A_25 = vector.load %arg4[%get3A_23, %get3A_24] : memref<128x128xf32, #tpu.memory_space<vmem>>, vector<128x128xf32>
    %dot_general3A = arith.constant dense<0.000000e+00> : vector<5000x128xf32>
    %dot_general3A_26 = tpu.matmul %div3A_22, %get3A_25, %dot_general3A {dimension_numbers = #tpu.dot_dimension_numbers<[1], [1], [0], [0], [0, 0, 1, 0], [], []>, transpose_lhs_hint = false} : vector<5000x128xf32>, vector<128x128xf32>, vector<5000x128xf32> -> vector<5000x128xf32>
    %get3A_27 = arith.constant 0 : index
    %get3A_28 = arith.constant 0 : index
    %get3A_29 = vector.load %arg5[%get3A_27, %get3A_28] : memref<1x128xf32, #tpu.memory_space<vmem>>, vector<1x128xf32>
    %add3A_30 = vector.broadcast %get3A_29 : vector<1x128xf32> to vector<5000x128xf32>
    %add3A_31 = arith.addf %dot_general3A_26, %add3A_30 : vector<5000x128xf32>
    %get3A_32 = arith.constant 0 : index
    %get3A_33 = arith.constant 0 : index
    %get3A_34 = vector.load %arg3[%get3A_32, %get3A_33] : memref<5000x128xf32, #tpu.memory_space<vmem>>, vector<5000x128xf32>
    %get3A_35 = arith.constant 0 : index
    %get3A_36 = arith.constant 0 : index
    %get3A_37 = vector.load %arg6[%get3A_35, %get3A_36] : memref<128x128xf32, #tpu.memory_space<vmem>>, vector<128x128xf32>
    %dot_general3A_38 = arith.constant dense<0.000000e+00> : vector<5000x128xf32>
    %dot_general3A_39 = tpu.matmul %get3A_34, %get3A_37, %dot_general3A_38 {dimension_numbers = #tpu.dot_dimension_numbers<[1], [1], [0], [0], [0, 0, 1, 0], [], []>, transpose_lhs_hint = false} : vector<5000x128xf32>, vector<128x128xf32>, vector<5000x128xf32> -> vector<5000x128xf32>
    %add3A_40 = arith.addf %add3A_31, %dot_general3A_39 : vector<5000x128xf32>
    %mul3A = arith.mulf %add3A_40, %add3A_40 : vector<5000x128xf32>
    %reduce_sum3A = arith.constant dense<0.000000e+00> : vector<5000xf32>
    %reduce_sum3A_41 = vector.multi_reduction <add>, %mul3A, %reduce_sum3A [1] : vector<5000x128xf32> to vector<5000xf32>
    %broadcast_in_dim3A = vector.shape_cast %reduce_sum3A_41 : vector<5000xf32> to vector<5000x1xf32>
    %sqrt3A = math.sqrt %broadcast_in_dim3A : vector<5000x1xf32>
    %max3A_42 = arith.constant 9.99999996E-13 : f32
    %max3A_43 = vector.broadcast %max3A_42 : f32 to vector<5000x1xf32>
    %max3A_44 = arith.maximumf %sqrt3A, %max3A_43 : vector<5000x1xf32>
    %div3A_45 = vector.broadcast %max3A_44 : vector<5000x1xf32> to vector<5000x128xf32>
    %div3A_46 = arith.divf %add3A_40, %div3A_45 : vector<5000x128xf32>
    %max3A_47 = arith.constant 0.000000e+00 : f32
    %max3A_48 = vector.broadcast %max3A_47 : f32 to vector<5000x128xf32>
    %max3A_49 = arith.maximumf %div3A_46, %max3A_48 : vector<5000x128xf32>
    %swap3A = arith.constant 0 : index
    %swap3A_50 = arith.constant 0 : index
    %swap3A_51 = vector.load %arg7[%swap3A, %swap3A_50] : memref<5000x128xf32, #tpu.memory_space<vmem>>, vector<5000x128xf32>
    tpu.vector_store %arg7[%swap3A, %swap3A_50], %max3A_49 {strides = array<i32>} : memref<5000x128xf32, #tpu.memory_space<vmem>>, vector<5000x128xf32>,
    return
  }
  func.func @transform_0(%arg0: i32) -> (i32, i32, i32) {
    %c0_i32 = arith.constant 0 : i32
    %c0_i32_0 = arith.constant 0 : i32
    %c0_i32_1 = arith.constant 0 : i32
    return %c0_i32, %arg0, %c0_i32_0 : i32, i32, i32
  }
  func.func @transform_1(%arg0: i32) -> (i32, i32, i32) {
    %c0_i32 = arith.constant 0 : i32
    %c0_i32_0 = arith.constant 0 : i32
    %c0_i32_1 = arith.constant 0 : i32
    return %c0_i32, %arg0, %c0_i32_0 : i32, i32, i32
  }
  func.func @transform_2(%arg0: i32) -> (i32, i32) {
    %c0_i32 = arith.constant 0 : i32
    %c0_i32_0 = arith.constant 0 : i32
    return %arg0, %c0_i32 : i32, i32
  }
  func.func @transform_3(%arg0: i32) -> (i32, i32) {
    %c0_i32 = arith.constant 0 : i32
    %c0_i32_0 = arith.constant 0 : i32
    %c0_i32_1 = arith.constant 0 : i32
    return %c0_i32, %c0_i32_0 : i32, i32
  }
  func.func @transform_4(%arg0: i32) -> (i32, i32) {
    %c0_i32 = arith.constant 0 : i32
    %c0_i32_0 = arith.constant 0 : i32
    %c0_i32_1 = arith.constant 0 : i32
    return %c0_i32, %c0_i32_0 : i32, i32
  }
  func.func @transform_5(%arg0: i32) -> (i32, i32) {
    %c0_i32 = arith.constant 0 : i32
    %c0_i32_0 = arith.constant 0 : i32
    %c0_i32_1 = arith.constant 0 : i32
    return %c0_i32, %c0_i32_0 : i32, i32
  }
  func.func @transform_6(%arg0: i32) -> (i32, i32) {
    %c0_i32 = arith.constant 0 : i32
    %c0_i32_0 = arith.constant 0 : i32
    return %arg0, %c0_i32 : i32, i32
  }
}

module attributes {stable_mosaic.version = 14 : i64} {
  func.func @_combine_body(%arg0: i32, %arg1: memref<2x5000x128xf32, #tpu.memory_space<vmem>>, %arg2: memref<2x5000x1xf32, #tpu.memory_space<vmem>>, %arg3: memref<5000x128xf32, #tpu.memory_space<vmem>>, %arg4: memref<128x128xf32, #tpu.memory_space<vmem>>, %arg5: memref<1x128xf32, #tpu.memory_space<vmem>>, %arg6: memref<128x128xf32, #tpu.memory_space<vmem>>, %arg7: memref<5000x128xf32, #tpu.memory_space<vmem>>) attributes {dimension_semantics = [#tpu.dimension_semantics<arbitrary>], iteration_bounds = array<i64: 2>, scalar_prefetch = 0 : i64, scratch_operands = 0 : i64, tpu.core_type = #tpu.core_type<tc>, window_params = [{transform_indices = @transform_0, window_bounds = array<i64: 2, 5000, 128>}, {transform_indices = @transform_1, window_bounds = array<i64: 2, 5000, 1>}, {transform_indices = @transform_2, window_bounds = array<i64: 5000, 128>}, {pipeline_mode = #tpu.pipeline_mode<synchronous>, transform_indices = @transform_3, window_bounds = array<i64: 128, 128>}, {pipeline_mode = #tpu.pipeline_mode<synchronous>, transform_indices = @transform_4, window_bounds = array<i64: 1, 128>}, {pipeline_mode = #tpu.pipeline_mode<synchronous>, transform_indices = @transform_5, window_bounds = array<i64: 128, 128>}, {transform_indices = @transform_6, window_bounds = array<i64: 5000, 128>}]} {
    %get3A = arith.constant 0 : index
    %get3A_0 = arith.constant 0 : index
    %get3A_1 = arith.constant 0 : index
    %get3A_2 = vector.load %arg1[%get3A, %get3A_0, %get3A_1] : memref<2x5000x128xf32, #tpu.memory_space<vmem>>, vector<1x5000x128xf32>
    %get3A_3 = vector.shape_cast %get3A_2 : vector<1x5000x128xf32> to vector<5000x128xf32>
    %get3A_4 = arith.constant 1 : index
    %get3A_5 = arith.constant 0 : index
    %get3A_6 = arith.constant 0 : index
    %get3A_7 = vector.load %arg1[%get3A_4, %get3A_5, %get3A_6] : memref<2x5000x128xf32, #tpu.memory_space<vmem>>, vector<1x5000x128xf32>
    %get3A_8 = vector.shape_cast %get3A_7 : vector<1x5000x128xf32> to vector<5000x128xf32>
    %add3A = arith.addf %get3A_3, %get3A_8 : vector<5000x128xf32>
    %get3A_9 = arith.constant 0 : index
    %get3A_10 = arith.constant 0 : index
    %get3A_11 = arith.constant 0 : index
    %get3A_12 = vector.load %arg2[%get3A_9, %get3A_10, %get3A_11] : memref<2x5000x1xf32, #tpu.memory_space<vmem>>, vector<1x5000x1xf32>
    %get3A_13 = vector.shape_cast %get3A_12 : vector<1x5000x1xf32> to vector<5000x1xf32>
    %get3A_14 = arith.constant 1 : index
    %get3A_15 = arith.constant 0 : index
    %get3A_16 = arith.constant 0 : index
    %get3A_17 = vector.load %arg2[%get3A_14, %get3A_15, %get3A_16] : memref<2x5000x1xf32, #tpu.memory_space<vmem>>, vector<1x5000x1xf32>
    %get3A_18 = vector.shape_cast %get3A_17 : vector<1x5000x1xf32> to vector<5000x1xf32>
    %add3A_19 = arith.addf %get3A_13, %get3A_18 : vector<5000x1xf32>
    %max3A = arith.constant 1.000000e+00 : f32
    %max3A_20 = vector.broadcast %max3A : f32 to vector<5000x1xf32>
    %max3A_21 = arith.maximumf %add3A_19, %max3A_20 : vector<5000x1xf32>
    %div3A = vector.broadcast %max3A_21 : vector<5000x1xf32> to vector<5000x128xf32>
    %div3A_22 = arith.divf %add3A, %div3A : vector<5000x128xf32>
    %get3A_23 = arith.constant 0 : index
    %get3A_24 = arith.constant 0 : index
    %get3A_25 = vector.load %arg4[%get3A_23, %get3A_24] : memref<128x128xf32, #tpu.memory_space<vmem>>, vector<128x128xf32>
    %dot_general3A = arith.constant dense<0.000000e+00> : vector<5000x128xf32>
    %dot_general3A_26 = tpu.matmul %div3A_22, %get3A_25, %dot_general3A {dimension_numbers = #tpu.dot_dimension_numbers<[1], [1], [0], [0], [0, 0, 1, 0], [], []>, transpose_lhs_hint = false} : vector<5000x128xf32>, vector<128x128xf32>, vector<5000x128xf32> -> vector<5000x128xf32>
    %get3A_27 = arith.constant 0 : index
    %get3A_28 = arith.constant 0 : index
    %get3A_29 = vector.load %arg5[%get3A_27, %get3A_28] : memref<1x128xf32, #tpu.memory_space<vmem>>, vector<1x128xf32>
    %add3A_30 = vector.broadcast %get3A_29 : vector<1x128xf32> to vector<5000x128xf32>
    %add3A_31 = arith.addf %dot_general3A_26, %add3A_30 : vector<5000x128xf32>
    %get3A_32 = arith.constant 0 : index
    %get3A_33 = arith.constant 0 : index
    %get3A_34 = vector.load %arg3[%get3A_32, %get3A_33] : memref<5000x128xf32, #tpu.memory_space<vmem>>, vector<5000x128xf32>
    %get3A_35 = arith.constant 0 : index
    %get3A_36 = arith.constant 0 : index
    %get3A_37 = vector.load %arg6[%get3A_35, %get3A_36] : memref<128x128xf32, #tpu.memory_space<vmem>>, vector<128x128xf32>
    %dot_general3A_38 = arith.constant dense<0.000000e+00> : vector<5000x128xf32>
    %dot_general3A_39 = tpu.matmul %get3A_34, %get3A_37, %dot_general3A_38 {dimension_numbers = #tpu.dot_dimension_numbers<[1], [1], [0], [0], [0, 0, 1, 0], [], []>, transpose_lhs_hint = false} : vector<5000x128xf32>, vector<128x128xf32>, vector<5000x128xf32> -> vector<5000x128xf32>
    %add3A_40 = arith.addf %add3A_31, %dot_general3A_39 : vector<5000x128xf32>
    %mul3A = arith.mulf %add3A_40, %add3A_40 : vector<5000x128xf32>
    %reduce_sum3A = arith.constant dense<0.000000e+00> : vector<5000xf32>
    %reduce_sum3A_41 = vector.multi_reduction <add>, %mul3A, %reduce_sum3A [1] : vector<5000x128xf32> to vector<5000xf32>
    %broadcast_in_dim3A = vector.shape_cast %reduce_sum3A_41 : vector<5000xf32> to vector<5000x1xf32>
    %sqrt3A = math.sqrt %broadcast_in_dim3A : vector<5000x1xf32>
    %max3A_42 = arith.constant 9.99999996E-13 : f32
    %max3A_43 = vector.broadcast %max3A_42 : f32 to vector<5000x1xf32>
    %max3A_44 = arith.maximumf %sqrt3A, %max3A_43 : vector<5000x1xf32>
    %div3A_45 = vector.broadcast %max3A_44 : vector<5000x1xf32> to vector<5000x128xf32>
    %div3A_46 = arith.divf %add3A_40, %div3A_45 : vector<5000x128xf32>
    %reduce_max3A = arith.constant dense<0xFF800000> : vector<5000xf32>
    %reduce_max3A_47 = vector.multi_reduction <maximumf>, %div3A_46, %reduce_max3A [1] : vector<5000x128xf32> to vector<5000xf32>
    %broadcast_in_dim3A_48 = vector.shape_cast %reduce_max3A_47 : vector<5000xf32> to vector<5000x1xf32>
    %sub3A = vector.broadcast %broadcast_in_dim3A_48 : vector<5000x1xf32> to vector<5000x128xf32>
    %sub3A_49 = arith.subf %div3A_46, %sub3A : vector<5000x128xf32>
    %exp3A = math.exp %sub3A_49 : vector<5000x128xf32>
    %reduce_sum3A_50 = arith.constant dense<0.000000e+00> : vector<5000xf32>
    %reduce_sum3A_51 = vector.multi_reduction <add>, %exp3A, %reduce_sum3A_50 [1] : vector<5000x128xf32> to vector<5000xf32>
    %broadcast_in_dim3A_52 = vector.shape_cast %reduce_sum3A_51 : vector<5000xf32> to vector<5000x1xf32>
    %log3A = math.log %broadcast_in_dim3A_52 : vector<5000x1xf32>
    %sub3A_53 = vector.broadcast %log3A : vector<5000x1xf32> to vector<5000x128xf32>
    %sub3A_54 = arith.subf %sub3A_49, %sub3A_53 : vector<5000x128xf32>
    %swap3A = arith.constant 0 : index
    %swap3A_55 = arith.constant 0 : index
    %swap3A_56 = vector.load %arg7[%swap3A, %swap3A_55] : memref<5000x128xf32, #tpu.memory_space<vmem>>, vector<5000x128xf32>
    tpu.vector_store %arg7[%swap3A, %swap3A_55], %sub3A_54 {strides = array<i32>} : memref<5000x128xf32, #tpu.memory_space<vmem>>, vector<5000x128xf32>,
    return
  }
  func.func @transform_0(%arg0: i32) -> (i32, i32, i32) {
    %c0_i32 = arith.constant 0 : i32
    %c0_i32_0 = arith.constant 0 : i32
    %c0_i32_1 = arith.constant 0 : i32
    return %c0_i32, %arg0, %c0_i32_0 : i32, i32, i32
  }
  func.func @transform_1(%arg0: i32) -> (i32, i32, i32) {
    %c0_i32 = arith.constant 0 : i32
    %c0_i32_0 = arith.constant 0 : i32
    %c0_i32_1 = arith.constant 0 : i32
    return %c0_i32, %arg0, %c0_i32_0 : i32, i32, i32
  }
  func.func @transform_2(%arg0: i32) -> (i32, i32) {
    %c0_i32 = arith.constant 0 : i32
    %c0_i32_0 = arith.constant 0 : i32
    return %arg0, %c0_i32 : i32, i32
  }
  func.func @transform_3(%arg0: i32) -> (i32, i32) {
    %c0_i32 = arith.constant 0 : i32
    %c0_i32_0 = arith.constant 0 : i32
    %c0_i32_1 = arith.constant 0 : i32
    return %c0_i32, %c0_i32_0 : i32, i32
  }
  func.func @transform_4(%arg0: i32) -> (i32, i32) {
    %c0_i32 = arith.constant 0 : i32
    %c0_i32_0 = arith.constant 0 : i32
    %c0_i32_1 = arith.constant 0 : i32
    return %c0_i32, %c0_i32_0 : i32, i32
  }
  func.func @transform_5(%arg0: i32) -> (i32, i32) {
    %c0_i32 = arith.constant 0 : i32
    %c0_i32_0 = arith.constant 0 : i32
    %c0_i32_1 = arith.constant 0 : i32
    return %c0_i32, %c0_i32_0 : i32, i32
  }
  func.func @transform_6(%arg0: i32) -> (i32, i32) {
    %c0_i32 = arith.constant 0 : i32
    %c0_i32_0 = arith.constant 0 : i32
    return %arg0, %c0_i32 : i32, i32
  }
}

</mosaic_0001>

<sc_bundles>
// kernel: kernel.6.cloned.1.call-start
scs
__scs_entry_jumppad:
0x0: {  	(pc) =	sbr.rel $0x88, $3  }
0x1: {  	(tag) =	ssettag $0x0;
	lr =	simm.s32 $0x1  }
0x2: {  	[smem:$0x3F99] =	sst lr;
	_ =	strace $0xD0000000  }
0x3: {  	_ = 	snop  }
0x4: {  	_ = 	snop  }
0x5: {  	_ = 	snop  }
0x6: {  	_ = 	snop  }
0x7: {  	_ = 	snop  }
__scs_overlays_trampoline_lowered:
0x8: {  	[smem:$0x3FA8] =	sst s0  }
0x9: {  	[smem:$0x3FA9] =	sst s1  }
0xa: {  	[smem:$0x3FAA] =	sst s2  }
0xb: {  	[smem:$0x3FAB] =	sst s3  }
0xc: {  	[smem:$0x3FAC] =	sst s4  }
0xd: {  	[smem:$0x3FAD] =	sst s5  }
0xe: {  	[smem:$0x3FAE] =	sst s6  }
0xf: {  	[smem:$0x3FAF] =	sst s7  }
0x10: {  	[smem:$0x3FB0] =	sst s8  }
0x11: {  	[smem:$0x3FB1] =	sst s9;
	s0 =	simm.s32 @!p0 $0x0  }
0x12: {  	s1 =	sld [smem:$0x3F97];
	s0 =	simm.s32 @p0 $0x1  }
0x13: {  	[smem:$0x3FB2] =	sst s0;
	s0 =	simm.s32 @!p1 $0x0  }
0x14: {  	s2 =	sld [smem:$0x3F96];
	s0 =	simm.s32 @p1 $0x1  }
0x15: {  	[smem:$0x3FB3] =	sst s0;
	s0 =	simm.s32 @!p2 $0x0  }
0x16: {  	s3 =	sld [smem:$0x3FDB];
	s0 =	simm.s32 @p2 $0x1  }
0x17: {  	s4 =	simm.s32 $0x1BF5;
	[smem:$0x3FB5] =	sst s0  }
0x18: {  	s0 =	sld [smem:$0x3F98];
	_ =	swait.ge [sflag:s4], $0x0  }
0x19: {  	s7 =	sld [smem:$0x3F99]  }
0x1a: {  	s8 =	sadd.s32 $0xFFFFE003, lr  }
0x1b: {  	s9 =	sadd.s32 $0xFFFFFEF7, lr;
	s5 =	simm.s32 $0xFFFFFFFF;
	p2 =	slt.u32 s8, $0xFFFFF086  }
0x1c: {  	p1 =	slt.u32 s9, $0xF7A;
	s5 =	simm.s32 @!p2 $0x0  }
0x1d: {  	s5 =	simm.s32 @p1 $0x1;
	p0 =	seq.s32 s7, s2  }
0x1e: {  	s7 =	smul.u32 @!p0 $0xF7A, s2;
	p2 =	seq.s32 @!p0 s5, $0x0  }
0x1f: {  	s9 =	smul.u32 $0xF7A, s1;
	s8 =	simm.s32 @!p0 $0x1BF5;
	p2 =	por !p2, p0  }
0x20: {  	[sflag:s8] =	ssyncset.s32 @!p0 $0xFFFFF086;
	s6 =	sadd.s32 @!p0 s3, s7;
	s7 =	simm.s32 @!p0 $0x108  }
0x21: {  	s3 =	sadd.s32 s3, s9;
	s6 =	sadd.s32 @!p0 $0x88, s6;
	s7 =	simm.s32 @p2 $0x1082  }
0x22: {  	[simem:s7], [sflag:s8] =	dma.local @!p0 [hbm:s6], $0xF7A  }
0x23: {  	s9 =	sor.u32 $0xD0000000, s2;
	s6 =	simm.s32 $0x108;
	_ =	swait.ge @!p0 [sflag:s8], $0x0  }
0x24: {  	s3 =	sadd.s32 $0x88, s3;
	s6 =	simm.s32 @!p1 $0x1082;
	[sflag:s4] =	ssyncset.s32 $0xFFFFF086  }
0x25: {  	[simem:s6], [sflag:s4] =	dma.local [hbm:s3], $0xF7A  }
0x26: {  	[smem:$0x3F99] =	sst s1;
	(tag) =	ssettag s2;
	_ =	strace s9  }
0x27: {  	s1 =	sld [smem:$0x3FA9]  }
0x28: {  	s2 =	sld [smem:$0x3FAA]  }
0x29: {  	s4 =	sld [smem:$0x3FAC]  }
0x2a: {  	p0 =	seq.s32 s5, $0x0;
	s5 =	sld [smem:$0x3FAD]  }
0x2b: {  	s6 =	sld [smem:$0x3FAE]  }
0x2c: {  	s7 =	sld [smem:$0x3FAF]  }
0x2d: {  	s3 =	simm.s32 $0x108;
	s8 =	sld [smem:$0x3FB0]  }
0x2e: {  	s3 =	simm.s32 @!p0 $0x1082;
	s9 =	sld [smem:$0x3FB1]  }
0x2f: {  	lr =	sadd.s32 s0, s3;
	s0 =	sld [smem:$0x3FA8]  }
0x30: {  	s3 =	sld [smem:$0x3FAB]  }
0x31: {  	[smem:$0x3FB4] =	sst s10  }
0x32: {  	s10 =	sld [smem:$0x3FB2];
	_ =	sdelay $0x3  }
0x33: {  	p0 =	seq.s32 s10, $0x1;
	s10 =	sld [smem:$0x3FB4];
	_ =	sdelay $0x3  }
0x34: {  	[smem:$0x3FB4] =	sst s10  }
0x35: {  	s10 =	sld [smem:$0x3FB3];
	_ =	sdelay $0x3  }
0x36: {  	p1 =	seq.s32 s10, $0x1;
	s10 =	sld [smem:$0x3FB4];
	_ =	sdelay $0x3  }
0x37: {  	[smem:$0x3FB4] =	sst s10  }
0x38: {  	s10 =	sld [smem:$0x3FB5]  }
0x39: {  	_ = 	snop;
	(pc) =	sbr.ind lr, $3  }
0x3a: {  	_ = 	snop  }
0x3b: {  	_ = 	snop  }
0x3c: {  	p2 =	seq.s32 s10, $0x1;
	s10 =	sld [smem:$0x3FB4]  }
0x3d: {  	_ =	shalt  }
0x3e: {  	_ =	shalt  }
0x3f: {  	_ =	shalt  }
0x40: {  	_ =	shalt  }
0x41: {  	_ =	shalt  }
0x42: {  	_ =	shalt  }
0x43: {  	_ =	shalt  }
0x44: {  	_ =	shalt  }
0x45: {  	_ =	shalt  }
0x46: {  	_ =	shalt  }
0x47: {  	_ =	shalt  }
0x48: {  	_ =	shalt  }
0x49: {  	_ =	shalt  }
0x4a: {  	_ =	shalt  }
0x4b: {  	_ =	shalt  }
0x4c: {  	_ =	shalt  }
0x4d: {  	_ =	shalt  }
0x4e: {  	_ =	shalt  }
0x4f: {  	_ =	shalt  }
0x50: {  	_ =	shalt  }
0x51: {  	_ =	shalt  }
0x52: {  	_ =	shalt  }
0x53: {  	_ =	shalt  }
0x54: {  	_ =	shalt  }
0x55: {  	_ =	shalt  }
0x56: {  	_ =	shalt  }
0x57: {  	_ =	shalt  }
0x58: {  	_ =	shalt  }
0x59: {  	_ =	shalt  }
0x5a: {  	_ =	shalt  }
0x5b: {  	_ =	shalt  }
0x5c: {  	_ =	shalt  }
0x5d: {  	_ =	shalt  }
0x5e: {  	_ =	shalt  }
0x5f: {  	_ =	shalt  }
0x60: {  	_ =	shalt  }
0x61: {  	_ =	shalt  }
0x62: {  	_ =	shalt  }
0x63: {  	_ =	shalt  }
0x64: {  	_ =	shalt  }
0x65: {  	_ =	shalt  }
0x66: {  	_ =	shalt  }
0x67: {  	_ =	shalt  }
0x68: {  	_ =	shalt  }
0x69: {  	_ =	shalt  }
0x6a: {  	_ =	shalt  }
0x6b: {  	_ =	shalt  }
0x6c: {  	_ =	shalt  }
0x6d: {  	_ =	shalt  }
0x6e: {  	_ =	shalt  }
0x6f: {  	_ =	shalt  }
0x70: {  	_ =	shalt  }
0x71: {  	_ =	shalt  }
0x72: {  	_ =	shalt  }
0x73: {  	_ =	shalt  }
0x74: {  	_ =	shalt  }
0x75: {  	_ =	shalt  }
0x76: {  	_ =	shalt  }
0x77: {  	_ =	shalt  }
0x78: {  	_ =	shalt  }
0x79: {  	_ =	shalt  }
0x7a: {  	_ =	shalt  }
0x7b: {  	_ =	shalt  }
0x7c: {  	_ =	shalt  }
0x7d: {  	_ =	shalt  }
0x7e: {  	_ =	shalt  }
0x7f: {  	_ =	shalt  }
0x80: {  	_ =	shalt  }
0x81: {  	_ =	shalt  }
0x82: {  	_ =	shalt  }
0x83: {  	_ =	shalt  }
0x84: {  	_ =	shalt  }
0x85: {  	_ =	shalt  }
0x86: {  	_ =	shalt  }
0x87: {  	_ =	shalt  }
.Lfunc_end0:
.L_simem_size_0:
called_computation_lowered:
.L_overlay_start_0:
0x88: {  	s2 =	sld [smem:$0x3FD9]  }
0x89: {  	s3 =	sld [smem:$0x3FFE];
	_ =	sdelay $0x1  }
0x8a: {  	s1 =	srdreg.scid  }
0x8b: {  	s0 =	sand.u32 $0x1, s1  }
0x8c: {  	s17 =	sshll.u32 s0, $0xA;
	s2 =	sadd.s32 s3, s2  }
0x8d: {  	s2 =	sadd.s32 s2, s17  }
0x8e: {  	[smem:$0x3FC0] =	sst s2  }
0x8f: {  	_ = 	snop  }
0x90: {  	s2 =	sld [smem:$0x3FC9]  }
0x91: {  	s18 =	sld [smem:$0x3FD0];
	(tm) =	ssettm $0x1  }
0x92: {  	s4 =	sld [smem:$0x3FFB];
	_ =	sdelay $0x3  }
0x93: {  	_ =	strace s4  }
0x94: {  	s4 =	sld [smem:$0x3FFC];
	_ =	sdelay $0x3  }
0x95: {  	_ =	strace s4  }
0x96: {  	s4 =	sld [smem:$0x3FFD];
	_ =	sdelay $0x3  }
0x97: {  	_ =	strace s4  }
0x98: {  	_ =	strace $0x8FFFFFFF  }
0x99: {  	s19 =	sld [smem:$0x3FDB];
	_ =	sdelay $0x1  }
0x9a: {  	s5 =	simm.s32 $_scs_section_size  }
0x9b: {  	s6 =	simm.s32 $_size__tile_overlayer_lowered;
	s7 =	simm.s32 $_tile_overlayer_lowered  }
0x9c: {  	s22 =	simm.s32 $0x1BFF;
	s21 =	sshll.u32 s7, $0x1;
	s4 =	sadd.s32 s5, s19  }
0x9d: {  	s8 =	simm.s32 $0x0;
	s20 =	sshll.u32 s6, $0x1;
	s6 =	sadd.s32 s21, s4  }
0x9e: {  	[timem:s8], [sflag:s22] =	dma.local [hbm:s6], s20  }
0x9f: {  	_ =	swait.ge [sflag:s22], s20  }
0xa0: {  	s5 =	ssub.s32 $0x0, s20;
	[sflag:s22] =	ssyncset.done $0x0  }
0xa1: {  	[sflag:s22] =	ssyncadd.s32 s5;
	_ =	sdelay $0x1  }
0xa2: {  	s23 =	simm.s32 $0x1B8B  }
0xa3: {  	_ =	swait.ge [sflag:s23], $0x1  }
0xa4: {  	[sflag:s23] =	ssyncset.done $0x0  }
0xa5: {  	s25 =	simm.s32 $0x1B8E;
	s24 =	sld [smem:$0x3FFE];
	[sflag:s23] =	ssyncadd.s32 $0xFFFFFFFF  }
0xa6: {  	s26 =	simm.s32 $execute0_lowered;
	[smem:$0x3FD2] =	sst s25  }
0xa7: {  	s6 =	sshll.u32 s26, $0x1;
	_ =	strace $0x80000046;
	[dreg:$0x1] =	wrdreg $0xFFFFFFFF  }
0xa8: {  	s28 =	simm.s32 $_size_execute0_lowered;
	s4 =	sadd.s32 s4, s6;
	[dreg:$0x0] =	wrdreg $0x0  }
0xa9: {  	s6 =	sshll.u32 s28, $0x1;
	[dreg:$0x2] =	wrdreg s4  }
0xaa: {  	[dreg:$0x3] =	wrdreg s6  }
0xab: {  	[dreg:$0x4] =	wrdreg $0xC0  }
0xac: {  	_ =	task [dreg:s8], $0x5FFFF  }
0xad: {  	[dreg:$0x1] =	wrdreg $0xFFFFFFFF  }
0xae: {  	[dreg:$0x0] =	wrdreg $0x60  }
0xaf: {  	[dreg:$0x2] =	wrdreg s2  }
0xb0: {  	[dreg:$0x3] =	wrdreg s24  }
0xb1: {  	[dreg:$0x4] =	wrdreg s18  }
0xb2: {  	[dreg:$0x5] =	wrdreg $0x0  }
0xb3: {  	[dreg:$0x6] =	wrdreg $0x140000  }
0xb4: {  	[dreg:$0x7] =	wrdreg $0x9  }
0xb5: {  	_ =	task.clear_ibuf [dreg:s8], $0x8FFFF;
	_ =	strace $0x90000046  }
0xb6: {  	s29 =	simm.s32 $0x9;
	_ =	strace $0x80000048  }
0xb7: {  	_ =	swait.ge [sflag:s29], $0x1  }
0xb8: {  	[sflag:s29] =	ssyncadd.s32 $0xFFFFFFFF  }
0xb9: {  	_ =	strace $0x90000048  }
0xba: {  	_ =	sfence  }
0xbb: {  	s30 =	sld [smem:$0x0];
	_ =	sdelay $0x2  }
0xbc: {  	s31 =	sshll.u32 s1, $0xD;
	s1 =	sshrl.u32 s1, $0x2  }
0xbd: {  	s3 =	sand.u32 $0x4000, s31;
	s1 =	sadd.s32 s1, s30  }
0xbe: {  	s0 =	sor.u32 s3, s0;
	s1 =	sshll.u32 s1, $0x11  }
0xbf: {  	s0 =	sor.u32 s1, s0  }
0xc0: {  	s0 =	sadd.s32 $0x8F2B, s0  }
0xc1: {  	[sflag:s0] =	ssyncadd.remote.s32 $0x1  }
0xc2: {  	_ =	sfence.sel $0xFFFF  }
0xc3: {  	[dreg:$0x0] =	wrdreg $0xFFFFFFFF;
	(pc) =	sbr.abs _section_cstart, $3  }
0xc4: {  	[dreg:$0x1] =	wrdreg $0xFFFFFFFF  }
0xc5: {  	_ =	task.clear_ibuf [dreg:s8], $0x2FFFF;
	_ =	strace $0x9FFFFFFF  }
0xc6: {  	(tm) =	ssettm $0x7FFFFFFF  }
0xc7: {  	_ =	shalt  }
tec
execute0_lowered:
.L_overlay_start_1:
0x0: {  	(tag) =	ssettag $0x1  }
0x1: {  	s0 =	rddreg [dreg:$0x0]  }
0x2: {  	s1 =	srdreg.scid;
	s2 =	rddreg [dreg:$0x1]  }
0x3: {  	s6 =	rddreg [dreg:$0x2];
	s11 =	stileid.u32  }
0x4: {  	s3 =	rddreg [dreg:$0x3];
	s29 =	simm.s32 $0x16D00;
	s12 =	smul.u32 $0x280, s11  }
0x5: {  	s30 =	simm.s32 $0x80;
	s31 =	simm.s32 $0x16D80;
	s9 =	smul.u32 $0x50000, s11  }
0x6: {  	s28 =	simm.s32 $0x1AE00;
	s1 =	sand.u32 $0x1, s1;
	s20 =	smul.u32 $0x2800, s11  }
0x7: {  	s14 =	sadd.s32 $0xC200, s2;
	p0 =	seq.s32 s11, $0xF;
	s8 =	smul.u32 $0x2710, s1  }
0x8: {  	s4 =	sshll.u32 s1, $0x4;
	s10 =	ssub.s32 $0x2, s1;
	s18 =	smul.u32 $0x2800, s1  }
0x9: {  	s1 =	smul.u32 $0x28000, s1;
	s5 =	sor.u32 s11, s4;
	s4 =	rddreg [dreg:$0x4]  }
0xa: {  	s21 =	sshrl.u32 s10, $0x1;
	s9 =	sshrl.u32 s9, $0x2;
	s7 =	smul.u32 $0x2800, s5  }
0xb: {  	s5 =	simm.s32 $0x0;
	s8 =	sadd.s32 s12, s8;
	s19 =	ssub.s32 s10, s21  }
0xc: {  	s1 =	sadd.s32 s20, s1;
	[smem:$0x7FF] =	sst s5;
	s8 =	sshll.u32 s8, $0x4  }
0xd: {  	s25 =	sor.u32 $0x100, s1;
	s1 =	sor.u32 $0x180, s1;
	s26 =	smax.u32 s19, $0x1  }
0xe: {  	s19 =	simm.s32 $0x2;
	_ =	strace $0x80000047;
	s13 =	sshrl.u32 s7, $0x3  }
0xf: {  	[dreg:$0xd] =	wrdreg s26;
	s1 =	sshrl.u32 s1, $0x3;
	s26 =	simm.s32 $0x16E00  }
0x10: {  	s7 =	sadd.s32 s13, s2;
	s2 =	sadd.s32 s8, s2;
	s22 =	sadd.s32 s14, s13  }
0x11: {  	s13 =	sadd.s32 s12, s4;
	s12 =	sadd.s32 s12, s18;
	s7 =	sadd.s32 $0x2200, s7  }
0x12: {  	[dreg:$0x8] =	wrdreg s22;
	s23 =	sadd.s32 $0x16200, s2;
	s16 =	sadd.s32 $0x16A00, s2  }
0x13: {  	s17 =	sadd.s32 $0x17200, s2;
	s18 =	sadd.s32 $0x17A00, s2;
	[dreg:$0x6] =	wrdreg s7  }
0x14: {  	s2 =	sadd.s32 $0x18200, s2;
	s24 =	sshrl.u32 s12, $0x3;
	[dreg:$0xb] =	wrdreg s23  }
0x15: {  	s12 =	simm.s32 $0x0;
	s7 =	sadd.s32 s9, s3;
	[dreg:$0xa] =	wrdreg s2  }
0x16: {  	s2 =	sadd.s32 s6, s24;
	s23 =	sadd.s32 s1, s14;
	s24 =	simm.s32 $0x14500  }
0x17: {  	s6 =	simm.s32 $0x1;
	s1 =	simm.s32 $0x1EE00;
	s8 =	sadd.s32 $0x4000, s7  }
0x18: {  	s9 =	sadd.s32 $0x8000, s7;
	s10 =	sadd.s32 $0xC000, s7;
	s15 =	sadd.s32 $0x10000, s7  }
0x19: {  	[dreg:$0xc] =	wrdreg s2;
	s2 =	sshrl.u32 s25, $0x3;
	s25 =	simm.s32 $0x5  }
0x1a: {  	[dreg:$0x7] =	wrdreg s15;
	s15 =	sadd.s32 $0x10, s22;
	s22 =	sadd.s32 s2, s14  }
0x1b: {  	v0 =	vimm.f32 $0.0e+00;
	v1 =	vimm.f32 $1.000000000e+00;
	s2 =	simm.s32 $0x3;
	s14 =	simm.s32 $0x4;
	[dreg:$0x9] =	wrdreg s15  }
.LBB2_1:
0x1c: {  	s11 =	rddreg [dreg:$0x6]  }
0x1d: {  	[tilespmem:s24], [sflag:$0x5] =	stream.linear.gather [hbm4b:s11+s5], $0x2800, $0x38;
	[tilespmem:$0x1EE80] =	vst v63  }
0x1e: {  	_ =	swait.ge [sflag:s25], $0x2800  }
0x1f: {  	[sflag:s25] =	ssyncset.done $0x0  }
0x20: {  	s20 =	simm.s32 $0x0;
	s21 =	simm.s32 $0x200;
	[sflag:s25] =	ssyncadd.s32 $0xFFFFD800  }
.LBB2_2:
0x21: {  	p1 =	sne.s32 s21, $0xFE00;
	[tilespmem:s20+$0x16E70] =	vst v0  }
0x22: {  	[tilespmem:s20+$0x16E00] =	vst v0  }
0x23: {  	[tilespmem:s20+$0x16E10] =	vst v0  }
.Ltmp0:
0x24: {  	[tilespmem:s20+$0x16E20] =	vst v0;
	(pc) =	sbr.rel @p1 .LBB2_2-.Ltmp0, $4  }
0x25: {  	[tilespmem:s20+$0x16E30] =	vst v0  }
0x26: {  	[tilespmem:s20+$0x16E40] =	vst v0  }
0x27: {  	[tilespmem:s20+$0x16E50] =	vst v0  }
0x28: {  	[tilespmem:s20+$0x16E60] =	vst v0;
	s20 =	sshra.s32 s21, $0x2;
	s21 =	sadd.s32 $0x200, s21  }
0x29: {  	[tilespmem:s20+$0x16E70] =	vst v0  }
0x2a: {  	[tilespmem:s20+$0x16E00] =	vst v0  }
0x2b: {  	[tilespmem:s20+$0x16E10] =	vst v0  }
0x2c: {  	[tilespmem:s20+$0x16E20] =	vst v0  }
0x2d: {  	[tilespmem:s20+$0x16E30] =	vst v0  }
0x2e: {  	[tilespmem:s20+$0x16E40] =	vst v0  }
0x2f: {  	[tilespmem:s20+$0x16E50] =	vst v0  }
0x30: {  	[tilespmem:s20+$0x16E60] =	vst v0  }
0x31: {  	[spmem:s7] =	stream.linear.scatter [tilespmem:s26], [sflag:$0x5], $0x4000, $0x38;
	[tilespmem:$0x1EE80] =	vst v63  }
0x32: {  	_ =	swait.ge [sflag:s25], $0x4000  }
0x33: {  	[sflag:s25] =	ssyncset.done $0x0  }
0x34: {  	[sflag:s25] =	ssyncadd.s32 $0xFFFFC000  }
0x35: {  	[spmem:s8] =	stream.linear.scatter [tilespmem:s26], [sflag:$0x5], $0x4000, $0x38;
	[tilespmem:$0x1EE80] =	vst v63  }
0x36: {  	_ =	swait.ge [sflag:s25], $0x4000  }
0x37: {  	[sflag:s25] =	ssyncset.done $0x0  }
0x38: {  	[sflag:s25] =	ssyncadd.s32 $0xFFFFC000  }
0x39: {  	[spmem:s9] =	stream.linear.scatter [tilespmem:s26], [sflag:$0x5], $0x4000, $0x38;
	[tilespmem:$0x1EE80] =	vst v63  }
0x3a: {  	_ =	swait.ge [sflag:s25], $0x4000  }
0x3b: {  	[sflag:s25] =	ssyncset.done $0x0  }
0x3c: {  	[sflag:s25] =	ssyncadd.s32 $0xFFFFC000  }
0x3d: {  	[spmem:s10] =	stream.linear.scatter [tilespmem:s26], [sflag:$0x5], $0x4000, $0x38;
	[tilespmem:$0x1EE80] =	vst v63  }
0x3e: {  	_ =	swait.ge [sflag:s25], $0x4000  }
0x3f: {  	[sflag:s25] =	ssyncset.done $0x0  }
0x40: {  	s11 =	rddreg [dreg:$0x7];
	[sflag:s25] =	ssyncadd.s32 $0xFFFFC000  }
0x41: {  	[spmem:s11] =	stream.linear.scatter [tilespmem:s26], [sflag:$0x5], $0x4000, $0x38;
	[tilespmem:$0x1EE80] =	vst v63  }
0x42: {  	_ =	swait.ge [sflag:s25], $0x4000  }
0x43: {  	[sflag:s25] =	ssyncset.done $0x0  }
0x44: {  	[sflag:s25] =	ssyncadd.s32 $0xFFFFC000  }
0x45: {  	[tilespmem:$0x14280] =	vst v0  }
0x46: {  	[tilespmem:$0x14290] =	vst v0  }
0x47: {  	[tilespmem:$0x142A0] =	vst v0  }
0x48: {  	[tilespmem:$0x142B0] =	vst v0  }
0x49: {  	[tilespmem:$0x142C0] =	vst v0  }
0x4a: {  	[tilespmem:$0x142D0] =	vst v0  }
0x4b: {  	[tilespmem:$0x142E0] =	vst v0  }
0x4c: {  	[tilespmem:$0x142F0] =	vst v0  }
0x4d: {  	[tilespmem:$0x14300] =	vst v0  }
0x4e: {  	[tilespmem:$0x14310] =	vst v0  }
0x4f: {  	[tilespmem:$0x14320] =	vst v0  }
0x50: {  	[tilespmem:$0x14330] =	vst v0  }
0x51: {  	[tilespmem:$0x14340] =	vst v0  }
0x52: {  	[tilespmem:$0x14350] =	vst v0  }
0x53: {  	[tilespmem:$0x14360] =	vst v0  }
0x54: {  	[tilespmem:$0x14370] =	vst v0  }
0x55: {  	[tilespmem:$0x14380] =	vst v0  }
0x56: {  	[tilespmem:$0x14390] =	vst v0  }
0x57: {  	[tilespmem:$0x143A0] =	vst v0  }
0x58: {  	[tilespmem:$0x143B0] =	vst v0  }
0x59: {  	[tilespmem:$0x143C0] =	vst v0  }
0x5a: {  	[tilespmem:$0x143D0] =	vst v0  }
0x5b: {  	[tilespmem:$0x143E0] =	vst v0  }
0x5c: {  	[tilespmem:$0x143F0] =	vst v0  }
0x5d: {  	[tilespmem:$0x14400] =	vst v0  }
0x5e: {  	[tilespmem:$0x14410] =	vst v0  }
0x5f: {  	[tilespmem:$0x14420] =	vst v0  }
0x60: {  	[tilespmem:$0x14430] =	vst v0  }
0x61: {  	[tilespmem:$0x14440] =	vst v0  }
0x62: {  	[tilespmem:$0x14450] =	vst v0  }
0x63: {  	[tilespmem:$0x14460] =	vst v0  }
0x64: {  	[tilespmem:$0x14470] =	vst v0  }
0x65: {  	[tilespmem:$0x14480] =	vst v0  }
0x66: {  	[tilespmem:$0x14490] =	vst v0  }
0x67: {  	[tilespmem:$0x144A0] =	vst v0  }
0x68: {  	[tilespmem:$0x144B0] =	vst v0  }
0x69: {  	[tilespmem:$0x144C0] =	vst v0  }
0x6a: {  	[tilespmem:$0x144D0] =	vst v0  }
0x6b: {  	[tilespmem:$0x144E0] =	vst v0  }
0x6c: {  	s21 =	simm.s32 $0x14280;
	[tilespmem:$0x144F0] =	vst v0  }
0x6d: {  	[spmem:s13] =	stream.linear.scatter [tilespmem:s21], [sflag:$0x5], $0x280, $0x38;
	[tilespmem:$0x1EE80] =	vst v63  }
0x6e: {  	_ =	swait.ge [sflag:s25], $0x280  }
0x6f: {  	[sflag:s25] =	ssyncset.done $0x0  }
0x70: {  	[sflag:s25] =	ssyncadd.s32 $0xFFFFFD80  }
0x71: {  	[tilespmem:$0x1EE00] =	vst v1  }
0x72: {  	[tilespmem:$0x1EE10] =	vst v1  }
0x73: {  	[tilespmem:$0x1EE20] =	vst v1  }
0x74: {  	[tilespmem:$0x1EE30] =	vst v1  }
0x75: {  	[tilespmem:$0x1EE40] =	vst v1  }
0x76: {  	[tilespmem:$0x1EE50] =	vst v1  }
0x77: {  	[tilespmem:$0x1EE60] =	vst v1  }
0x78: {  	s15 =	smov.u32 s13;
	s20 =	simm.s32 $0x0;
	s13 =	rddreg [dreg:$0x8];
	[tilespmem:$0x1EE70] =	vst v1  }
0x79: {  	[tilespmem:s29], [sflag:$0x3] =	stream.linear.gather [hbm4b:s13+s20], $0x80, $0x38;
	[tilespmem:$0x1EE80] =	vst v63  }
0x7a: {  	_ = 	snop  }
0x7b: {  	[tilespmem:s26], [sflag:$0x1] =	stream.indirect.gather [hbm4b:s0+s30], $0x80, s24, s30, $0xb8;
	[tilespmem:$0x1EE80] =	vst v63  }
0x7c: {  	s21 =	rddreg [dreg:$0x9]  }
0x7d: {  	[tilespmem:s31], [sflag:$0x4] =	stream.linear.gather [hbm4b:s21+s20], $0x80, $0x38;
	[tilespmem:$0x1EE80] =	vst v63  }
0x7e: {  	s24 =	simm.s32 $0x14580  }
0x7f: {  	[tilespmem:s28], [sflag:$0x2] =	stream.indirect.gather [hbm4b:s0+s30], $0x80, s24, s30, $0xb8;
	[tilespmem:$0x1EE80] =	vst v63  }
0x80: {  	[bflag:$0x0] =	sbarrier.arrive $0xFFFF  }
0x81: {  	_ =	swait.ge [sflag:s2], $0x80  }
0x82: {  	[sflag:s2] =	ssyncset.done $0x0  }
0x83: {  	[sflag:s2] =	ssyncadd.s32 $0xFFFFFF80  }
0x84: {  	_ =	swait.ge [sflag:s6], $0x4000  }
0x85: {  	[sflag:s6] =	ssyncset.done $0x0  }
0x86: {  	[sflag:s6] =	ssyncadd.s32 $0xFFFFC000  }
0x87: {  	[spmem:s3] =	stream.indirect.scatter.add.f32 [tilespmem:s26], [sflag:$0x5], $0x80, s29, s30, $0xb8;
	[tilespmem:$0x1EE80] =	vst v63  }
0x88: {  	_ =	swait.ge [sflag:s25], $0x4000  }
0x89: {  	[sflag:s25] =	ssyncset.done $0x0  }
0x8a: {  	[sflag:s25] =	ssyncadd.s32 $0xFFFFC000  }
0x8b: {  	[spmem:s4] =	stream.indirect.scatter.add.f32 [tilespmem:s1], [sflag:$0x5], $0x1, s29, s30, $0xb8;
	[tilespmem:$0x1EE80] =	vst v63  }
0x8c: {  	_ =	swait.ge [sflag:s25], $0x80  }
0x8d: {  	[sflag:s25] =	ssyncset.done $0x0  }
0x8e: {  	s13 =	sadd.s32 $0x0, s22;
	[sflag:s25] =	ssyncadd.s32 $0xFFFFFF80  }
0x8f: {  	[tilespmem:s29], [sflag:$0x3] =	stream.linear.gather [hbm4b:s13+s5], $0x80, $0x38;
	[tilespmem:$0x1EE80] =	vst v63  }
0x90: {  	s21 =	simm.s32 $0x14600  }
0x91: {  	[tilespmem:s26], [sflag:$0x1] =	stream.indirect.gather [hbm4b:s0+s30], $0x80, s21, s30, $0xb8;
	[tilespmem:$0x1EE80] =	vst v63  }
0x92: {  	_ =	swait.ge [sflag:s14], $0x80  }
0x93: {  	[sflag:s14] =	ssyncset.done $0x0  }
0x94: {  	[sflag:s14] =	ssyncadd.s32 $0xFFFFFF80  }
0x95: {  	_ =	swait.ge [sflag:s19], $0x4000  }
0x96: {  	[sflag:s19] =	ssyncset.done $0x0  }
0x97: {  	[sflag:s19] =	ssyncadd.s32 $0xFFFFC000  }
0x98: {  	[spmem:s3] =	stream.indirect.scatter.add.f32 [tilespmem:s28], [sflag:$0x5], $0x80, s31, s30, $0xb8;
	[tilespmem:$0x1EE80] =	vst v63  }
0x99: {  	_ =	swait.ge [sflag:s25], $0x4000  }
0x9a: {  	[sflag:s25] =	ssyncset.done $0x0  }
0x9b: {  	[sflag:s25] =	ssyncadd.s32 $0xFFFFC000  }
0x9c: {  	[spmem:s4] =	stream.indirect.scatter.add.f32 [tilespmem:s1], [sflag:$0x5], $0x1, s31, s30, $0xb8;
	[tilespmem:$0x1EE80] =	vst v63  }
0x9d: {  	_ =	swait.ge [sflag:s25], $0x80  }
0x9e: {  	[sflag:s25] =	ssyncset.done $0x0  }
0x9f: {  	s24 =	sadd.s32 $0x0, s23;
	[sflag:s25] =	ssyncadd.s32 $0xFFFFFF80  }
0xa0: {  	[tilespmem:s31], [sflag:$0x4] =	stream.linear.gather [hbm4b:s24+s5], $0x80, $0x38;
	[tilespmem:$0x1EE80] =	vst v63  }
0xa1: {  	s20 =	simm.s32 $0x20;
	s21 =	simm.s32 $0x14680;
	s24 =	simm.s32 $0x14700  }
.LBB2_4:
0xa2: {  	[tilespmem:s28], [sflag:$0x2] =	stream.indirect.gather [hbm4b:s0+s30], $0x80, s21, s30, $0xb8;
	[tilespmem:$0x1EE80] =	vst v63  }
0xa3: {  	s21 =	smov.u32 s20  }
0xa4: {  	p1 =	sne.s32 s20, $0x4C0;
	s20 =	sadd.s32 $0x20, s20;
	_ =	swait.ge [sflag:s2], $0x80  }
0xa5: {  	[sflag:s2] =	ssyncset.done $0x0  }
0xa6: {  	[sflag:s2] =	ssyncadd.s32 $0xFFFFFF80  }
0xa7: {  	_ =	swait.ge [sflag:s6], $0x4000  }
0xa8: {  	[sflag:s6] =	ssyncset.done $0x0  }
0xa9: {  	[sflag:s6] =	ssyncadd.s32 $0xFFFFC000  }
0xaa: {  	[spmem:s3] =	stream.indirect.scatter.add.f32 [tilespmem:s26], [sflag:$0x5], $0x80, s29, s30, $0xb8;
	[tilespmem:$0x1EE80] =	vst v63  }
0xab: {  	_ =	swait.ge [sflag:s25], $0x4000  }
0xac: {  	[sflag:s25] =	ssyncset.done $0x0  }
0xad: {  	[sflag:s25] =	ssyncadd.s32 $0xFFFFC000  }
0xae: {  	[spmem:s4] =	stream.indirect.scatter.add.f32 [tilespmem:s1], [sflag:$0x5], $0x1, s29, s30, $0xb8;
	[tilespmem:$0x1EE80] =	vst v63  }
0xaf: {  	_ =	swait.ge [sflag:s25], $0x80  }
0xb0: {  	[sflag:s25] =	ssyncset.done $0x0  }
0xb1: {  	s11 =	sadd.s32 s21, s22;
	[sflag:s25] =	ssyncadd.s32 $0xFFFFFF80  }
0xb2: {  	[tilespmem:s29], [sflag:$0x3] =	stream.linear.gather [hbm4b:s11+s5], $0x80, $0x38;
	[tilespmem:$0x1EE80] =	vst v63  }
0xb3: {  	_ = 	snop  }
0xb4: {  	[tilespmem:s26], [sflag:$0x1] =	stream.indirect.gather [hbm4b:s0+s30], $0x80, s24, s30, $0xb8;
	[tilespmem:$0x1EE80] =	vst v63  }
0xb5: {  	_ =	swait.ge [sflag:s14], $0x80  }
0xb6: {  	[sflag:s14] =	ssyncset.done $0x0  }
0xb7: {  	[sflag:s14] =	ssyncadd.s32 $0xFFFFFF80  }
0xb8: {  	_ =	swait.ge [sflag:s19], $0x4000  }
0xb9: {  	[sflag:s19] =	ssyncset.done $0x0  }
0xba: {  	[sflag:s19] =	ssyncadd.s32 $0xFFFFC000  }
0xbb: {  	[spmem:s3] =	stream.indirect.scatter.add.f32 [tilespmem:s28], [sflag:$0x5], $0x80, s31, s30, $0xb8;
	[tilespmem:$0x1EE80] =	vst v63  }
0xbc: {  	_ =	swait.ge [sflag:s25], $0x4000  }
0xbd: {  	[sflag:s25] =	ssyncset.done $0x0  }
0xbe: {  	[sflag:s25] =	ssyncadd.s32 $0xFFFFC000  }
0xbf: {  	[spmem:s4] =	stream.indirect.scatter.add.f32 [tilespmem:s1], [sflag:$0x5], $0x1, s31, s30, $0xb8;
	[tilespmem:$0x1EE80] =	vst v63  }
.Ltmp1:
0xc0: {  	_ =	swait.ge [sflag:s25], $0x80;
	(pc) =	sbr.rel @p1 .LBB2_4-.Ltmp1, $4  }
0xc1: {  	[sflag:s25] =	ssyncset.done $0x0  }
0xc2: {  	s11 =	sadd.s32 s21, s23;
	[sflag:s25] =	ssyncadd.s32 $0xFFFFFF80  }
0xc3: {  	[tilespmem:s31], [sflag:$0x4] =	stream.linear.gather [hbm4b:s11+s5], $0x80, $0x38;
	[tilespmem:$0x1EE80] =	vst v63  }
0xc4: {  	s21 =	sadd.s32 $0x80, s24;
	s24 =	sadd.s32 $0x100, s24  }
0xc5: {  	[tilespmem:s28], [sflag:$0x2] =	stream.indirect.gather [hbm4b:s0+s30], $0x80, s21, s30, $0xb8;
	[tilespmem:$0x1EE80] =	vst v63  }
0xc6: {  	_ =	swait.ge [sflag:s2], $0x80  }
0xc7: {  	[sflag:s2] =	ssyncset.done $0x0  }
0xc8: {  	[sflag:s2] =	ssyncadd.s32 $0xFFFFFF80  }
0xc9: {  	_ =	swait.ge [sflag:s6], $0x4000  }
0xca: {  	[sflag:s6] =	ssyncset.done $0x0  }
0xcb: {  	[sflag:s6] =	ssyncadd.s32 $0xFFFFC000  }
0xcc: {  	[spmem:s3] =	stream.indirect.scatter.add.f32 [tilespmem:s26], [sflag:$0x5], $0x80, s29, s30, $0xb8;
	[tilespmem:$0x1EE80] =	vst v63  }
0xcd: {  	_ =	swait.ge [sflag:s25], $0x4000  }
0xce: {  	[sflag:s25] =	ssyncset.done $0x0  }
0xcf: {  	[sflag:s25] =	ssyncadd.s32 $0xFFFFC000  }
0xd0: {  	[spmem:s4] =	stream.indirect.scatter.add.f32 [tilespmem:s1], [sflag:$0x5], $0x1, s29, s30, $0xb8;
	[tilespmem:$0x1EE80] =	vst v63  }
0xd1: {  	_ =	swait.ge [sflag:s25], $0x80  }
0xd2: {  	[sflag:s25] =	ssyncset.done $0x0  }
0xd3: {  	[sflag:s25] =	ssyncadd.s32 $0xFFFFFF80  }
0xd4: {  	_ =	swait.ge [sflag:s14], $0x80  }
0xd5: {  	[sflag:s14] =	ssyncset.done $0x0  }
0xd6: {  	[sflag:s14] =	ssyncadd.s32 $0xFFFFFF80  }
0xd7: {  	_ =	swait.ge [sflag:s19], $0x4000  }
0xd8: {  	[sflag:s19] =	ssyncset.done $0x0  }
0xd9: {  	[sflag:s19] =	ssyncadd.s32 $0xFFFFC000  }
0xda: {  	[spmem:s3] =	stream.indirect.scatter.add.f32 [tilespmem:s28], [sflag:$0x5], $0x80, s31, s30, $0xb8;
	[tilespmem:$0x1EE80] =	vst v63  }
0xdb: {  	_ =	swait.ge [sflag:s25], $0x4000  }
0xdc: {  	[sflag:s25] =	ssyncset.done $0x0  }
0xdd: {  	[sflag:s25] =	ssyncadd.s32 $0xFFFFC000  }
0xde: {  	[spmem:s4] =	stream.indirect.scatter.add.f32 [tilespmem:s1], [sflag:$0x5], $0x1, s31, s30, $0xb8;
	[tilespmem:$0x1EE80] =	vst v63  }
0xdf: {  	_ =	swait.ge [sflag:s25], $0x80  }
0xe0: {  	[sflag:s25] =	ssyncset.done $0x0  }
0xe1: {  	[sflag:s25] =	ssyncadd.s32 $0xFFFFFF80  }
0xe2: {  	[bflag:$0x0] =	sbarrier.arrive $0xFFFF  }
0xe3: {  	s11 =	sshrl.u32 @p0 s7, $0x3;
	s20 =	simm.s32 @p0 $0x1FC5;
	s13 =	rddreg [dreg:$0xb]  }
0xe4: {  	[hbm:s13], [sflag:s20] =	dma.local @p0 [spmem:s11], $0x800  }
0xe5: {  	s11 =	simm.s32 @p0 $0x5  }
0xe6: {  	_ =	swait.ge @p0 [sflag:s11], $0x800  }
0xe7: {  	[sflag:s11] =	ssyncset.done @p0 $0x0  }
0xe8: {  	s21 =	sshrl.u32 @p0 s8, $0x3;
	[sflag:s11] =	ssyncadd.s32 @p0 $0xFFFFF800  }
0xe9: {  	[hbm:s16], [sflag:s20] =	dma.local @p0 [spmem:s21], $0x800  }
0xea: {  	_ =	swait.ge @p0 [sflag:s11], $0x800  }
0xeb: {  	[sflag:s11] =	ssyncset.done @p0 $0x0  }
0xec: {  	s21 =	sshrl.u32 @p0 s9, $0x3;
	[sflag:s11] =	ssyncadd.s32 @p0 $0xFFFFF800  }
0xed: {  	[hbm:s17], [sflag:s20] =	dma.local @p0 [spmem:s21], $0x800  }
0xee: {  	_ =	swait.ge @p0 [sflag:s11], $0x800  }
0xef: {  	[sflag:s11] =	ssyncset.done @p0 $0x0  }
0xf0: {  	s21 =	sshrl.u32 @p0 s10, $0x3;
	[sflag:s11] =	ssyncadd.s32 @p0 $0xFFFFF800  }
0xf1: {  	[hbm:s18], [sflag:s20] =	dma.local @p0 [spmem:s21], $0x100  }
0xf2: {  	s24 =	stileid.u32;
	_ =	swait.ge @p0 [sflag:s11], $0x100  }
0xf3: {  	s20 =	sshll.u32 @!p0 s24, $0x6;
	[sflag:s11] =	ssyncset.done @p0 $0x0  }
0xf4: {  	[sflag:s11] =	ssyncadd.s32 @p0 $0xFFFFFF00;
	s11 =	sor.u32 @!p0 $0x1C05, s20;
	s20 =	sshrl.u32 @!p0 s7, $0x3  }
0xf5: {  	[hbm:s13], [sflag:s11] =	dma.local @!p0 [spmem:s20], $0x800  }
0xf6: {  	s20 =	simm.s32 @!p0 $0x5  }
0xf7: {  	_ =	swait.ge @!p0 [sflag:s20], $0x800  }
0xf8: {  	[sflag:s20] =	ssyncset.done @!p0 $0x0  }
0xf9: {  	s21 =	sshrl.u32 @!p0 s8, $0x3;
	[sflag:s20] =	ssyncadd.s32 @!p0 $0xFFFFF800  }
0xfa: {  	[hbm:s16], [sflag:s11] =	dma.local @!p0 [spmem:s21], $0x800  }
0xfb: {  	_ =	swait.ge @!p0 [sflag:s20], $0x800  }
0xfc: {  	[sflag:s20] =	ssyncset.done @!p0 $0x0  }
0xfd: {  	s21 =	sshrl.u32 @!p0 s9, $0x3;
	[sflag:s20] =	ssyncadd.s32 @!p0 $0xFFFFF800  }
0xfe: {  	[hbm:s17], [sflag:s11] =	dma.local @!p0 [spmem:s21], $0x800  }
0xff: {  	_ =	swait.ge @!p0 [sflag:s20], $0x800  }
0x100: {  	[sflag:s20] =	ssyncset.done @!p0 $0x0  }
0x101: {  	s21 =	sshrl.u32 @!p0 s10, $0x3;
	[sflag:s20] =	ssyncadd.s32 @!p0 $0xFFFFF800  }
0x102: {  	[hbm:s18], [sflag:s11] =	dma.local @!p0 [spmem:s21], $0x800  }
0x103: {  	_ =	swait.ge @!p0 [sflag:s20], $0x800  }
0x104: {  	[sflag:s20] =	ssyncset.done @!p0 $0x0;
	s21 =	rddreg [dreg:$0x7]  }
0x105: {  	s13 =	rddreg [dreg:$0xa];
	[sflag:s20] =	ssyncadd.s32 @!p0 $0xFFFFF800;
	s21 =	sshrl.u32 @!p0 s21, $0x3  }
0x106: {  	[hbm:s13], [sflag:s11] =	dma.local @!p0 [spmem:s21], $0x800  }
0x107: {  	s13 =	sshll.u32 s24, $0x6;
	_ =	swait.ge @!p0 [sflag:s20], $0x800  }
0x108: {  	s11 =	sor.u32 $0x1C05, s13;
	s13 =	smov.u32 s15;
	[sflag:s20] =	ssyncset.done @!p0 $0x0  }
0x109: {  	s15 =	sshrl.u32 s15, $0x3;
	s24 =	rddreg [dreg:$0xc];
	[sflag:s20] =	ssyncadd.s32 @!p0 $0xFFFFF800  }
0x10a: {  	[hbm:s24], [sflag:s11] =	dma.local [spmem:s15], $0x50  }
0x10b: {  	_ =	swait.ge [sflag:s25], $0x50  }
0x10c: {  	s12 =	sadd.s32 $0x1, s12;
	s24 =	rddreg [dreg:$0xd]  }
0x10d: {  	p1 =	sne.s32 s12, s24  }
.Ltmp2:
0x10e: {  	_ = 	snop;
	(pc) =	sbr.rel @p1 .LBB2_1-.Ltmp2, $3  }
0x10f: {  	_ =	sdelay $0x1  }
0x110: {  	[sflag:s25] =	ssyncset.done $0x0  }
0x111: {  	s21 =	stileid.u32;
	[sflag:s25] =	ssyncadd.s32 $0xFFFFFFB0;
	s24 =	simm.s32 $0x14500  }
0x112: {  	_ =	sfence.sel $0x180000  }
0x113: {  	[bflag:$0x0] =	sbarrier.arrive $0xFFFF  }
0x114: {  	_ =	strace $0x90000047  }
0x115: {  	[bflag:$0x2] =	sbarrier.arrive $0xFFFF  }
0x116: {  	p0 =	sne.s32 s21, $0x0;
	s0 =	rddreg [dreg:$0x5]  }
0x117: {  	s0 =	sadd.s32 @!p0 $0x100000, s0  }
0x118: {  	[sflag:s0] =	ssyncadd.tile.s32 @!p0 $0x1;
	_ =	shalt  }
.Lfunc_end2:
_tile_overlayer_lowered:
.L_overlay_start_2:
0x119: {  	(tag) =	ssettag $0x2  }
0x11a: {  	s0 =	rddreg [dreg:$0x0];
	s2 =	stileid.u32  }
0x11b: {  	s1 =	rddreg [dreg:$0x1];
	p0 =	sne.s32 s2, $0x0  }
0x11c: {  	s3 =	rddreg [dreg:$0x2];
	[bflag:$0x3] =	sbarrier.arrive $0xFFFF;
	s2 =	simm.s32 @!p0 $0x1C05  }
0x11d: {  	[timem:s3], [sflag:s2] =	dma.local @!p0 [hbm:s0], s1  }
0x11e: {  	s0 =	simm.s32 @!p0 $0x5  }
0x11f: {  	_ =	swait.ge @!p0 [sflag:s0], s1  }
0x120: {  	s1 =	ssub.s32 @!p0 $0x0, s1;
	[sflag:s0] =	ssyncset.done @!p0 $0x0  }
0x121: {  	[sflag:s0] =	ssyncadd.s32 @!p0 s1  }
0x122: {  	[bflag:$0x3] =	sbarrier.arrive $0xFFFF  }
0x123: {  	_ =	shalt  }

// kernel: kernel.9.cloned.1.call-start
scs
__scs_entry_jumppad:
0x0: {  	(pc) =	sbr.rel $0x88, $3  }
0x1: {  	(tag) =	ssettag $0x0;
	lr =	simm.s32 $0x1  }
0x2: {  	[smem:$0x3F99] =	sst lr;
	_ =	strace $0xD0000000  }
0x3: {  	_ = 	snop  }
0x4: {  	_ = 	snop  }
0x5: {  	_ = 	snop  }
0x6: {  	_ = 	snop  }
0x7: {  	_ = 	snop  }
__scs_overlays_trampoline_lowered:
0x8: {  	[smem:$0x3FA8] =	sst s0  }
0x9: {  	[smem:$0x3FA9] =	sst s1  }
0xa: {  	[smem:$0x3FAA] =	sst s2  }
0xb: {  	[smem:$0x3FAB] =	sst s3  }
0xc: {  	[smem:$0x3FAC] =	sst s4  }
0xd: {  	[smem:$0x3FAD] =	sst s5  }
0xe: {  	[smem:$0x3FAE] =	sst s6  }
0xf: {  	[smem:$0x3FAF] =	sst s7  }
0x10: {  	[smem:$0x3FB0] =	sst s8  }
0x11: {  	[smem:$0x3FB1] =	sst s9;
	s0 =	simm.s32 @!p0 $0x0  }
0x12: {  	s1 =	sld [smem:$0x3F97];
	s0 =	simm.s32 @p0 $0x1  }
0x13: {  	[smem:$0x3FB2] =	sst s0;
	s0 =	simm.s32 @!p1 $0x0  }
0x14: {  	s2 =	sld [smem:$0x3F96];
	s0 =	simm.s32 @p1 $0x1  }
0x15: {  	[smem:$0x3FB3] =	sst s0;
	s0 =	simm.s32 @!p2 $0x0  }
0x16: {  	s3 =	sld [smem:$0x3FDB];
	s0 =	simm.s32 @p2 $0x1  }
0x17: {  	s4 =	simm.s32 $0x1BF5;
	[smem:$0x3FB5] =	sst s0  }
0x18: {  	s0 =	sld [smem:$0x3F98];
	_ =	swait.ge [sflag:s4], $0x0  }
0x19: {  	s7 =	sld [smem:$0x3F99]  }
0x1a: {  	s8 =	sadd.s32 $0xFFFFE003, lr  }
0x1b: {  	s9 =	sadd.s32 $0xFFFFFEF7, lr;
	s5 =	simm.s32 $0xFFFFFFFF;
	p2 =	slt.u32 s8, $0xFFFFF086  }
0x1c: {  	p1 =	slt.u32 s9, $0xF7A;
	s5 =	simm.s32 @!p2 $0x0  }
0x1d: {  	s5 =	simm.s32 @p1 $0x1;
	p0 =	seq.s32 s7, s2  }
0x1e: {  	s7 =	smul.u32 @!p0 $0xF7A, s2;
	p2 =	seq.s32 @!p0 s5, $0x0  }
0x1f: {  	s9 =	smul.u32 $0xF7A, s1;
	s8 =	simm.s32 @!p0 $0x1BF5;
	p2 =	por !p2, p0  }
0x20: {  	[sflag:s8] =	ssyncset.s32 @!p0 $0xFFFFF086;
	s6 =	sadd.s32 @!p0 s3, s7;
	s7 =	simm.s32 @!p0 $0x108  }
0x21: {  	s3 =	sadd.s32 s3, s9;
	s6 =	sadd.s32 @!p0 $0x88, s6;
	s7 =	simm.s32 @p2 $0x1082  }
0x22: {  	[simem:s7], [sflag:s8] =	dma.local @!p0 [hbm:s6], $0xF7A  }
0x23: {  	s9 =	sor.u32 $0xD0000000, s2;
	s6 =	simm.s32 $0x108;
	_ =	swait.ge @!p0 [sflag:s8], $0x0  }
0x24: {  	s3 =	sadd.s32 $0x88, s3;
	s6 =	simm.s32 @!p1 $0x1082;
	[sflag:s4] =	ssyncset.s32 $0xFFFFF086  }
0x25: {  	[simem:s6], [sflag:s4] =	dma.local [hbm:s3], $0xF7A  }
0x26: {  	[smem:$0x3F99] =	sst s1;
	(tag) =	ssettag s2;
	_ =	strace s9  }
0x27: {  	s1 =	sld [smem:$0x3FA9]  }
0x28: {  	s2 =	sld [smem:$0x3FAA]  }
0x29: {  	s4 =	sld [smem:$0x3FAC]  }
0x2a: {  	p0 =	seq.s32 s5, $0x0;
	s5 =	sld [smem:$0x3FAD]  }
0x2b: {  	s6 =	sld [smem:$0x3FAE]  }
0x2c: {  	s7 =	sld [smem:$0x3FAF]  }
0x2d: {  	s3 =	simm.s32 $0x108;
	s8 =	sld [smem:$0x3FB0]  }
0x2e: {  	s3 =	simm.s32 @!p0 $0x1082;
	s9 =	sld [smem:$0x3FB1]  }
0x2f: {  	lr =	sadd.s32 s0, s3;
	s0 =	sld [smem:$0x3FA8]  }
0x30: {  	s3 =	sld [smem:$0x3FAB]  }
0x31: {  	[smem:$0x3FB4] =	sst s10  }
0x32: {  	s10 =	sld [smem:$0x3FB2];
	_ =	sdelay $0x3  }
0x33: {  	p0 =	seq.s32 s10, $0x1;
	s10 =	sld [smem:$0x3FB4];
	_ =	sdelay $0x3  }
0x34: {  	[smem:$0x3FB4] =	sst s10  }
0x35: {  	s10 =	sld [smem:$0x3FB3];
	_ =	sdelay $0x3  }
0x36: {  	p1 =	seq.s32 s10, $0x1;
	s10 =	sld [smem:$0x3FB4];
	_ =	sdelay $0x3  }
0x37: {  	[smem:$0x3FB4] =	sst s10  }
0x38: {  	s10 =	sld [smem:$0x3FB5]  }
0x39: {  	_ = 	snop;
	(pc) =	sbr.ind lr, $3  }
0x3a: {  	_ = 	snop  }
0x3b: {  	_ = 	snop  }
0x3c: {  	p2 =	seq.s32 s10, $0x1;
	s10 =	sld [smem:$0x3FB4]  }
0x3d: {  	_ =	shalt  }
0x3e: {  	_ =	shalt  }
0x3f: {  	_ =	shalt  }
0x40: {  	_ =	shalt  }
0x41: {  	_ =	shalt  }
0x42: {  	_ =	shalt  }
0x43: {  	_ =	shalt  }
0x44: {  	_ =	shalt  }
0x45: {  	_ =	shalt  }
0x46: {  	_ =	shalt  }
0x47: {  	_ =	shalt  }
0x48: {  	_ =	shalt  }
0x49: {  	_ =	shalt  }
0x4a: {  	_ =	shalt  }
0x4b: {  	_ =	shalt  }
0x4c: {  	_ =	shalt  }
0x4d: {  	_ =	shalt  }
0x4e: {  	_ =	shalt  }
0x4f: {  	_ =	shalt  }
0x50: {  	_ =	shalt  }
0x51: {  	_ =	shalt  }
0x52: {  	_ =	shalt  }
0x53: {  	_ =	shalt  }
0x54: {  	_ =	shalt  }
0x55: {  	_ =	shalt  }
0x56: {  	_ =	shalt  }
0x57: {  	_ =	shalt  }
0x58: {  	_ =	shalt  }
0x59: {  	_ =	shalt  }
0x5a: {  	_ =	shalt  }
0x5b: {  	_ =	shalt  }
0x5c: {  	_ =	shalt  }
0x5d: {  	_ =	shalt  }
0x5e: {  	_ =	shalt  }
0x5f: {  	_ =	shalt  }
0x60: {  	_ =	shalt  }
0x61: {  	_ =	shalt  }
0x62: {  	_ =	shalt  }
0x63: {  	_ =	shalt  }
0x64: {  	_ =	shalt  }
0x65: {  	_ =	shalt  }
0x66: {  	_ =	shalt  }
0x67: {  	_ =	shalt  }
0x68: {  	_ =	shalt  }
0x69: {  	_ =	shalt  }
0x6a: {  	_ =	shalt  }
0x6b: {  	_ =	shalt  }
0x6c: {  	_ =	shalt  }
0x6d: {  	_ =	shalt  }
0x6e: {  	_ =	shalt  }
0x6f: {  	_ =	shalt  }
0x70: {  	_ =	shalt  }
0x71: {  	_ =	shalt  }
0x72: {  	_ =	shalt  }
0x73: {  	_ =	shalt  }
0x74: {  	_ =	shalt  }
0x75: {  	_ =	shalt  }
0x76: {  	_ =	shalt  }
0x77: {  	_ =	shalt  }
0x78: {  	_ =	shalt  }
0x79: {  	_ =	shalt  }
0x7a: {  	_ =	shalt  }
0x7b: {  	_ =	shalt  }
0x7c: {  	_ =	shalt  }
0x7d: {  	_ =	shalt  }
0x7e: {  	_ =	shalt  }
0x7f: {  	_ =	shalt  }
0x80: {  	_ =	shalt  }
0x81: {  	_ =	shalt  }
0x82: {  	_ =	shalt  }
0x83: {  	_ =	shalt  }
0x84: {  	_ =	shalt  }
0x85: {  	_ =	shalt  }
0x86: {  	_ =	shalt  }
0x87: {  	_ =	shalt  }
.Lfunc_end0:
.L_simem_size_0:
called_computation.1_lowered:
.L_overlay_start_0:
0x88: {  	s2 =	sld [smem:$0x3FD9]  }
0x89: {  	s3 =	sld [smem:$0x3FFE];
	_ =	sdelay $0x1  }
0x8a: {  	s1 =	srdreg.scid  }
0x8b: {  	s0 =	sand.u32 $0x1, s1  }
0x8c: {  	s17 =	sshll.u32 s0, $0xA;
	s2 =	sadd.s32 s3, s2  }
0x8d: {  	s2 =	sadd.s32 s2, s17  }
0x8e: {  	[smem:$0x3FC0] =	sst s2  }
0x8f: {  	_ = 	snop  }
0x90: {  	s2 =	sld [smem:$0x3FD0];
	(tm) =	ssettm $0x1  }
0x91: {  	s18 =	sld [smem:$0x3FFB];
	_ =	sdelay $0x3  }
0x92: {  	_ =	strace s18  }
0x93: {  	s3 =	sld [smem:$0x3FFC];
	_ =	sdelay $0x3  }
0x94: {  	_ =	strace s3  }
0x95: {  	s3 =	sld [smem:$0x3FFD];
	_ =	sdelay $0x3  }
0x96: {  	_ =	strace s3  }
0x97: {  	_ =	strace $0x8FFFFFFF  }
0x98: {  	s19 =	sld [smem:$0x3FDB];
	_ =	sdelay $0x1  }
0x99: {  	s4 =	simm.s32 $_scs_section_size  }
0x9a: {  	s5 =	simm.s32 $_size__tile_overlayer_lowered;
	s6 =	simm.s32 $_tile_overlayer_lowered  }
0x9b: {  	s22 =	simm.s32 $0x1BFF;
	s21 =	sshll.u32 s6, $0x1;
	s3 =	sadd.s32 s4, s19  }
0x9c: {  	s7 =	simm.s32 $0x0;
	s20 =	sshll.u32 s5, $0x1;
	s5 =	sadd.s32 s21, s3  }
0x9d: {  	[timem:s7], [sflag:s22] =	dma.local [hbm:s5], s20  }
0x9e: {  	_ =	swait.ge [sflag:s22], s20  }
0x9f: {  	s4 =	ssub.s32 $0x0, s20;
	[sflag:s22] =	ssyncset.done $0x0  }
0xa0: {  	[sflag:s22] =	ssyncadd.s32 s4;
	_ =	sdelay $0x1  }
0xa1: {  	s23 =	simm.s32 $0x1B8B  }
0xa2: {  	_ =	swait.ge [sflag:s23], $0x1  }
0xa3: {  	[sflag:s23] =	ssyncset.done $0x0  }
0xa4: {  	s25 =	simm.s32 $0x1B8E;
	s24 =	sld [smem:$0x3FFE];
	[sflag:s23] =	ssyncadd.s32 $0xFFFFFFFF  }
0xa5: {  	s26 =	simm.s32 $execute0_lowered;
	[smem:$0x3FD2] =	sst s25  }
0xa6: {  	s5 =	sshll.u32 s26, $0x1;
	_ =	strace $0x80000049;
	[dreg:$0x1] =	wrdreg $0xFFFFFFFF  }
0xa7: {  	s28 =	simm.s32 $_size_execute0_lowered;
	s3 =	sadd.s32 s3, s5;
	[dreg:$0x0] =	wrdreg $0x0  }
0xa8: {  	s5 =	sshll.u32 s28, $0x1;
	[dreg:$0x2] =	wrdreg s3  }
0xa9: {  	[dreg:$0x3] =	wrdreg s5  }
0xaa: {  	[dreg:$0x4] =	wrdreg $0xC0  }
0xab: {  	_ =	task [dreg:s7], $0x5FFFF  }
0xac: {  	[dreg:$0x1] =	wrdreg $0xFFFFFFFF  }
0xad: {  	[dreg:$0x0] =	wrdreg $0x60  }
0xae: {  	[dreg:$0x2] =	wrdreg s2  }
0xaf: {  	[dreg:$0x3] =	wrdreg s24  }
0xb0: {  	[dreg:$0x4] =	wrdreg $0x0  }
0xb1: {  	[dreg:$0x5] =	wrdreg $0x9  }
0xb2: {  	_ =	task.clear_ibuf [dreg:s7], $0x6FFFF;
	_ =	strace $0x90000049  }
0xb3: {  	s29 =	simm.s32 $0x9;
	_ =	strace $0x8000004B  }
0xb4: {  	_ =	swait.ge [sflag:s29], $0x1  }
0xb5: {  	[sflag:s29] =	ssyncadd.s32 $0xFFFFFFFF  }
0xb6: {  	_ =	strace $0x9000004B  }
0xb7: {  	_ =	sfence  }
0xb8: {  	s30 =	sld [smem:$0x0];
	_ =	sdelay $0x2  }
0xb9: {  	s31 =	sshll.u32 s1, $0xD;
	s1 =	sshrl.u32 s1, $0x2  }
0xba: {  	s3 =	sand.u32 $0x4000, s31;
	s1 =	sadd.s32 s1, s30  }
0xbb: {  	s0 =	sor.u32 s3, s0;
	s1 =	sshll.u32 s1, $0x11  }
0xbc: {  	s0 =	sor.u32 s1, s0  }
0xbd: {  	s0 =	sadd.s32 $0x8F2B, s0  }
0xbe: {  	[sflag:s0] =	ssyncadd.remote.s32 $0x1  }
0xbf: {  	_ =	sfence.sel $0xFFFF  }
0xc0: {  	[dreg:$0x0] =	wrdreg $0xFFFFFFFF;
	(pc) =	sbr.abs _section_cstart, $3  }
0xc1: {  	[dreg:$0x1] =	wrdreg $0xFFFFFFFF  }
0xc2: {  	_ =	task.clear_ibuf [dreg:s7], $0x2FFFF;
	_ =	strace $0x9FFFFFFF  }
0xc3: {  	(tm) =	ssettm $0x7FFFFFFF  }
tec
execute0_lowered:
.L_overlay_start_1:
0x0: {  	(tag) =	ssettag $0x1  }
0x1: {  	s1 =	rddreg [dreg:$0x0]  }
0x2: {  	s0 =	srdreg.scid;
	s5 =	rddreg [dreg:$0x1]  }
0x3: {  	s17 =	stileid.u32;
	s3 =	rddreg [dreg:$0x2]  }
0x4: {  	s4 =	simm.s32 $0x0;
	s21 =	simm.s32 $0x14000;
	s22 =	simm.s32 $0x5  }
0x5: {  	s29 =	simm.s32 $0x1A900;
	s30 =	simm.s32 $0x3;
	s31 =	simm.s32 $0x1  }
0x6: {  	s28 =	simm.s32 $0x0;
	s0 =	sand.u32 $0x1, s0;
	s6 =	smul.u32 $0x280, s17  }
0x7: {  	[smem:$0x7FF] =	sst s4;
	s9 =	smul.u32 $0x50000, s17;
	s12 =	sadd.s32 $0xC200, s5  }
0x8: {  	s26 =	smul.u32 $0x2800, s17;
	p0 =	seq.s32 s17, $0xF;
	s2 =	sshll.u32 s0, $0x4  }
0x9: {  	s7 =	smul.u32 $0x2710, s0;
	_ =	strace $0x8000004A;
	s23 =	ssub.s32 $0x2, s0  }
0xa: {  	s0 =	smul.u32 $0x28000, s0;
	s2 =	sor.u32 s17, s2;
	s10 =	sshrl.u32 s23, $0x1  }
0xb: {  	s9 =	sshrl.u32 s9, $0x2;
	s2 =	smul.u32 $0x2800, s2;
	s6 =	sadd.s32 s6, s7  }
0xc: {  	s18 =	ssub.s32 s23, s10;
	s0 =	sadd.s32 s26, s0;
	s23 =	simm.s32 $0x16900  }
0xd: {  	s26 =	simm.s32 $0x16880;
	s6 =	sshll.u32 s6, $0x4;
	s2 =	sshrl.u32 s2, $0x3  }
0xe: {  	s18 =	smax.u32 s18, $0x1;
	s6 =	sadd.s32 s6, s5;
	s8 =	sadd.s32 s2, s5  }
0xf: {  	s5 =	sadd.s32 s9, s3;
	s25 =	sadd.s32 s12, s2;
	s13 =	sadd.s32 $0x16200, s6  }
0x10: {  	s14 =	sadd.s32 $0x16A00, s6;
	s15 =	sadd.s32 $0x17200, s6;
	s16 =	sadd.s32 $0x17A00, s6  }
0x11: {  	s2 =	sor.u32 $0x100, s0;
	s6 =	sadd.s32 $0x18200, s6;
	s0 =	sor.u32 $0x180, s0  }
0x12: {  	s24 =	sadd.s32 $0x2200, s8;
	s7 =	sadd.s32 $0x4000, s5;
	s8 =	sadd.s32 $0x8000, s5  }
0x13: {  	s10 =	sadd.s32 $0xC000, s5;
	s11 =	sadd.s32 $0x10000, s5;
	[dreg:$0x5] =	wrdreg s25  }
0x14: {  	s9 =	sadd.s32 $0x10, s25;
	[dreg:$0x7] =	wrdreg s6;
	s2 =	sshrl.u32 s2, $0x3  }
0x15: {  	s0 =	sshrl.u32 s0, $0x3;
	s25 =	simm.s32 $0x80;
	[dreg:$0x4] =	wrdreg s24  }
0x16: {  	[dreg:$0x6] =	wrdreg s9;
	s19 =	sadd.s32 s2, s12;
	s20 =	sadd.s32 s0, s12  }
0x17: {  	v0 =	vimm.f32 $0.0e+00;
	s24 =	simm.s32 $0x16800;
	s2 =	simm.s32 $0x4;
	s0 =	simm.s32 $0x2  }
.LBB2_1:
0x18: {  	s6 =	rddreg [dreg:$0x4]  }
0x19: {  	[tilespmem:s21], [sflag:$0x5] =	stream.linear.gather [hbm4b:s6+s4], $0x2800, $0x38;
	[tilespmem:$0x1E900] =	vst v63  }
0x1a: {  	_ =	swait.ge [sflag:s22], $0x2800  }
0x1b: {  	[sflag:s22] =	ssyncset.done $0x0  }
0x1c: {  	s12 =	simm.s32 $0x200;
	s6 =	simm.s32 $0x0;
	[sflag:s22] =	ssyncadd.s32 $0xFFFFD800  }
.LBB2_2:
0x1d: {  	p1 =	sne.s32 s12, $0xFE00;
	[tilespmem:s6+$0x16970] =	vst v0  }
0x1e: {  	[tilespmem:s6+$0x16900] =	vst v0  }
0x1f: {  	[tilespmem:s6+$0x16910] =	vst v0  }
.Ltmp0:
0x20: {  	[tilespmem:s6+$0x16920] =	vst v0;
	(pc) =	sbr.rel @p1 .LBB2_2-.Ltmp0, $4  }
0x21: {  	[tilespmem:s6+$0x16930] =	vst v0  }
0x22: {  	[tilespmem:s6+$0x16940] =	vst v0  }
0x23: {  	[tilespmem:s6+$0x16950] =	vst v0  }
0x24: {  	[tilespmem:s6+$0x16960] =	vst v0;
	s6 =	sshra.s32 s12, $0x2;
	s12 =	sadd.s32 $0x200, s12  }
0x25: {  	[tilespmem:s6+$0x16970] =	vst v0  }
0x26: {  	[tilespmem:s6+$0x16900] =	vst v0  }
0x27: {  	[tilespmem:s6+$0x16910] =	vst v0  }
0x28: {  	[tilespmem:s6+$0x16920] =	vst v0  }
0x29: {  	[tilespmem:s6+$0x16930] =	vst v0  }
0x2a: {  	[tilespmem:s6+$0x16940] =	vst v0  }
0x2b: {  	[tilespmem:s6+$0x16950] =	vst v0  }
0x2c: {  	[tilespmem:s6+$0x16960] =	vst v0  }
0x2d: {  	[spmem:s5] =	stream.linear.scatter [tilespmem:s23], [sflag:$0x5], $0x4000, $0x38;
	[tilespmem:$0x1E900] =	vst v63  }
0x2e: {  	_ =	swait.ge [sflag:s22], $0x4000  }
0x2f: {  	[sflag:s22] =	ssyncset.done $0x0  }
0x30: {  	[sflag:s22] =	ssyncadd.s32 $0xFFFFC000  }
0x31: {  	[spmem:s7] =	stream.linear.scatter [tilespmem:s23], [sflag:$0x5], $0x4000, $0x38;
	[tilespmem:$0x1E900] =	vst v63  }
0x32: {  	_ =	swait.ge [sflag:s22], $0x4000  }
0x33: {  	[sflag:s22] =	ssyncset.done $0x0  }
0x34: {  	[sflag:s22] =	ssyncadd.s32 $0xFFFFC000  }
0x35: {  	[spmem:s8] =	stream.linear.scatter [tilespmem:s23], [sflag:$0x5], $0x4000, $0x38;
	[tilespmem:$0x1E900] =	vst v63  }
0x36: {  	_ =	swait.ge [sflag:s22], $0x4000  }
0x37: {  	[sflag:s22] =	ssyncset.done $0x0  }
0x38: {  	[sflag:s22] =	ssyncadd.s32 $0xFFFFC000  }
0x39: {  	[spmem:s10] =	stream.linear.scatter [tilespmem:s23], [sflag:$0x5], $0x4000, $0x38;
	[tilespmem:$0x1E900] =	vst v63  }
0x3a: {  	_ =	swait.ge [sflag:s22], $0x4000  }
0x3b: {  	[sflag:s22] =	ssyncset.done $0x0  }
0x3c: {  	[sflag:s22] =	ssyncadd.s32 $0xFFFFC000  }
0x3d: {  	[spmem:s11] =	stream.linear.scatter [tilespmem:s23], [sflag:$0x5], $0x4000, $0x38;
	[tilespmem:$0x1E900] =	vst v63  }
0x3e: {  	_ =	swait.ge [sflag:s22], $0x4000  }
0x3f: {  	[sflag:s22] =	ssyncset.done $0x0  }
0x40: {  	s17 =	simm.s32 $0x0;
	s9 =	rddreg [dreg:$0x5];
	[sflag:s22] =	ssyncadd.s32 $0xFFFFC000  }
0x41: {  	[tilespmem:s24], [sflag:$0x3] =	stream.linear.gather [hbm4b:s9+s17], $0x80, $0x38;
	[tilespmem:$0x1E900] =	vst v63  }
0x42: {  	_ = 	snop  }
0x43: {  	[tilespmem:s23], [sflag:$0x1] =	stream.indirect.gather [hbm4b:s1+s25], $0x80, s21, s25, $0xb8;
	[tilespmem:$0x1E900] =	vst v63  }
0x44: {  	s12 =	rddreg [dreg:$0x6]  }
0x45: {  	[tilespmem:s26], [sflag:$0x4] =	stream.linear.gather [hbm4b:s12+s17], $0x80, $0x38;
	[tilespmem:$0x1E900] =	vst v63  }
0x46: {  	s17 =	simm.s32 $0x14080  }
0x47: {  	[tilespmem:s29], [sflag:$0x2] =	stream.indirect.gather [hbm4b:s1+s25], $0x80, s17, s25, $0xb8;
	[tilespmem:$0x1E900] =	vst v63  }
0x48: {  	[bflag:$0x0] =	sbarrier.arrive $0xFFFF  }
0x49: {  	_ =	swait.ge [sflag:s30], $0x80  }
0x4a: {  	[sflag:s30] =	ssyncset.done $0x0  }
0x4b: {  	[sflag:s30] =	ssyncadd.s32 $0xFFFFFF80  }
0x4c: {  	_ =	swait.ge [sflag:s31], $0x4000  }
0x4d: {  	[sflag:s31] =	ssyncset.done $0x0  }
0x4e: {  	[sflag:s31] =	ssyncadd.s32 $0xFFFFC000  }
0x4f: {  	[spmem:s3] =	stream.indirect.scatter.add.f32 [tilespmem:s23], [sflag:$0x5], $0x80, s24, s25, $0xb8;
	[tilespmem:$0x1E900] =	vst v63  }
0x50: {  	_ =	swait.ge [sflag:s22], $0x4000  }
0x51: {  	[sflag:s22] =	ssyncset.done $0x0  }
0x52: {  	s9 =	sadd.s32 $0x0, s19;
	[sflag:s22] =	ssyncadd.s32 $0xFFFFC000  }
0x53: {  	[tilespmem:s24], [sflag:$0x3] =	stream.linear.gather [hbm4b:s9+s4], $0x80, $0x38;
	[tilespmem:$0x1E900] =	vst v63  }
0x54: {  	s12 =	simm.s32 $0x14100  }
0x55: {  	[tilespmem:s23], [sflag:$0x1] =	stream.indirect.gather [hbm4b:s1+s25], $0x80, s12, s25, $0xb8;
	[tilespmem:$0x1E900] =	vst v63  }
0x56: {  	_ =	swait.ge [sflag:s2], $0x80  }
0x57: {  	[sflag:s2] =	ssyncset.done $0x0  }
0x58: {  	[sflag:s2] =	ssyncadd.s32 $0xFFFFFF80  }
0x59: {  	_ =	swait.ge [sflag:s0], $0x4000  }
0x5a: {  	[sflag:s0] =	ssyncset.done $0x0  }
0x5b: {  	[sflag:s0] =	ssyncadd.s32 $0xFFFFC000  }
0x5c: {  	[spmem:s3] =	stream.indirect.scatter.add.f32 [tilespmem:s29], [sflag:$0x5], $0x80, s26, s25, $0xb8;
	[tilespmem:$0x1E900] =	vst v63  }
0x5d: {  	_ =	swait.ge [sflag:s22], $0x4000  }
0x5e: {  	s6 =	simm.s32 $0x20;
	s17 =	sadd.s32 $0x0, s20;
	[sflag:s22] =	ssyncset.done $0x0  }
0x5f: {  	s9 =	simm.s32 $0x14180;
	s12 =	simm.s32 $0x14200;
	[sflag:s22] =	ssyncadd.s32 $0xFFFFC000  }
0x60: {  	[tilespmem:s26], [sflag:$0x4] =	stream.linear.gather [hbm4b:s17+s4], $0x80, $0x38;
	[tilespmem:$0x1E900] =	vst v63  }
.LBB2_4:
0x61: {  	[tilespmem:s29], [sflag:$0x2] =	stream.indirect.gather [hbm4b:s1+s25], $0x80, s9, s25, $0xb8;
	[tilespmem:$0x1E900] =	vst v63  }
0x62: {  	s9 =	smov.u32 s6  }
0x63: {  	p1 =	sne.s32 s6, $0x4C0;
	s6 =	sadd.s32 $0x20, s6;
	_ =	swait.ge [sflag:s30], $0x80  }
0x64: {  	[sflag:s30] =	ssyncset.done $0x0  }
0x65: {  	[sflag:s30] =	ssyncadd.s32 $0xFFFFFF80  }
0x66: {  	_ =	swait.ge [sflag:s31], $0x4000  }
0x67: {  	[sflag:s31] =	ssyncset.done $0x0  }
0x68: {  	[sflag:s31] =	ssyncadd.s32 $0xFFFFC000  }
0x69: {  	[spmem:s3] =	stream.indirect.scatter.add.f32 [tilespmem:s23], [sflag:$0x5], $0x80, s24, s25, $0xb8;
	[tilespmem:$0x1E900] =	vst v63  }
0x6a: {  	_ =	swait.ge [sflag:s22], $0x4000  }
0x6b: {  	[sflag:s22] =	ssyncset.done $0x0  }
0x6c: {  	s17 =	sadd.s32 s9, s19;
	[sflag:s22] =	ssyncadd.s32 $0xFFFFC000  }
0x6d: {  	[tilespmem:s24], [sflag:$0x3] =	stream.linear.gather [hbm4b:s17+s4], $0x80, $0x38;
	[tilespmem:$0x1E900] =	vst v63  }
0x6e: {  	_ = 	snop  }
0x6f: {  	[tilespmem:s23], [sflag:$0x1] =	stream.indirect.gather [hbm4b:s1+s25], $0x80, s12, s25, $0xb8;
	[tilespmem:$0x1E900] =	vst v63  }
0x70: {  	_ =	swait.ge [sflag:s2], $0x80  }
0x71: {  	[sflag:s2] =	ssyncset.done $0x0  }
0x72: {  	[sflag:s2] =	ssyncadd.s32 $0xFFFFFF80  }
0x73: {  	_ =	swait.ge [sflag:s0], $0x4000  }
0x74: {  	[sflag:s0] =	ssyncset.done $0x0  }
0x75: {  	[sflag:s0] =	ssyncadd.s32 $0xFFFFC000  }
0x76: {  	[spmem:s3] =	stream.indirect.scatter.add.f32 [tilespmem:s29], [sflag:$0x5], $0x80, s26, s25, $0xb8;
	[tilespmem:$0x1E900] =	vst v63  }
.Ltmp1:
0x77: {  	_ =	swait.ge [sflag:s22], $0x4000;
	(pc) =	sbr.rel @p1 .LBB2_4-.Ltmp1, $4  }
0x78: {  	[sflag:s22] =	ssyncset.done $0x0  }
0x79: {  	s9 =	sadd.s32 s9, s20;
	[sflag:s22] =	ssyncadd.s32 $0xFFFFC000  }
0x7a: {  	[tilespmem:s26], [sflag:$0x4] =	stream.linear.gather [hbm4b:s9+s4], $0x80, $0x38;
	[tilespmem:$0x1E900] =	vst v63  }
0x7b: {  	s9 =	sadd.s32 $0x80, s12;
	s12 =	sadd.s32 $0x100, s12  }
0x7c: {  	[tilespmem:s29], [sflag:$0x2] =	stream.indirect.gather [hbm4b:s1+s25], $0x80, s9, s25, $0xb8;
	[tilespmem:$0x1E900] =	vst v63  }
0x7d: {  	_ =	swait.ge [sflag:s30], $0x80  }
0x7e: {  	[sflag:s30] =	ssyncset.done $0x0  }
0x7f: {  	[sflag:s30] =	ssyncadd.s32 $0xFFFFFF80  }
0x80: {  	_ =	swait.ge [sflag:s31], $0x4000  }
0x81: {  	[sflag:s31] =	ssyncset.done $0x0  }
0x82: {  	[sflag:s31] =	ssyncadd.s32 $0xFFFFC000  }
0x83: {  	[spmem:s3] =	stream.indirect.scatter.add.f32 [tilespmem:s23], [sflag:$0x5], $0x80, s24, s25, $0xb8;
	[tilespmem:$0x1E900] =	vst v63  }
0x84: {  	_ =	swait.ge [sflag:s22], $0x4000  }
0x85: {  	[sflag:s22] =	ssyncset.done $0x0  }
0x86: {  	[sflag:s22] =	ssyncadd.s32 $0xFFFFC000  }
0x87: {  	_ =	swait.ge [sflag:s2], $0x80  }
0x88: {  	[sflag:s2] =	ssyncset.done $0x0  }
0x89: {  	[sflag:s2] =	ssyncadd.s32 $0xFFFFFF80  }
0x8a: {  	_ =	swait.ge [sflag:s0], $0x4000  }
0x8b: {  	[sflag:s0] =	ssyncset.done $0x0  }
0x8c: {  	[sflag:s0] =	ssyncadd.s32 $0xFFFFC000  }
0x8d: {  	[spmem:s3] =	stream.indirect.scatter.add.f32 [tilespmem:s29], [sflag:$0x5], $0x80, s26, s25, $0xb8;
	[tilespmem:$0x1E900] =	vst v63  }
0x8e: {  	_ =	swait.ge [sflag:s22], $0x4000  }
0x8f: {  	[sflag:s22] =	ssyncset.done $0x0  }
0x90: {  	[sflag:s22] =	ssyncadd.s32 $0xFFFFC000  }
0x91: {  	s6 =	sshrl.u32 @p0 s5, $0x3;
	s9 =	simm.s32 @p0 $0x1FC5;
	[bflag:$0x0] =	sbarrier.arrive $0xFFFF  }
0x92: {  	[hbm:s13], [sflag:s9] =	dma.local @p0 [spmem:s6], $0x800  }
0x93: {  	s6 =	simm.s32 @p0 $0x5  }
0x94: {  	_ =	swait.ge @p0 [sflag:s6], $0x800  }
0x95: {  	[sflag:s6] =	ssyncset.done @p0 $0x0  }
0x96: {  	s12 =	sshrl.u32 @p0 s7, $0x3;
	[sflag:s6] =	ssyncadd.s32 @p0 $0xFFFFF800  }
0x97: {  	[hbm:s14], [sflag:s9] =	dma.local @p0 [spmem:s12], $0x800  }
0x98: {  	_ =	swait.ge @p0 [sflag:s6], $0x800  }
0x99: {  	[sflag:s6] =	ssyncset.done @p0 $0x0  }
0x9a: {  	s12 =	sshrl.u32 @p0 s8, $0x3;
	[sflag:s6] =	ssyncadd.s32 @p0 $0xFFFFF800  }
0x9b: {  	[hbm:s15], [sflag:s9] =	dma.local @p0 [spmem:s12], $0x800  }
0x9c: {  	_ =	swait.ge @p0 [sflag:s6], $0x800  }
0x9d: {  	[sflag:s6] =	ssyncset.done @p0 $0x0  }
0x9e: {  	s12 =	sshrl.u32 @p0 s10, $0x3;
	[sflag:s6] =	ssyncadd.s32 @p0 $0xFFFFF800  }
0x9f: {  	[hbm:s16], [sflag:s9] =	dma.local @p0 [spmem:s12], $0x100  }
0xa0: {  	s9 =	stileid.u32;
	_ =	swait.ge @p0 [sflag:s6], $0x100  }
0xa1: {  	s9 =	sshll.u32 @!p0 s9, $0x6;
	[sflag:s6] =	ssyncset.done @p0 $0x0  }
0xa2: {  	[sflag:s6] =	ssyncadd.s32 @p0 $0xFFFFFF00;
	s6 =	sor.u32 @!p0 $0x1C05, s9;
	s9 =	sshrl.u32 @!p0 s5, $0x3  }
0xa3: {  	[hbm:s13], [sflag:s6] =	dma.local @!p0 [spmem:s9], $0x800  }
0xa4: {  	s9 =	simm.s32 @!p0 $0x5  }
0xa5: {  	_ =	swait.ge @!p0 [sflag:s9], $0x800  }
0xa6: {  	[sflag:s9] =	ssyncset.done @!p0 $0x0  }
0xa7: {  	s12 =	sshrl.u32 @!p0 s7, $0x3;
	[sflag:s9] =	ssyncadd.s32 @!p0 $0xFFFFF800  }
0xa8: {  	[hbm:s14], [sflag:s6] =	dma.local @!p0 [spmem:s12], $0x800  }
0xa9: {  	_ =	swait.ge @!p0 [sflag:s9], $0x800  }
0xaa: {  	[sflag:s9] =	ssyncset.done @!p0 $0x0  }
0xab: {  	s12 =	sshrl.u32 @!p0 s8, $0x3;
	[sflag:s9] =	ssyncadd.s32 @!p0 $0xFFFFF800  }
0xac: {  	[hbm:s15], [sflag:s6] =	dma.local @!p0 [spmem:s12], $0x800  }
0xad: {  	_ =	swait.ge @!p0 [sflag:s9], $0x800  }
0xae: {  	[sflag:s9] =	ssyncset.done @!p0 $0x0  }
0xaf: {  	s12 =	sshrl.u32 @!p0 s10, $0x3;
	[sflag:s9] =	ssyncadd.s32 @!p0 $0xFFFFF800  }
0xb0: {  	[hbm:s16], [sflag:s6] =	dma.local @!p0 [spmem:s12], $0x800  }
0xb1: {  	s28 =	sadd.s32 $0x1, s28;
	_ =	swait.ge @!p0 [sflag:s9], $0x800  }
0xb2: {  	p1 =	sne.s32 s28, s18;
	s12 =	sshrl.u32 @!p0 s11, $0x3;
	[sflag:s9] =	ssyncset.done @!p0 $0x0  }
.Ltmp2:
0xb3: {  	s17 =	rddreg [dreg:$0x7];
	[sflag:s9] =	ssyncadd.s32 @!p0 $0xFFFFF800;
	(pc) =	sbr.rel @p1 .LBB2_1-.Ltmp2, $4  }
0xb4: {  	[hbm:s17], [sflag:s6] =	dma.local @!p0 [spmem:s12], $0x800  }
0xb5: {  	_ =	swait.ge @!p0 [sflag:s9], $0x800  }
0xb6: {  	[sflag:s9] =	ssyncset.done @!p0 $0x0  }
0xb7: {  	[sflag:s9] =	ssyncadd.s32 @!p0 $0xFFFFF800  }
0xb8: {  	_ =	sfence.sel $0x180000  }
0xb9: {  	[bflag:$0x0] =	sbarrier.arrive $0xFFFF  }
0xba: {  	_ =	strace $0x9000004A  }
0xbb: {  	s0 =	stileid.u32;
	[bflag:$0x2] =	sbarrier.arrive $0xFFFF  }
0xbc: {  	p0 =	sne.s32 s0, $0x0;
	s0 =	rddreg [dreg:$0x3]  }
0xbd: {  	s0 =	sadd.s32 @!p0 $0x100000, s0  }
0xbe: {  	[sflag:s0] =	ssyncadd.tile.s32 @!p0 $0x1;
	_ =	shalt  }
.Lfunc_end2:
_tile_overlayer_lowered:
.L_overlay_start_2:
0xbf: {  	(tag) =	ssettag $0x2  }
0xc0: {  	s0 =	rddreg [dreg:$0x0];
	s2 =	stileid.u32  }
0xc1: {  	s1 =	rddreg [dreg:$0x1];
	p0 =	sne.s32 s2, $0x0  }
0xc2: {  	s3 =	rddreg [dreg:$0x2];
	[bflag:$0x3] =	sbarrier.arrive $0xFFFF;
	s2 =	simm.s32 @!p0 $0x1C05  }
0xc3: {  	[timem:s3], [sflag:s2] =	dma.local @!p0 [hbm:s0], s1  }
0xc4: {  	s0 =	simm.s32 @!p0 $0x5  }
0xc5: {  	_ =	swait.ge @!p0 [sflag:s0], s1  }
0xc6: {  	s1 =	ssub.s32 @!p0 $0x0, s1;
	[sflag:s0] =	ssyncset.done @!p0 $0x0  }
0xc7: {  	[sflag:s0] =	ssyncadd.s32 @!p0 s1  }
0xc8: {  	[bflag:$0x3] =	sbarrier.arrive $0xFFFF  }
0xc9: {  	_ =	shalt  }

</sc_bundles>
